<compile_context>
chip_gen: v7x
topology: tpu7x:2x2x1
jax: 0.10.2.dev20260603
libtpu: 0.0.44.dev20260713+nightly
codegen_flags: <defaults>
</compile_context>

<pallas_src>
import functools

import jax
import jax.numpy as jnp
from jax import lax
from jax.experimental import pallas as pl
from jax.experimental.pallas import tpu as pltpu
from jax.experimental.pallas import tpu_sc as plsc

_DIM = 64
_L = 16
_GC = 128
_BLK = 16384
_B8 = _BLK // 8


def _pack_table(weight_t):
    n = weight_t.shape[1]
    ng = (n + _BLK - 1) // _BLK

    def body(x_ref, o_ref):
        p = pltpu.bitcast(x_ref[...].astype(jnp.uint8), jnp.int32)
        pieces = [p[:, s * _B8:(s + 1) * _B8] for s in range(8)]
        o_ref[...] = jnp.swapaxes(jnp.concatenate(pieces, axis=0), 0, 1)

    return pl.pallas_call(
        body,
        grid=(ng,),
        in_specs=[pl.BlockSpec((_DIM, _BLK), lambda g: (0, g))],
        out_specs=pl.BlockSpec((_B8, 2 * _DIM), lambda g: (g, 0)),
        out_shape=jax.ShapeDtypeStruct((ng * _B8, 2 * _DIM), jnp.int32),
    )(weight_t)


def _make_kernel(batch, n_rows_packed, n_blocks_padded):
    info = plsc.get_sparse_core_info()
    nw = info.num_cores * info.num_subcores
    b_per_w = batch // nw
    nch = b_per_w // _GC
    mesh = plsc.VectorSubcoreMesh(core_axis_name="c", subcore_axis_name="s")

    @functools.partial(
        pl.kernel,
        mesh=mesh,
        out_type=jax.ShapeDtypeStruct((batch * _DIM,), jnp.float32),
        scratch_types=[
            pltpu.VMEM((nch, _GC), jnp.int32),
            pltpu.VMEM((nch, _GC), jnp.int32),
            pltpu.VMEM((b_per_w, 2 * _DIM), jnp.int32),
            pltpu.VMEM((256,), jnp.float32),
            pltpu.VMEM((n_blocks_padded,), jnp.float32),
            pltpu.VMEM((b_per_w,), jnp.float32),
            pltpu.VMEM((b_per_w * _DIM,), jnp.float32),
            pltpu.SemaphoreType.DMA,
        ],
        compiler_params=pltpu.CompilerParams(needs_layout_passes=False),
    )
    def k(idx_hbm, w_hbm, amax_hbm, code_hbm, out_hbm,
          idx_v, pidx_v, rows_v, code_v, amax_v, arow_v, out_f, sem):
        wid = lax.axis_index("s") * info.num_cores + lax.axis_index("c")
        base = wid * b_per_w

        for g in range(nch):
            pltpu.sync_copy(idx_hbm.at[pl.ds(base + g * _GC, _GC)],
                            idx_v.at[g])
        pltpu.sync_copy(code_hbm, code_v)

        m1023 = jnp.full((_L,), _B8 - 1, jnp.int32)
        for g in range(nch):
            for j in range(_GC // _L):
                iv = idx_v[g, pl.ds(j * _L, _L)]
                pv = jax.lax.shift_left(
                    jax.lax.shift_right_logical(iv, 14), 11) | (iv & m1023)
                pidx_v[g, pl.ds(j * _L, _L)] = pv

        copies = []
        for g in range(nch):
            copies.append(
                pltpu.async_copy(w_hbm.at[pidx_v.at[g]],
                                 rows_v.at[pl.ds(g * _GC, _GC)], sem))

        pltpu.sync_copy(amax_hbm, amax_v)

        for g in range(nch):
            for j in range(_GC // _L):
                iv = idx_v[g, pl.ds(j * _L, _L)]
                blk = jax.lax.shift_right_logical(iv, 6)
                arow_v[pl.ds(g * _GC + j * _L, _L)] = (
                    plsc.load_gather(amax_v, [blk]))

        for c in copies:
            c.wait()

        iota4 = lax.iota(jnp.int32, _L) * 4
        mask = jnp.full((_L,), 255, jnp.int32)
        m7 = jnp.full((_L,), 7, jnp.int32)

        def grp_body(j, carry):
            row0 = j * _L
            av = arow_v[pl.ds(row0, _L)]
            g = j // (_GC // _L)
            jj = j % (_GC // _L)
            iv = idx_v[g, pl.ds(jj * _L, _L)]
            off = jax.lax.shift_left(
                jax.lax.shift_right_logical(iv, 11) & m7, 4)
            for r in range(_L):
                a = av[r]
                w = rows_v[row0 + r, pl.ds(off[r], _L)]
                ob = (row0 + r) * _DIM + iota4
                for b in range(4):
                    cw = jax.lax.shift_right_logical(w, 8 * b) & mask
                    v = plsc.load_gather(code_v, [cw]) * a
                    plsc.store_scatter(out_f, [ob + b], v)
            return carry

        lax.fori_loop(0, b_per_w // _L, grp_body, 0)

        pltpu.sync_copy(out_f, out_hbm.at[pl.ds(base * _DIM, b_per_w * _DIM)])

    return k


def kernel(input, weight, absmax, code):
    n_blocks = absmax.shape[0]
    pad = (-n_blocks) % _L
    amax_padded = jnp.concatenate(
        [absmax, jnp.zeros((pad,), absmax.dtype)]) if pad else absmax
    wp = _pack_table(weight.T)
    k = _make_kernel(input.shape[0], wp.shape[0], n_blocks + pad)
    out_flat = k(input, wp, amax_padded, code)
    return out_flat.reshape(input.shape[0], _DIM)

# --- scband reference (transcript-rebuilt; emitter-appended) ---
"""Pipeline reference for scband-frozen-bnbembedding-8392366096544 (READ-ONLY COPY).

The authoritative reference and input builder live on the scoring server;
editing this copy changes nothing except your own understanding.
"""

import jax, jax.numpy as jnp
import numpy as np

BLOCK = 4096
NUM_EMB, DIM = 1000000, 64
BATCH = 16384


def setup_inputs(seed: int = 0) -> dict:
    key = jax.random.key(seed)
    k1, k2, k3, k4 = jax.random.split(key, 4)
    inp = jax.random.randint(k1, (BATCH,), 0, NUM_EMB, dtype=jnp.int32)
    # quantized int8 codes stored as int32 indices into the 256-entry codebook
    weight = jax.random.randint(k2, (NUM_EMB, DIM), 0, 256, dtype=jnp.int32)
    n_blocks = (NUM_EMB * DIM) // BLOCK
    absmax = jax.random.uniform(k3, (n_blocks,), dtype=jnp.float32)
    code = jax.random.normal(k4, (256,), dtype=jnp.float32)
    return {"input": inp, "weight": weight, "absmax": absmax, "code": code}


def dequantize_blockwise(weight, absmax, code):
    flat = weight.reshape(-1)
    # per-element codebook lookup (gather), then per-block scale
    deq = jnp.take(code, flat, axis=0)
    deq = deq.reshape(-1, BLOCK) * absmax[:, None]
    return deq.reshape(weight.shape)


def reference(input, weight, absmax, code):
    # FrozenBNBEmbedding.forward: dequantize full table, then F.embedding gather
    weight_deq = dequantize_blockwise(weight, absmax, code)
    output = jnp.take(weight_deq, input, axis=0)
    return output

if __name__ == "__main__":
    import jax
    _d = setup_inputs()
    print(jax.jit(kernel)(*tuple(_d.values())))

</pallas_src>

<mosaic_0001>
#map = affine_map<(d0, d1) -> (0)>
#map1 = affine_map<(d0, d1) -> (0, 0)>
module attributes {stable_mosaic.version = 14 : i64} {
  func.func @k(%arg0: i32, %arg1: i32, %arg2: memref<16384xi32, #tpu.memory_space<hbm>>, %arg3: memref<126976x128xi32, #tpu.memory_space<hbm>>, %arg4: memref<15632xf32, #tpu.memory_space<hbm>>, %arg5: memref<256xf32, #tpu.memory_space<hbm>>, %arg6: memref<1048576xf32, #tpu.memory_space<hbm>>, %arg7: memref<4x128xi32, #tpu.memory_space<vmem>>, %arg8: memref<4x128xi32, #tpu.memory_space<vmem>>, %arg9: memref<512x128xi32, #tpu.memory_space<vmem>>, %arg10: memref<256xf32, #tpu.memory_space<vmem>>, %arg11: memref<15632xf32, #tpu.memory_space<vmem>>, %arg12: memref<512xf32, #tpu.memory_space<vmem>>, %arg13: memref<32768xf32, #tpu.memory_space<vmem>>, %arg14: memref<!tpu.dma_semaphore, #tpu.memory_space<semaphore_mem>>) attributes {dimension_semantics = [#tpu.dimension_semantics<core_parallel>, #tpu.dimension_semantics<subcore_parallel>], iteration_bounds = array<i64: 2, 16>, scalar_prefetch = 0 : i64, scratch_operands = 8 : i64, tpu.core_type = #tpu.core_type<sc_vector_subcore>, window_params = [{transform_indices = #map}, {transform_indices = #map1}, {transform_indices = #map}, {transform_indices = #map}, {transform_indices = #map}]} {
    %mul3A = arith.constant 2 : i32
    %mul3A_0 = arith.muli %arg1, %mul3A : i32
    %add3A = arith.addi %mul3A_0, %arg0 : i32
    %mul3A_1 = arith.constant 512 : i32
    %mul3A_2 = arith.muli %add3A, %mul3A_1 : i32
    %add3A_3 = arith.constant 0 : i32
    %add3A_4 = arith.addi %mul3A_2, %add3A_3 : i32
    %run_scoped3A = arith.constant 0 : i32
    "tpu.region"() ({
      %run_scoped3A_932 = tpu.sem_alloc : memref<!tpu.dma_semaphore, #tpu.memory_space<semaphore_mem>>
      %dma_start3A_933 = arith.constant 0 : i32
      %dma_start3A_934 = tpu.memref_slice %arg7[%run_scoped3A, %dma_start3A_933] : memref<4x128xi32, #tpu.memory_space<vmem>> -> memref<1x128xi32, #tpu.memory_space<vmem>>
      %dma_start3A_935 = tpu.memref_squeeze %dma_start3A_934 : memref<1x128xi32, #tpu.memory_space<vmem>> -> memref<128xi32, #tpu.memory_space<vmem>>
      %dma_start3A_936 = tpu.memref_slice %arg2[%add3A_4] : memref<16384xi32, #tpu.memory_space<hbm>> -> memref<128xi32, #tpu.memory_space<hbm>>
      %dma_start3A_937 = arith.constant 0 : i32
      %dma_start3A_938 = tpu.memref_slice %arg7[%run_scoped3A, %dma_start3A_937] : memref<4x128xi32, #tpu.memory_space<vmem>> -> memref<1x128xi32, #tpu.memory_space<vmem>>
      %dma_start3A_939 = tpu.memref_squeeze %dma_start3A_938 : memref<1x128xi32, #tpu.memory_space<vmem>> -> memref<128xi32, #tpu.memory_space<vmem>>
      %dma_start3A_940 = tpu.memref_slice %arg2[%add3A_4] : memref<16384xi32, #tpu.memory_space<hbm>> -> memref<128xi32, #tpu.memory_space<hbm>>
      tpu.enqueue_dma source(%dma_start3A_940 : memref<128xi32, #tpu.memory_space<hbm>>) target(%dma_start3A_939 : memref<128xi32, #tpu.memory_space<vmem>>) target_semaphore(%run_scoped3A_932 : memref<!tpu.dma_semaphore, #tpu.memory_space<semaphore_mem>>)
      %dma_wait3A_941 = arith.constant 0 : i32
      %dma_wait3A_942 = tpu.memref_slice %arg7[%run_scoped3A, %dma_wait3A_941] : memref<4x128xi32, #tpu.memory_space<vmem>> -> memref<1x128xi32, #tpu.memory_space<vmem>>
      %dma_wait3A_943 = tpu.memref_squeeze %dma_wait3A_942 : memref<1x128xi32, #tpu.memory_space<vmem>> -> memref<128xi32, #tpu.memory_space<vmem>>
      %dma_wait3A_944 = tpu.memref_slice %arg2[%add3A_4] : memref<16384xi32, #tpu.memory_space<hbm>> -> memref<128xi32, #tpu.memory_space<hbm>>
      %dma_wait3A_945 = arith.constant 0 : i32
      %dma_wait3A_946 = tpu.memref_slice %arg7[%run_scoped3A, %dma_wait3A_945] : memref<4x128xi32, #tpu.memory_space<vmem>> -> memref<1x128xi32, #tpu.memory_space<vmem>>
      %dma_wait3A_947 = tpu.memref_squeeze %dma_wait3A_946 : memref<1x128xi32, #tpu.memory_space<vmem>> -> memref<128xi32, #tpu.memory_space<vmem>>
      %dma_wait3A_948 = tpu.memref_slice %arg2[%add3A_4] : memref<16384xi32, #tpu.memory_space<hbm>> -> memref<128xi32, #tpu.memory_space<hbm>>
      tpu.wait_dma2 semaphore(%run_scoped3A_932 : memref<!tpu.dma_semaphore, #tpu.memory_space<semaphore_mem>>) src(%dma_wait3A_948 : memref<128xi32, #tpu.memory_space<hbm>>) dst(%dma_wait3A_947 : memref<128xi32, #tpu.memory_space<vmem>>)
      tpu.yield
    }) : () -> ()
    %add3A_5 = arith.constant 128 : i32
    %add3A_6 = arith.addi %mul3A_2, %add3A_5 : i32
    %run_scoped3A_7 = arith.constant 1 : i32
    "tpu.region"() ({
      %run_scoped3A_932 = tpu.sem_alloc : memref<!tpu.dma_semaphore, #tpu.memory_space<semaphore_mem>>
      %dma_start3A_933 = arith.constant 0 : i32
      %dma_start3A_934 = tpu.memref_slice %arg7[%run_scoped3A_7, %dma_start3A_933] : memref<4x128xi32, #tpu.memory_space<vmem>> -> memref<1x128xi32, #tpu.memory_space<vmem>>
      %dma_start3A_935 = tpu.memref_squeeze %dma_start3A_934 : memref<1x128xi32, #tpu.memory_space<vmem>> -> memref<128xi32, #tpu.memory_space<vmem>>
      %dma_start3A_936 = tpu.memref_slice %arg2[%add3A_6] : memref<16384xi32, #tpu.memory_space<hbm>> -> memref<128xi32, #tpu.memory_space<hbm>>
      %dma_start3A_937 = arith.constant 0 : i32
      %dma_start3A_938 = tpu.memref_slice %arg7[%run_scoped3A_7, %dma_start3A_937] : memref<4x128xi32, #tpu.memory_space<vmem>> -> memref<1x128xi32, #tpu.memory_space<vmem>>
      %dma_start3A_939 = tpu.memref_squeeze %dma_start3A_938 : memref<1x128xi32, #tpu.memory_space<vmem>> -> memref<128xi32, #tpu.memory_space<vmem>>
      %dma_start3A_940 = tpu.memref_slice %arg2[%add3A_6] : memref<16384xi32, #tpu.memory_space<hbm>> -> memref<128xi32, #tpu.memory_space<hbm>>
      tpu.enqueue_dma source(%dma_start3A_940 : memref<128xi32, #tpu.memory_space<hbm>>) target(%dma_start3A_939 : memref<128xi32, #tpu.memory_space<vmem>>) target_semaphore(%run_scoped3A_932 : memref<!tpu.dma_semaphore, #tpu.memory_space<semaphore_mem>>)
      %dma_wait3A_941 = arith.constant 0 : i32
      %dma_wait3A_942 = tpu.memref_slice %arg7[%run_scoped3A_7, %dma_wait3A_941] : memref<4x128xi32, #tpu.memory_space<vmem>> -> memref<1x128xi32, #tpu.memory_space<vmem>>
      %dma_wait3A_943 = tpu.memref_squeeze %dma_wait3A_942 : memref<1x128xi32, #tpu.memory_space<vmem>> -> memref<128xi32, #tpu.memory_space<vmem>>
      %dma_wait3A_944 = tpu.memref_slice %arg2[%add3A_6] : memref<16384xi32, #tpu.memory_space<hbm>> -> memref<128xi32, #tpu.memory_space<hbm>>
      %dma_wait3A_945 = arith.constant 0 : i32
      %dma_wait3A_946 = tpu.memref_slice %arg7[%run_scoped3A_7, %dma_wait3A_945] : memref<4x128xi32, #tpu.memory_space<vmem>> -> memref<1x128xi32, #tpu.memory_space<vmem>>
      %dma_wait3A_947 = tpu.memref_squeeze %dma_wait3A_946 : memref<1x128xi32, #tpu.memory_space<vmem>> -> memref<128xi32, #tpu.memory_space<vmem>>
      %dma_wait3A_948 = tpu.memref_slice %arg2[%add3A_6] : memref<16384xi32, #tpu.memory_space<hbm>> -> memref<128xi32, #tpu.memory_space<hbm>>
      tpu.wait_dma2 semaphore(%run_scoped3A_932 : memref<!tpu.dma_semaphore, #tpu.memory_space<semaphore_mem>>) src(%dma_wait3A_948 : memref<128xi32, #tpu.memory_space<hbm>>) dst(%dma_wait3A_947 : memref<128xi32, #tpu.memory_space<vmem>>)
      tpu.yield
    }) : () -> ()
    %add3A_8 = arith.constant 256 : i32
    %add3A_9 = arith.addi %mul3A_2, %add3A_8 : i32
    %run_scoped3A_10 = arith.constant 2 : i32
    "tpu.region"() ({
      %run_scoped3A_932 = tpu.sem_alloc : memref<!tpu.dma_semaphore, #tpu.memory_space<semaphore_mem>>
      %dma_start3A_933 = arith.constant 0 : i32
      %dma_start3A_934 = tpu.memref_slice %arg7[%run_scoped3A_10, %dma_start3A_933] : memref<4x128xi32, #tpu.memory_space<vmem>> -> memref<1x128xi32, #tpu.memory_space<vmem>>
      %dma_start3A_935 = tpu.memref_squeeze %dma_start3A_934 : memref<1x128xi32, #tpu.memory_space<vmem>> -> memref<128xi32, #tpu.memory_space<vmem>>
      %dma_start3A_936 = tpu.memref_slice %arg2[%add3A_9] : memref<16384xi32, #tpu.memory_space<hbm>> -> memref<128xi32, #tpu.memory_space<hbm>>
      %dma_start3A_937 = arith.constant 0 : i32
      %dma_start3A_938 = tpu.memref_slice %arg7[%run_scoped3A_10, %dma_start3A_937] : memref<4x128xi32, #tpu.memory_space<vmem>> -> memref<1x128xi32, #tpu.memory_space<vmem>>
      %dma_start3A_939 = tpu.memref_squeeze %dma_start3A_938 : memref<1x128xi32, #tpu.memory_space<vmem>> -> memref<128xi32, #tpu.memory_space<vmem>>
      %dma_start3A_940 = tpu.memref_slice %arg2[%add3A_9] : memref<16384xi32, #tpu.memory_space<hbm>> -> memref<128xi32, #tpu.memory_space<hbm>>
      tpu.enqueue_dma source(%dma_start3A_940 : memref<128xi32, #tpu.memory_space<hbm>>) target(%dma_start3A_939 : memref<128xi32, #tpu.memory_space<vmem>>) target_semaphore(%run_scoped3A_932 : memref<!tpu.dma_semaphore, #tpu.memory_space<semaphore_mem>>)
      %dma_wait3A_941 = arith.constant 0 : i32
      %dma_wait3A_942 = tpu.memref_slice %arg7[%run_scoped3A_10, %dma_wait3A_941] : memref<4x128xi32, #tpu.memory_space<vmem>> -> memref<1x128xi32, #tpu.memory_space<vmem>>
      %dma_wait3A_943 = tpu.memref_squeeze %dma_wait3A_942 : memref<1x128xi32, #tpu.memory_space<vmem>> -> memref<128xi32, #tpu.memory_space<vmem>>
      %dma_wait3A_944 = tpu.memref_slice %arg2[%add3A_9] : memref<16384xi32, #tpu.memory_space<hbm>> -> memref<128xi32, #tpu.memory_space<hbm>>
      %dma_wait3A_945 = arith.constant 0 : i32
      %dma_wait3A_946 = tpu.memref_slice %arg7[%run_scoped3A_10, %dma_wait3A_945] : memref<4x128xi32, #tpu.memory_space<vmem>> -> memref<1x128xi32, #tpu.memory_space<vmem>>
      %dma_wait3A_947 = tpu.memref_squeeze %dma_wait3A_946 : memref<1x128xi32, #tpu.memory_space<vmem>> -> memref<128xi32, #tpu.memory_space<vmem>>
      %dma_wait3A_948 = tpu.memref_slice %arg2[%add3A_9] : memref<16384xi32, #tpu.memory_space<hbm>> -> memref<128xi32, #tpu.memory_space<hbm>>
      tpu.wait_dma2 semaphore(%run_scoped3A_932 : memref<!tpu.dma_semaphore, #tpu.memory_space<semaphore_mem>>) src(%dma_wait3A_948 : memref<128xi32, #tpu.memory_space<hbm>>) dst(%dma_wait3A_947 : memref<128xi32, #tpu.memory_space<vmem>>)
      tpu.yield
    }) : () -> ()
    %add3A_11 = arith.constant 384 : i32
    %add3A_12 = arith.addi %mul3A_2, %add3A_11 : i32
    %run_scoped3A_13 = arith.constant 3 : i32
    "tpu.region"() ({
      %run_scoped3A_932 = tpu.sem_alloc : memref<!tpu.dma_semaphore, #tpu.memory_space<semaphore_mem>>
      %dma_start3A_933 = arith.constant 0 : i32
      %dma_start3A_934 = tpu.memref_slice %arg7[%run_scoped3A_13, %dma_start3A_933] : memref<4x128xi32, #tpu.memory_space<vmem>> -> memref<1x128xi32, #tpu.memory_space<vmem>>
      %dma_start3A_935 = tpu.memref_squeeze %dma_start3A_934 : memref<1x128xi32, #tpu.memory_space<vmem>> -> memref<128xi32, #tpu.memory_space<vmem>>
      %dma_start3A_936 = tpu.memref_slice %arg2[%add3A_12] : memref<16384xi32, #tpu.memory_space<hbm>> -> memref<128xi32, #tpu.memory_space<hbm>>
      %dma_start3A_937 = arith.constant 0 : i32
      %dma_start3A_938 = tpu.memref_slice %arg7[%run_scoped3A_13, %dma_start3A_937] : memref<4x128xi32, #tpu.memory_space<vmem>> -> memref<1x128xi32, #tpu.memory_space<vmem>>
      %dma_start3A_939 = tpu.memref_squeeze %dma_start3A_938 : memref<1x128xi32, #tpu.memory_space<vmem>> -> memref<128xi32, #tpu.memory_space<vmem>>
      %dma_start3A_940 = tpu.memref_slice %arg2[%add3A_12] : memref<16384xi32, #tpu.memory_space<hbm>> -> memref<128xi32, #tpu.memory_space<hbm>>
      tpu.enqueue_dma source(%dma_start3A_940 : memref<128xi32, #tpu.memory_space<hbm>>) target(%dma_start3A_939 : memref<128xi32, #tpu.memory_space<vmem>>) target_semaphore(%run_scoped3A_932 : memref<!tpu.dma_semaphore, #tpu.memory_space<semaphore_mem>>)
      %dma_wait3A_941 = arith.constant 0 : i32
      %dma_wait3A_942 = tpu.memref_slice %arg7[%run_scoped3A_13, %dma_wait3A_941] : memref<4x128xi32, #tpu.memory_space<vmem>> -> memref<1x128xi32, #tpu.memory_space<vmem>>
      %dma_wait3A_943 = tpu.memref_squeeze %dma_wait3A_942 : memref<1x128xi32, #tpu.memory_space<vmem>> -> memref<128xi32, #tpu.memory_space<vmem>>
      %dma_wait3A_944 = tpu.memref_slice %arg2[%add3A_12] : memref<16384xi32, #tpu.memory_space<hbm>> -> memref<128xi32, #tpu.memory_space<hbm>>
      %dma_wait3A_945 = arith.constant 0 : i32
      %dma_wait3A_946 = tpu.memref_slice %arg7[%run_scoped3A_13, %dma_wait3A_945] : memref<4x128xi32, #tpu.memory_space<vmem>> -> memref<1x128xi32, #tpu.memory_space<vmem>>
      %dma_wait3A_947 = tpu.memref_squeeze %dma_wait3A_946 : memref<1x128xi32, #tpu.memory_space<vmem>> -> memref<128xi32, #tpu.memory_space<vmem>>
      %dma_wait3A_948 = tpu.memref_slice %arg2[%add3A_12] : memref<16384xi32, #tpu.memory_space<hbm>> -> memref<128xi32, #tpu.memory_space<hbm>>
      tpu.wait_dma2 semaphore(%run_scoped3A_932 : memref<!tpu.dma_semaphore, #tpu.memory_space<semaphore_mem>>) src(%dma_wait3A_948 : memref<128xi32, #tpu.memory_space<hbm>>) dst(%dma_wait3A_947 : memref<128xi32, #tpu.memory_space<vmem>>)
      tpu.yield
    }) : () -> ()
    "tpu.region"() ({
      %run_scoped3A_932 = tpu.sem_alloc : memref<!tpu.dma_semaphore, #tpu.memory_space<semaphore_mem>>
      tpu.enqueue_dma source(%arg5 : memref<256xf32, #tpu.memory_space<hbm>>) target(%arg10 : memref<256xf32, #tpu.memory_space<vmem>>) target_semaphore(%run_scoped3A_932 : memref<!tpu.dma_semaphore, #tpu.memory_space<semaphore_mem>>)
      tpu.wait_dma2 semaphore(%run_scoped3A_932 : memref<!tpu.dma_semaphore, #tpu.memory_space<semaphore_mem>>) src(%arg5 : memref<256xf32, #tpu.memory_space<hbm>>) dst(%arg10 : memref<256xf32, #tpu.memory_space<vmem>>)
      tpu.yield
    }) : () -> ()
    %broadcast_in_dim3A = arith.constant 2047 : i32
    %broadcast_in_dim3A_14 = vector.broadcast %broadcast_in_dim3A : i32 to vector<16xi32>
    %get3A = arith.constant 0 : i32
    %get3A_15 = arith.index_cast %get3A : i32 to index
    %get3A_16 = arith.constant 0 : index
    %get3A_17 = tpu.vector_load %arg7[%get3A_15, %get3A_16] {strides = array<i32>} : memref<4x128xi32, #tpu.memory_space<vmem>>, vector<16xi32>,
    %shift_right_logical3A = arith.constant 14 : i32
    %shift_right_logical3A_18 = vector.broadcast %shift_right_logical3A : i32 to vector<16xi32>
    %shift_right_logical3A_19 = arith.shrui %get3A_17, %shift_right_logical3A_18 : vector<16xi32>
    %shift_left3A = arith.constant 11 : i32
    %shift_left3A_20 = vector.broadcast %shift_left3A : i32 to vector<16xi32>
    %shift_left3A_21 = arith.shli %shift_right_logical3A_19, %shift_left3A_20 : vector<16xi32>
    %and3A = arith.andi %get3A_17, %broadcast_in_dim3A_14 : vector<16xi32>
    %or3A = arith.ori %shift_left3A_21, %and3A : vector<16xi32>
    %swap3A = arith.constant 0 : i32
    %swap3A_22 = arith.index_cast %swap3A : i32 to index
    %swap3A_23 = arith.constant 0 : index
    %swap3A_24 = tpu.vector_load %arg8[%swap3A_22, %swap3A_23] {strides = array<i32>} : memref<4x128xi32, #tpu.memory_space<vmem>>, vector<16xi32>,
    tpu.vector_store %arg8[%swap3A_22, %swap3A_23], %or3A {strides = array<i32>} : memref<4x128xi32, #tpu.memory_space<vmem>>, vector<16xi32>,
    %get3A_25 = arith.constant 0 : i32
    %get3A_26 = arith.index_cast %get3A_25 : i32 to index
    %get3A_27 = arith.constant 16 : index
    %get3A_28 = tpu.vector_load %arg7[%get3A_26, %get3A_27] {strides = array<i32>} : memref<4x128xi32, #tpu.memory_space<vmem>>, vector<16xi32>,
    %shift_right_logical3A_29 = arith.constant 14 : i32
    %shift_right_logical3A_30 = vector.broadcast %shift_right_logical3A_29 : i32 to vector<16xi32>
    %shift_right_logical3A_31 = arith.shrui %get3A_28, %shift_right_logical3A_30 : vector<16xi32>
    %shift_left3A_32 = arith.constant 11 : i32
    %shift_left3A_33 = vector.broadcast %shift_left3A_32 : i32 to vector<16xi32>
    %shift_left3A_34 = arith.shli %shift_right_logical3A_31, %shift_left3A_33 : vector<16xi32>
    %and3A_35 = arith.andi %get3A_28, %broadcast_in_dim3A_14 : vector<16xi32>
    %or3A_36 = arith.ori %shift_left3A_34, %and3A_35 : vector<16xi32>
    %swap3A_37 = arith.constant 0 : i32
    %swap3A_38 = arith.index_cast %swap3A_37 : i32 to index
    %swap3A_39 = arith.constant 16 : index
    %swap3A_40 = tpu.vector_load %arg8[%swap3A_38, %swap3A_39] {strides = array<i32>} : memref<4x128xi32, #tpu.memory_space<vmem>>, vector<16xi32>,
    tpu.vector_store %arg8[%swap3A_38, %swap3A_39], %or3A_36 {strides = array<i32>} : memref<4x128xi32, #tpu.memory_space<vmem>>, vector<16xi32>,
    %get3A_41 = arith.constant 0 : i32
    %get3A_42 = arith.index_cast %get3A_41 : i32 to index
    %get3A_43 = arith.constant 32 : index
    %get3A_44 = tpu.vector_load %arg7[%get3A_42, %get3A_43] {strides = array<i32>} : memref<4x128xi32, #tpu.memory_space<vmem>>, vector<16xi32>,
    %shift_right_logical3A_45 = arith.constant 14 : i32
    %shift_right_logical3A_46 = vector.broadcast %shift_right_logical3A_45 : i32 to vector<16xi32>
    %shift_right_logical3A_47 = arith.shrui %get3A_44, %shift_right_logical3A_46 : vector<16xi32>
    %shift_left3A_48 = arith.constant 11 : i32
    %shift_left3A_49 = vector.broadcast %shift_left3A_48 : i32 to vector<16xi32>
    %shift_left3A_50 = arith.shli %shift_right_logical3A_47, %shift_left3A_49 : vector<16xi32>
    %and3A_51 = arith.andi %get3A_44, %broadcast_in_dim3A_14 : vector<16xi32>
    %or3A_52 = arith.ori %shift_left3A_50, %and3A_51 : vector<16xi32>
    %swap3A_53 = arith.constant 0 : i32
    %swap3A_54 = arith.index_cast %swap3A_53 : i32 to index
    %swap3A_55 = arith.constant 32 : index
    %swap3A_56 = tpu.vector_load %arg8[%swap3A_54, %swap3A_55] {strides = array<i32>} : memref<4x128xi32, #tpu.memory_space<vmem>>, vector<16xi32>,
    tpu.vector_store %arg8[%swap3A_54, %swap3A_55], %or3A_52 {strides = array<i32>} : memref<4x128xi32, #tpu.memory_space<vmem>>, vector<16xi32>,
    %get3A_57 = arith.constant 0 : i32
    %get3A_58 = arith.index_cast %get3A_57 : i32 to index
    %get3A_59 = arith.constant 48 : index
    %get3A_60 = tpu.vector_load %arg7[%get3A_58, %get3A_59] {strides = array<i32>} : memref<4x128xi32, #tpu.memory_space<vmem>>, vector<16xi32>,
    %shift_right_logical3A_61 = arith.constant 14 : i32
    %shift_right_logical3A_62 = vector.broadcast %shift_right_logical3A_61 : i32 to vector<16xi32>
    %shift_right_logical3A_63 = arith.shrui %get3A_60, %shift_right_logical3A_62 : vector<16xi32>
    %shift_left3A_64 = arith.constant 11 : i32
    %shift_left3A_65 = vector.broadcast %shift_left3A_64 : i32 to vector<16xi32>
    %shift_left3A_66 = arith.shli %shift_right_logical3A_63, %shift_left3A_65 : vector<16xi32>
    %and3A_67 = arith.andi %get3A_60, %broadcast_in_dim3A_14 : vector<16xi32>
    %or3A_68 = arith.ori %shift_left3A_66, %and3A_67 : vector<16xi32>
    %swap3A_69 = arith.constant 0 : i32
    %swap3A_70 = arith.index_cast %swap3A_69 : i32 to index
    %swap3A_71 = arith.constant 48 : index
    %swap3A_72 = tpu.vector_load %arg8[%swap3A_70, %swap3A_71] {strides = array<i32>} : memref<4x128xi32, #tpu.memory_space<vmem>>, vector<16xi32>,
    tpu.vector_store %arg8[%swap3A_70, %swap3A_71], %or3A_68 {strides = array<i32>} : memref<4x128xi32, #tpu.memory_space<vmem>>, vector<16xi32>,
    %get3A_73 = arith.constant 0 : i32
    %get3A_74 = arith.index_cast %get3A_73 : i32 to index
    %get3A_75 = arith.constant 64 : index
    %get3A_76 = tpu.vector_load %arg7[%get3A_74, %get3A_75] {strides = array<i32>} : memref<4x128xi32, #tpu.memory_space<vmem>>, vector<16xi32>,
    %shift_right_logical3A_77 = arith.constant 14 : i32
    %shift_right_logical3A_78 = vector.broadcast %shift_right_logical3A_77 : i32 to vector<16xi32>
    %shift_right_logical3A_79 = arith.shrui %get3A_76, %shift_right_logical3A_78 : vector<16xi32>
    %shift_left3A_80 = arith.constant 11 : i32
    %shift_left3A_81 = vector.broadcast %shift_left3A_80 : i32 to vector<16xi32>
    %shift_left3A_82 = arith.shli %shift_right_logical3A_79, %shift_left3A_81 : vector<16xi32>
    %and3A_83 = arith.andi %get3A_76, %broadcast_in_dim3A_14 : vector<16xi32>
    %or3A_84 = arith.ori %shift_left3A_82, %and3A_83 : vector<16xi32>
    %swap3A_85 = arith.constant 0 : i32
    %swap3A_86 = arith.index_cast %swap3A_85 : i32 to index
    %swap3A_87 = arith.constant 64 : index
    %swap3A_88 = tpu.vector_load %arg8[%swap3A_86, %swap3A_87] {strides = array<i32>} : memref<4x128xi32, #tpu.memory_space<vmem>>, vector<16xi32>,
    tpu.vector_store %arg8[%swap3A_86, %swap3A_87], %or3A_84 {strides = array<i32>} : memref<4x128xi32, #tpu.memory_space<vmem>>, vector<16xi32>,
    %get3A_89 = arith.constant 0 : i32
    %get3A_90 = arith.index_cast %get3A_89 : i32 to index
    %get3A_91 = arith.constant 80 : index
    %get3A_92 = tpu.vector_load %arg7[%get3A_90, %get3A_91] {strides = array<i32>} : memref<4x128xi32, #tpu.memory_space<vmem>>, vector<16xi32>,
    %shift_right_logical3A_93 = arith.constant 14 : i32
    %shift_right_logical3A_94 = vector.broadcast %shift_right_logical3A_93 : i32 to vector<16xi32>
    %shift_right_logical3A_95 = arith.shrui %get3A_92, %shift_right_logical3A_94 : vector<16xi32>
    %shift_left3A_96 = arith.constant 11 : i32
    %shift_left3A_97 = vector.broadcast %shift_left3A_96 : i32 to vector<16xi32>
    %shift_left3A_98 = arith.shli %shift_right_logical3A_95, %shift_left3A_97 : vector<16xi32>
    %and3A_99 = arith.andi %get3A_92, %broadcast_in_dim3A_14 : vector<16xi32>
    %or3A_100 = arith.ori %shift_left3A_98, %and3A_99 : vector<16xi32>
    %swap3A_101 = arith.constant 0 : i32
    %swap3A_102 = arith.index_cast %swap3A_101 : i32 to index
    %swap3A_103 = arith.constant 80 : index
    %swap3A_104 = tpu.vector_load %arg8[%swap3A_102, %swap3A_103] {strides = array<i32>} : memref<4x128xi32, #tpu.memory_space<vmem>>, vector<16xi32>,
    tpu.vector_store %arg8[%swap3A_102, %swap3A_103], %or3A_100 {strides = array<i32>} : memref<4x128xi32, #tpu.memory_space<vmem>>, vector<16xi32>,
    %get3A_105 = arith.constant 0 : i32
    %get3A_106 = arith.index_cast %get3A_105 : i32 to index
    %get3A_107 = arith.constant 96 : index
    %get3A_108 = tpu.vector_load %arg7[%get3A_106, %get3A_107] {strides = array<i32>} : memref<4x128xi32, #tpu.memory_space<vmem>>, vector<16xi32>,
    %shift_right_logical3A_109 = arith.constant 14 : i32
    %shift_right_logical3A_110 = vector.broadcast %shift_right_logical3A_109 : i32 to vector<16xi32>
    %shift_right_logical3A_111 = arith.shrui %get3A_108, %shift_right_logical3A_110 : vector<16xi32>
    %shift_left3A_112 = arith.constant 11 : i32
    %shift_left3A_113 = vector.broadcast %shift_left3A_112 : i32 to vector<16xi32>
    %shift_left3A_114 = arith.shli %shift_right_logical3A_111, %shift_left3A_113 : vector<16xi32>
    %and3A_115 = arith.andi %get3A_108, %broadcast_in_dim3A_14 : vector<16xi32>
    %or3A_116 = arith.ori %shift_left3A_114, %and3A_115 : vector<16xi32>
    %swap3A_117 = arith.constant 0 : i32
    %swap3A_118 = arith.index_cast %swap3A_117 : i32 to index
    %swap3A_119 = arith.constant 96 : index
    %swap3A_120 = tpu.vector_load %arg8[%swap3A_118, %swap3A_119] {strides = array<i32>} : memref<4x128xi32, #tpu.memory_space<vmem>>, vector<16xi32>,
    tpu.vector_store %arg8[%swap3A_118, %swap3A_119], %or3A_116 {strides = array<i32>} : memref<4x128xi32, #tpu.memory_space<vmem>>, vector<16xi32>,
    %get3A_121 = arith.constant 0 : i32
    %get3A_122 = arith.index_cast %get3A_121 : i32 to index
    %get3A_123 = arith.constant 112 : index
    %get3A_124 = tpu.vector_load %arg7[%get3A_122, %get3A_123] {strides = array<i32>} : memref<4x128xi32, #tpu.memory_space<vmem>>, vector<16xi32>,
    %shift_right_logical3A_125 = arith.constant 14 : i32
    %shift_right_logical3A_126 = vector.broadcast %shift_right_logical3A_125 : i32 to vector<16xi32>
    %shift_right_logical3A_127 = arith.shrui %get3A_124, %shift_right_logical3A_126 : vector<16xi32>
    %shift_left3A_128 = arith.constant 11 : i32
    %shift_left3A_129 = vector.broadcast %shift_left3A_128 : i32 to vector<16xi32>
    %shift_left3A_130 = arith.shli %shift_right_logical3A_127, %shift_left3A_129 : vector<16xi32>
    %and3A_131 = arith.andi %get3A_124, %broadcast_in_dim3A_14 : vector<16xi32>
    %or3A_132 = arith.ori %shift_left3A_130, %and3A_131 : vector<16xi32>
    %swap3A_133 = arith.constant 0 : i32
    %swap3A_134 = arith.index_cast %swap3A_133 : i32 to index
    %swap3A_135 = arith.constant 112 : index
    %swap3A_136 = tpu.vector_load %arg8[%swap3A_134, %swap3A_135] {strides = array<i32>} : memref<4x128xi32, #tpu.memory_space<vmem>>, vector<16xi32>,
    tpu.vector_store %arg8[%swap3A_134, %swap3A_135], %or3A_132 {strides = array<i32>} : memref<4x128xi32, #tpu.memory_space<vmem>>, vector<16xi32>,
    %get3A_137 = arith.constant 1 : i32
    %get3A_138 = arith.index_cast %get3A_137 : i32 to index
    %get3A_139 = arith.constant 0 : index
    %get3A_140 = tpu.vector_load %arg7[%get3A_138, %get3A_139] {strides = array<i32>} : memref<4x128xi32, #tpu.memory_space<vmem>>, vector<16xi32>,
    %shift_right_logical3A_141 = arith.constant 14 : i32
    %shift_right_logical3A_142 = vector.broadcast %shift_right_logical3A_141 : i32 to vector<16xi32>
    %shift_right_logical3A_143 = arith.shrui %get3A_140, %shift_right_logical3A_142 : vector<16xi32>
    %shift_left3A_144 = arith.constant 11 : i32
    %shift_left3A_145 = vector.broadcast %shift_left3A_144 : i32 to vector<16xi32>
    %shift_left3A_146 = arith.shli %shift_right_logical3A_143, %shift_left3A_145 : vector<16xi32>
    %and3A_147 = arith.andi %get3A_140, %broadcast_in_dim3A_14 : vector<16xi32>
    %or3A_148 = arith.ori %shift_left3A_146, %and3A_147 : vector<16xi32>
    %swap3A_149 = arith.constant 1 : i32
    %swap3A_150 = arith.index_cast %swap3A_149 : i32 to index
    %swap3A_151 = arith.constant 0 : index
    %swap3A_152 = tpu.vector_load %arg8[%swap3A_150, %swap3A_151] {strides = array<i32>} : memref<4x128xi32, #tpu.memory_space<vmem>>, vector<16xi32>,
    tpu.vector_store %arg8[%swap3A_150, %swap3A_151], %or3A_148 {strides = array<i32>} : memref<4x128xi32, #tpu.memory_space<vmem>>, vector<16xi32>,
    %get3A_153 = arith.constant 1 : i32
    %get3A_154 = arith.index_cast %get3A_153 : i32 to index
    %get3A_155 = arith.constant 16 : index
    %get3A_156 = tpu.vector_load %arg7[%get3A_154, %get3A_155] {strides = array<i32>} : memref<4x128xi32, #tpu.memory_space<vmem>>, vector<16xi32>,
    %shift_right_logical3A_157 = arith.constant 14 : i32
    %shift_right_logical3A_158 = vector.broadcast %shift_right_logical3A_157 : i32 to vector<16xi32>
    %shift_right_logical3A_159 = arith.shrui %get3A_156, %shift_right_logical3A_158 : vector<16xi32>
    %shift_left3A_160 = arith.constant 11 : i32
    %shift_left3A_161 = vector.broadcast %shift_left3A_160 : i32 to vector<16xi32>
    %shift_left3A_162 = arith.shli %shift_right_logical3A_159, %shift_left3A_161 : vector<16xi32>
    %and3A_163 = arith.andi %get3A_156, %broadcast_in_dim3A_14 : vector<16xi32>
    %or3A_164 = arith.ori %shift_left3A_162, %and3A_163 : vector<16xi32>
    %swap3A_165 = arith.constant 1 : i32
    %swap3A_166 = arith.index_cast %swap3A_165 : i32 to index
    %swap3A_167 = arith.constant 16 : index
    %swap3A_168 = tpu.vector_load %arg8[%swap3A_166, %swap3A_167] {strides = array<i32>} : memref<4x128xi32, #tpu.memory_space<vmem>>, vector<16xi32>,
    tpu.vector_store %arg8[%swap3A_166, %swap3A_167], %or3A_164 {strides = array<i32>} : memref<4x128xi32, #tpu.memory_space<vmem>>, vector<16xi32>,
    %get3A_169 = arith.constant 1 : i32
    %get3A_170 = arith.index_cast %get3A_169 : i32 to index
    %get3A_171 = arith.constant 32 : index
    %get3A_172 = tpu.vector_load %arg7[%get3A_170, %get3A_171] {strides = array<i32>} : memref<4x128xi32, #tpu.memory_space<vmem>>, vector<16xi32>,
    %shift_right_logical3A_173 = arith.constant 14 : i32
    %shift_right_logical3A_174 = vector.broadcast %shift_right_logical3A_173 : i32 to vector<16xi32>
    %shift_right_logical3A_175 = arith.shrui %get3A_172, %shift_right_logical3A_174 : vector<16xi32>
    %shift_left3A_176 = arith.constant 11 : i32
    %shift_left3A_177 = vector.broadcast %shift_left3A_176 : i32 to vector<16xi32>
    %shift_left3A_178 = arith.shli %shift_right_logical3A_175, %shift_left3A_177 : vector<16xi32>
    %and3A_179 = arith.andi %get3A_172, %broadcast_in_dim3A_14 : vector<16xi32>
    %or3A_180 = arith.ori %shift_left3A_178, %and3A_179 : vector<16xi32>
    %swap3A_181 = arith.constant 1 : i32
    %swap3A_182 = arith.index_cast %swap3A_181 : i32 to index
    %swap3A_183 = arith.constant 32 : index
    %swap3A_184 = tpu.vector_load %arg8[%swap3A_182, %swap3A_183] {strides = array<i32>} : memref<4x128xi32, #tpu.memory_space<vmem>>, vector<16xi32>,
    tpu.vector_store %arg8[%swap3A_182, %swap3A_183], %or3A_180 {strides = array<i32>} : memref<4x128xi32, #tpu.memory_space<vmem>>, vector<16xi32>,
    %get3A_185 = arith.constant 1 : i32
    %get3A_186 = arith.index_cast %get3A_185 : i32 to index
    %get3A_187 = arith.constant 48 : index
    %get3A_188 = tpu.vector_load %arg7[%get3A_186, %get3A_187] {strides = array<i32>} : memref<4x128xi32, #tpu.memory_space<vmem>>, vector<16xi32>,
    %shift_right_logical3A_189 = arith.constant 14 : i32
    %shift_right_logical3A_190 = vector.broadcast %shift_right_logical3A_189 : i32 to vector<16xi32>
    %shift_right_logical3A_191 = arith.shrui %get3A_188, %shift_right_logical3A_190 : vector<16xi32>
    %shift_left3A_192 = arith.constant 11 : i32
    %shift_left3A_193 = vector.broadcast %shift_left3A_192 : i32 to vector<16xi32>
    %shift_left3A_194 = arith.shli %shift_right_logical3A_191, %shift_left3A_193 : vector<16xi32>
    %and3A_195 = arith.andi %get3A_188, %broadcast_in_dim3A_14 : vector<16xi32>
    %or3A_196 = arith.ori %shift_left3A_194, %and3A_195 : vector<16xi32>
    %swap3A_197 = arith.constant 1 : i32
    %swap3A_198 = arith.index_cast %swap3A_197 : i32 to index
    %swap3A_199 = arith.constant 48 : index
    %swap3A_200 = tpu.vector_load %arg8[%swap3A_198, %swap3A_199] {strides = array<i32>} : memref<4x128xi32, #tpu.memory_space<vmem>>, vector<16xi32>,
    tpu.vector_store %arg8[%swap3A_198, %swap3A_199], %or3A_196 {strides = array<i32>} : memref<4x128xi32, #tpu.memory_space<vmem>>, vector<16xi32>,
    %get3A_201 = arith.constant 1 : i32
    %get3A_202 = arith.index_cast %get3A_201 : i32 to index
    %get3A_203 = arith.constant 64 : index
    %get3A_204 = tpu.vector_load %arg7[%get3A_202, %get3A_203] {strides = array<i32>} : memref<4x128xi32, #tpu.memory_space<vmem>>, vector<16xi32>,
    %shift_right_logical3A_205 = arith.constant 14 : i32
    %shift_right_logical3A_206 = vector.broadcast %shift_right_logical3A_205 : i32 to vector<16xi32>
    %shift_right_logical3A_207 = arith.shrui %get3A_204, %shift_right_logical3A_206 : vector<16xi32>
    %shift_left3A_208 = arith.constant 11 : i32
    %shift_left3A_209 = vector.broadcast %shift_left3A_208 : i32 to vector<16xi32>
    %shift_left3A_210 = arith.shli %shift_right_logical3A_207, %shift_left3A_209 : vector<16xi32>
    %and3A_211 = arith.andi %get3A_204, %broadcast_in_dim3A_14 : vector<16xi32>
    %or3A_212 = arith.ori %shift_left3A_210, %and3A_211 : vector<16xi32>
    %swap3A_213 = arith.constant 1 : i32
    %swap3A_214 = arith.index_cast %swap3A_213 : i32 to index
    %swap3A_215 = arith.constant 64 : index
    %swap3A_216 = tpu.vector_load %arg8[%swap3A_214, %swap3A_215] {strides = array<i32>} : memref<4x128xi32, #tpu.memory_space<vmem>>, vector<16xi32>,
    tpu.vector_store %arg8[%swap3A_214, %swap3A_215], %or3A_212 {strides = array<i32>} : memref<4x128xi32, #tpu.memory_space<vmem>>, vector<16xi32>,
    %get3A_217 = arith.constant 1 : i32
    %get3A_218 = arith.index_cast %get3A_217 : i32 to index
    %get3A_219 = arith.constant 80 : index
    %get3A_220 = tpu.vector_load %arg7[%get3A_218, %get3A_219] {strides = array<i32>} : memref<4x128xi32, #tpu.memory_space<vmem>>, vector<16xi32>,
    %shift_right_logical3A_221 = arith.constant 14 : i32
    %shift_right_logical3A_222 = vector.broadcast %shift_right_logical3A_221 : i32 to vector<16xi32>
    %shift_right_logical3A_223 = arith.shrui %get3A_220, %shift_right_logical3A_222 : vector<16xi32>
    %shift_left3A_224 = arith.constant 11 : i32
    %shift_left3A_225 = vector.broadcast %shift_left3A_224 : i32 to vector<16xi32>
    %shift_left3A_226 = arith.shli %shift_right_logical3A_223, %shift_left3A_225 : vector<16xi32>
    %and3A_227 = arith.andi %get3A_220, %broadcast_in_dim3A_14 : vector<16xi32>
    %or3A_228 = arith.ori %shift_left3A_226, %and3A_227 : vector<16xi32>
    %swap3A_229 = arith.constant 1 : i32
    %swap3A_230 = arith.index_cast %swap3A_229 : i32 to index
    %swap3A_231 = arith.constant 80 : index
    %swap3A_232 = tpu.vector_load %arg8[%swap3A_230, %swap3A_231] {strides = array<i32>} : memref<4x128xi32, #tpu.memory_space<vmem>>, vector<16xi32>,
    tpu.vector_store %arg8[%swap3A_230, %swap3A_231], %or3A_228 {strides = array<i32>} : memref<4x128xi32, #tpu.memory_space<vmem>>, vector<16xi32>,
    %get3A_233 = arith.constant 1 : i32
    %get3A_234 = arith.index_cast %get3A_233 : i32 to index
    %get3A_235 = arith.constant 96 : index
    %get3A_236 = tpu.vector_load %arg7[%get3A_234, %get3A_235] {strides = array<i32>} : memref<4x128xi32, #tpu.memory_space<vmem>>, vector<16xi32>,
    %shift_right_logical3A_237 = arith.constant 14 : i32
    %shift_right_logical3A_238 = vector.broadcast %shift_right_logical3A_237 : i32 to vector<16xi32>
    %shift_right_logical3A_239 = arith.shrui %get3A_236, %shift_right_logical3A_238 : vector<16xi32>
    %shift_left3A_240 = arith.constant 11 : i32
    %shift_left3A_241 = vector.broadcast %shift_left3A_240 : i32 to vector<16xi32>
    %shift_left3A_242 = arith.shli %shift_right_logical3A_239, %shift_left3A_241 : vector<16xi32>
    %and3A_243 = arith.andi %get3A_236, %broadcast_in_dim3A_14 : vector<16xi32>
    %or3A_244 = arith.ori %shift_left3A_242, %and3A_243 : vector<16xi32>
    %swap3A_245 = arith.constant 1 : i32
    %swap3A_246 = arith.index_cast %swap3A_245 : i32 to index
    %swap3A_247 = arith.constant 96 : index
    %swap3A_248 = tpu.vector_load %arg8[%swap3A_246, %swap3A_247] {strides = array<i32>} : memref<4x128xi32, #tpu.memory_space<vmem>>, vector<16xi32>,
    tpu.vector_store %arg8[%swap3A_246, %swap3A_247], %or3A_244 {strides = array<i32>} : memref<4x128xi32, #tpu.memory_space<vmem>>, vector<16xi32>,
    %get3A_249 = arith.constant 1 : i32
    %get3A_250 = arith.index_cast %get3A_249 : i32 to index
    %get3A_251 = arith.constant 112 : index
    %get3A_252 = tpu.vector_load %arg7[%get3A_250, %get3A_251] {strides = array<i32>} : memref<4x128xi32, #tpu.memory_space<vmem>>, vector<16xi32>,
    %shift_right_logical3A_253 = arith.constant 14 : i32
    %shift_right_logical3A_254 = vector.broadcast %shift_right_logical3A_253 : i32 to vector<16xi32>
    %shift_right_logical3A_255 = arith.shrui %get3A_252, %shift_right_logical3A_254 : vector<16xi32>
    %shift_left3A_256 = arith.constant 11 : i32
    %shift_left3A_257 = vector.broadcast %shift_left3A_256 : i32 to vector<16xi32>
    %shift_left3A_258 = arith.shli %shift_right_logical3A_255, %shift_left3A_257 : vector<16xi32>
    %and3A_259 = arith.andi %get3A_252, %broadcast_in_dim3A_14 : vector<16xi32>
    %or3A_260 = arith.ori %shift_left3A_258, %and3A_259 : vector<16xi32>
    %swap3A_261 = arith.constant 1 : i32
    %swap3A_262 = arith.index_cast %swap3A_261 : i32 to index
    %swap3A_263 = arith.constant 112 : index
    %swap3A_264 = tpu.vector_load %arg8[%swap3A_262, %swap3A_263] {strides = array<i32>} : memref<4x128xi32, #tpu.memory_space<vmem>>, vector<16xi32>,
    tpu.vector_store %arg8[%swap3A_262, %swap3A_263], %or3A_260 {strides = array<i32>} : memref<4x128xi32, #tpu.memory_space<vmem>>, vector<16xi32>,
    %get3A_265 = arith.constant 2 : i32
    %get3A_266 = arith.index_cast %get3A_265 : i32 to index
    %get3A_267 = arith.constant 0 : index
    %get3A_268 = tpu.vector_load %arg7[%get3A_266, %get3A_267] {strides = array<i32>} : memref<4x128xi32, #tpu.memory_space<vmem>>, vector<16xi32>,
    %shift_right_logical3A_269 = arith.constant 14 : i32
    %shift_right_logical3A_270 = vector.broadcast %shift_right_logical3A_269 : i32 to vector<16xi32>
    %shift_right_logical3A_271 = arith.shrui %get3A_268, %shift_right_logical3A_270 : vector<16xi32>
    %shift_left3A_272 = arith.constant 11 : i32
    %shift_left3A_273 = vector.broadcast %shift_left3A_272 : i32 to vector<16xi32>
    %shift_left3A_274 = arith.shli %shift_right_logical3A_271, %shift_left3A_273 : vector<16xi32>
    %and3A_275 = arith.andi %get3A_268, %broadcast_in_dim3A_14 : vector<16xi32>
    %or3A_276 = arith.ori %shift_left3A_274, %and3A_275 : vector<16xi32>
    %swap3A_277 = arith.constant 2 : i32
    %swap3A_278 = arith.index_cast %swap3A_277 : i32 to index
    %swap3A_279 = arith.constant 0 : index
    %swap3A_280 = tpu.vector_load %arg8[%swap3A_278, %swap3A_279] {strides = array<i32>} : memref<4x128xi32, #tpu.memory_space<vmem>>, vector<16xi32>,
    tpu.vector_store %arg8[%swap3A_278, %swap3A_279], %or3A_276 {strides = array<i32>} : memref<4x128xi32, #tpu.memory_space<vmem>>, vector<16xi32>,
    %get3A_281 = arith.constant 2 : i32
    %get3A_282 = arith.index_cast %get3A_281 : i32 to index
    %get3A_283 = arith.constant 16 : index
    %get3A_284 = tpu.vector_load %arg7[%get3A_282, %get3A_283] {strides = array<i32>} : memref<4x128xi32, #tpu.memory_space<vmem>>, vector<16xi32>,
    %shift_right_logical3A_285 = arith.constant 14 : i32
    %shift_right_logical3A_286 = vector.broadcast %shift_right_logical3A_285 : i32 to vector<16xi32>
    %shift_right_logical3A_287 = arith.shrui %get3A_284, %shift_right_logical3A_286 : vector<16xi32>
    %shift_left3A_288 = arith.constant 11 : i32
    %shift_left3A_289 = vector.broadcast %shift_left3A_288 : i32 to vector<16xi32>
    %shift_left3A_290 = arith.shli %shift_right_logical3A_287, %shift_left3A_289 : vector<16xi32>
    %and3A_291 = arith.andi %get3A_284, %broadcast_in_dim3A_14 : vector<16xi32>
    %or3A_292 = arith.ori %shift_left3A_290, %and3A_291 : vector<16xi32>
    %swap3A_293 = arith.constant 2 : i32
    %swap3A_294 = arith.index_cast %swap3A_293 : i32 to index
    %swap3A_295 = arith.constant 16 : index
    %swap3A_296 = tpu.vector_load %arg8[%swap3A_294, %swap3A_295] {strides = array<i32>} : memref<4x128xi32, #tpu.memory_space<vmem>>, vector<16xi32>,
    tpu.vector_store %arg8[%swap3A_294, %swap3A_295], %or3A_292 {strides = array<i32>} : memref<4x128xi32, #tpu.memory_space<vmem>>, vector<16xi32>,
    %get3A_297 = arith.constant 2 : i32
    %get3A_298 = arith.index_cast %get3A_297 : i32 to index
    %get3A_299 = arith.constant 32 : index
    %get3A_300 = tpu.vector_load %arg7[%get3A_298, %get3A_299] {strides = array<i32>} : memref<4x128xi32, #tpu.memory_space<vmem>>, vector<16xi32>,
    %shift_right_logical3A_301 = arith.constant 14 : i32
    %shift_right_logical3A_302 = vector.broadcast %shift_right_logical3A_301 : i32 to vector<16xi32>
    %shift_right_logical3A_303 = arith.shrui %get3A_300, %shift_right_logical3A_302 : vector<16xi32>
    %shift_left3A_304 = arith.constant 11 : i32
    %shift_left3A_305 = vector.broadcast %shift_left3A_304 : i32 to vector<16xi32>
    %shift_left3A_306 = arith.shli %shift_right_logical3A_303, %shift_left3A_305 : vector<16xi32>
    %and3A_307 = arith.andi %get3A_300, %broadcast_in_dim3A_14 : vector<16xi32>
    %or3A_308 = arith.ori %shift_left3A_306, %and3A_307 : vector<16xi32>
    %swap3A_309 = arith.constant 2 : i32
    %swap3A_310 = arith.index_cast %swap3A_309 : i32 to index
    %swap3A_311 = arith.constant 32 : index
    %swap3A_312 = tpu.vector_load %arg8[%swap3A_310, %swap3A_311] {strides = array<i32>} : memref<4x128xi32, #tpu.memory_space<vmem>>, vector<16xi32>,
    tpu.vector_store %arg8[%swap3A_310, %swap3A_311], %or3A_308 {strides = array<i32>} : memref<4x128xi32, #tpu.memory_space<vmem>>, vector<16xi32>,
    %get3A_313 = arith.constant 2 : i32
    %get3A_314 = arith.index_cast %get3A_313 : i32 to index
    %get3A_315 = arith.constant 48 : index
    %get3A_316 = tpu.vector_load %arg7[%get3A_314, %get3A_315] {strides = array<i32>} : memref<4x128xi32, #tpu.memory_space<vmem>>, vector<16xi32>,
    %shift_right_logical3A_317 = arith.constant 14 : i32
    %shift_right_logical3A_318 = vector.broadcast %shift_right_logical3A_317 : i32 to vector<16xi32>
    %shift_right_logical3A_319 = arith.shrui %get3A_316, %shift_right_logical3A_318 : vector<16xi32>
    %shift_left3A_320 = arith.constant 11 : i32
    %shift_left3A_321 = vector.broadcast %shift_left3A_320 : i32 to vector<16xi32>
    %shift_left3A_322 = arith.shli %shift_right_logical3A_319, %shift_left3A_321 : vector<16xi32>
    %and3A_323 = arith.andi %get3A_316, %broadcast_in_dim3A_14 : vector<16xi32>
    %or3A_324 = arith.ori %shift_left3A_322, %and3A_323 : vector<16xi32>
    %swap3A_325 = arith.constant 2 : i32
    %swap3A_326 = arith.index_cast %swap3A_325 : i32 to index
    %swap3A_327 = arith.constant 48 : index
    %swap3A_328 = tpu.vector_load %arg8[%swap3A_326, %swap3A_327] {strides = array<i32>} : memref<4x128xi32, #tpu.memory_space<vmem>>, vector<16xi32>,
    tpu.vector_store %arg8[%swap3A_326, %swap3A_327], %or3A_324 {strides = array<i32>} : memref<4x128xi32, #tpu.memory_space<vmem>>, vector<16xi32>,
    %get3A_329 = arith.constant 2 : i32
    %get3A_330 = arith.index_cast %get3A_329 : i32 to index
    %get3A_331 = arith.constant 64 : index
    %get3A_332 = tpu.vector_load %arg7[%get3A_330, %get3A_331] {strides = array<i32>} : memref<4x128xi32, #tpu.memory_space<vmem>>, vector<16xi32>,
    %shift_right_logical3A_333 = arith.constant 14 : i32
    %shift_right_logical3A_334 = vector.broadcast %shift_right_logical3A_333 : i32 to vector<16xi32>
    %shift_right_logical3A_335 = arith.shrui %get3A_332, %shift_right_logical3A_334 : vector<16xi32>
    %shift_left3A_336 = arith.constant 11 : i32
    %shift_left3A_337 = vector.broadcast %shift_left3A_336 : i32 to vector<16xi32>
    %shift_left3A_338 = arith.shli %shift_right_logical3A_335, %shift_left3A_337 : vector<16xi32>
    %and3A_339 = arith.andi %get3A_332, %broadcast_in_dim3A_14 : vector<16xi32>
    %or3A_340 = arith.ori %shift_left3A_338, %and3A_339 : vector<16xi32>
    %swap3A_341 = arith.constant 2 : i32
    %swap3A_342 = arith.index_cast %swap3A_341 : i32 to index
    %swap3A_343 = arith.constant 64 : index
    %swap3A_344 = tpu.vector_load %arg8[%swap3A_342, %swap3A_343] {strides = array<i32>} : memref<4x128xi32, #tpu.memory_space<vmem>>, vector<16xi32>,
    tpu.vector_store %arg8[%swap3A_342, %swap3A_343], %or3A_340 {strides = array<i32>} : memref<4x128xi32, #tpu.memory_space<vmem>>, vector<16xi32>,
    %get3A_345 = arith.constant 2 : i32
    %get3A_346 = arith.index_cast %get3A_345 : i32 to index
    %get3A_347 = arith.constant 80 : index
    %get3A_348 = tpu.vector_load %arg7[%get3A_346, %get3A_347] {strides = array<i32>} : memref<4x128xi32, #tpu.memory_space<vmem>>, vector<16xi32>,
    %shift_right_logical3A_349 = arith.constant 14 : i32
    %shift_right_logical3A_350 = vector.broadcast %shift_right_logical3A_349 : i32 to vector<16xi32>
    %shift_right_logical3A_351 = arith.shrui %get3A_348, %shift_right_logical3A_350 : vector<16xi32>
    %shift_left3A_352 = arith.constant 11 : i32
    %shift_left3A_353 = vector.broadcast %shift_left3A_352 : i32 to vector<16xi32>
    %shift_left3A_354 = arith.shli %shift_right_logical3A_351, %shift_left3A_353 : vector<16xi32>
    %and3A_355 = arith.andi %get3A_348, %broadcast_in_dim3A_14 : vector<16xi32>
    %or3A_356 = arith.ori %shift_left3A_354, %and3A_355 : vector<16xi32>
    %swap3A_357 = arith.constant 2 : i32
    %swap3A_358 = arith.index_cast %swap3A_357 : i32 to index
    %swap3A_359 = arith.constant 80 : index
    %swap3A_360 = tpu.vector_load %arg8[%swap3A_358, %swap3A_359] {strides = array<i32>} : memref<4x128xi32, #tpu.memory_space<vmem>>, vector<16xi32>,
    tpu.vector_store %arg8[%swap3A_358, %swap3A_359], %or3A_356 {strides = array<i32>} : memref<4x128xi32, #tpu.memory_space<vmem>>, vector<16xi32>,
    %get3A_361 = arith.constant 2 : i32
    %get3A_362 = arith.index_cast %get3A_361 : i32 to index
    %get3A_363 = arith.constant 96 : index
    %get3A_364 = tpu.vector_load %arg7[%get3A_362, %get3A_363] {strides = array<i32>} : memref<4x128xi32, #tpu.memory_space<vmem>>, vector<16xi32>,
    %shift_right_logical3A_365 = arith.constant 14 : i32
    %shift_right_logical3A_366 = vector.broadcast %shift_right_logical3A_365 : i32 to vector<16xi32>
    %shift_right_logical3A_367 = arith.shrui %get3A_364, %shift_right_logical3A_366 : vector<16xi32>
    %shift_left3A_368 = arith.constant 11 : i32
    %shift_left3A_369 = vector.broadcast %shift_left3A_368 : i32 to vector<16xi32>
    %shift_left3A_370 = arith.shli %shift_right_logical3A_367, %shift_left3A_369 : vector<16xi32>
    %and3A_371 = arith.andi %get3A_364, %broadcast_in_dim3A_14 : vector<16xi32>
    %or3A_372 = arith.ori %shift_left3A_370, %and3A_371 : vector<16xi32>
    %swap3A_373 = arith.constant 2 : i32
    %swap3A_374 = arith.index_cast %swap3A_373 : i32 to index
    %swap3A_375 = arith.constant 96 : index
    %swap3A_376 = tpu.vector_load %arg8[%swap3A_374, %swap3A_375] {strides = array<i32>} : memref<4x128xi32, #tpu.memory_space<vmem>>, vector<16xi32>,
    tpu.vector_store %arg8[%swap3A_374, %swap3A_375], %or3A_372 {strides = array<i32>} : memref<4x128xi32, #tpu.memory_space<vmem>>, vector<16xi32>,
    %get3A_377 = arith.constant 2 : i32
    %get3A_378 = arith.index_cast %get3A_377 : i32 to index
    %get3A_379 = arith.constant 112 : index
    %get3A_380 = tpu.vector_load %arg7[%get3A_378, %get3A_379] {strides = array<i32>} : memref<4x128xi32, #tpu.memory_space<vmem>>, vector<16xi32>,
    %shift_right_logical3A_381 = arith.constant 14 : i32
    %shift_right_logical3A_382 = vector.broadcast %shift_right_logical3A_381 : i32 to vector<16xi32>
    %shift_right_logical3A_383 = arith.shrui %get3A_380, %shift_right_logical3A_382 : vector<16xi32>
    %shift_left3A_384 = arith.constant 11 : i32
    %shift_left3A_385 = vector.broadcast %shift_left3A_384 : i32 to vector<16xi32>
    %shift_left3A_386 = arith.shli %shift_right_logical3A_383, %shift_left3A_385 : vector<16xi32>
    %and3A_387 = arith.andi %get3A_380, %broadcast_in_dim3A_14 : vector<16xi32>
    %or3A_388 = arith.ori %shift_left3A_386, %and3A_387 : vector<16xi32>
    %swap3A_389 = arith.constant 2 : i32
    %swap3A_390 = arith.index_cast %swap3A_389 : i32 to index
    %swap3A_391 = arith.constant 112 : index
    %swap3A_392 = tpu.vector_load %arg8[%swap3A_390, %swap3A_391] {strides = array<i32>} : memref<4x128xi32, #tpu.memory_space<vmem>>, vector<16xi32>,
    tpu.vector_store %arg8[%swap3A_390, %swap3A_391], %or3A_388 {strides = array<i32>} : memref<4x128xi32, #tpu.memory_space<vmem>>, vector<16xi32>,
    %get3A_393 = arith.constant 3 : i32
    %get3A_394 = arith.index_cast %get3A_393 : i32 to index
    %get3A_395 = arith.constant 0 : index
    %get3A_396 = tpu.vector_load %arg7[%get3A_394, %get3A_395] {strides = array<i32>} : memref<4x128xi32, #tpu.memory_space<vmem>>, vector<16xi32>,
    %shift_right_logical3A_397 = arith.constant 14 : i32
    %shift_right_logical3A_398 = vector.broadcast %shift_right_logical3A_397 : i32 to vector<16xi32>
    %shift_right_logical3A_399 = arith.shrui %get3A_396, %shift_right_logical3A_398 : vector<16xi32>
    %shift_left3A_400 = arith.constant 11 : i32
    %shift_left3A_401 = vector.broadcast %shift_left3A_400 : i32 to vector<16xi32>
    %shift_left3A_402 = arith.shli %shift_right_logical3A_399, %shift_left3A_401 : vector<16xi32>
    %and3A_403 = arith.andi %get3A_396, %broadcast_in_dim3A_14 : vector<16xi32>
    %or3A_404 = arith.ori %shift_left3A_402, %and3A_403 : vector<16xi32>
    %swap3A_405 = arith.constant 3 : i32
    %swap3A_406 = arith.index_cast %swap3A_405 : i32 to index
    %swap3A_407 = arith.constant 0 : index
    %swap3A_408 = tpu.vector_load %arg8[%swap3A_406, %swap3A_407] {strides = array<i32>} : memref<4x128xi32, #tpu.memory_space<vmem>>, vector<16xi32>,
    tpu.vector_store %arg8[%swap3A_406, %swap3A_407], %or3A_404 {strides = array<i32>} : memref<4x128xi32, #tpu.memory_space<vmem>>, vector<16xi32>,
    %get3A_409 = arith.constant 3 : i32
    %get3A_410 = arith.index_cast %get3A_409 : i32 to index
    %get3A_411 = arith.constant 16 : index
    %get3A_412 = tpu.vector_load %arg7[%get3A_410, %get3A_411] {strides = array<i32>} : memref<4x128xi32, #tpu.memory_space<vmem>>, vector<16xi32>,
    %shift_right_logical3A_413 = arith.constant 14 : i32
    %shift_right_logical3A_414 = vector.broadcast %shift_right_logical3A_413 : i32 to vector<16xi32>
    %shift_right_logical3A_415 = arith.shrui %get3A_412, %shift_right_logical3A_414 : vector<16xi32>
    %shift_left3A_416 = arith.constant 11 : i32
    %shift_left3A_417 = vector.broadcast %shift_left3A_416 : i32 to vector<16xi32>
    %shift_left3A_418 = arith.shli %shift_right_logical3A_415, %shift_left3A_417 : vector<16xi32>
    %and3A_419 = arith.andi %get3A_412, %broadcast_in_dim3A_14 : vector<16xi32>
    %or3A_420 = arith.ori %shift_left3A_418, %and3A_419 : vector<16xi32>
    %swap3A_421 = arith.constant 3 : i32
    %swap3A_422 = arith.index_cast %swap3A_421 : i32 to index
    %swap3A_423 = arith.constant 16 : index
    %swap3A_424 = tpu.vector_load %arg8[%swap3A_422, %swap3A_423] {strides = array<i32>} : memref<4x128xi32, #tpu.memory_space<vmem>>, vector<16xi32>,
    tpu.vector_store %arg8[%swap3A_422, %swap3A_423], %or3A_420 {strides = array<i32>} : memref<4x128xi32, #tpu.memory_space<vmem>>, vector<16xi32>,
    %get3A_425 = arith.constant 3 : i32
    %get3A_426 = arith.index_cast %get3A_425 : i32 to index
    %get3A_427 = arith.constant 32 : index
    %get3A_428 = tpu.vector_load %arg7[%get3A_426, %get3A_427] {strides = array<i32>} : memref<4x128xi32, #tpu.memory_space<vmem>>, vector<16xi32>,
    %shift_right_logical3A_429 = arith.constant 14 : i32
    %shift_right_logical3A_430 = vector.broadcast %shift_right_logical3A_429 : i32 to vector<16xi32>
    %shift_right_logical3A_431 = arith.shrui %get3A_428, %shift_right_logical3A_430 : vector<16xi32>
    %shift_left3A_432 = arith.constant 11 : i32
    %shift_left3A_433 = vector.broadcast %shift_left3A_432 : i32 to vector<16xi32>
    %shift_left3A_434 = arith.shli %shift_right_logical3A_431, %shift_left3A_433 : vector<16xi32>
    %and3A_435 = arith.andi %get3A_428, %broadcast_in_dim3A_14 : vector<16xi32>
    %or3A_436 = arith.ori %shift_left3A_434, %and3A_435 : vector<16xi32>
    %swap3A_437 = arith.constant 3 : i32
    %swap3A_438 = arith.index_cast %swap3A_437 : i32 to index
    %swap3A_439 = arith.constant 32 : index
    %swap3A_440 = tpu.vector_load %arg8[%swap3A_438, %swap3A_439] {strides = array<i32>} : memref<4x128xi32, #tpu.memory_space<vmem>>, vector<16xi32>,
    tpu.vector_store %arg8[%swap3A_438, %swap3A_439], %or3A_436 {strides = array<i32>} : memref<4x128xi32, #tpu.memory_space<vmem>>, vector<16xi32>,
    %get3A_441 = arith.constant 3 : i32
    %get3A_442 = arith.index_cast %get3A_441 : i32 to index
    %get3A_443 = arith.constant 48 : index
    %get3A_444 = tpu.vector_load %arg7[%get3A_442, %get3A_443] {strides = array<i32>} : memref<4x128xi32, #tpu.memory_space<vmem>>, vector<16xi32>,
    %shift_right_logical3A_445 = arith.constant 14 : i32
    %shift_right_logical3A_446 = vector.broadcast %shift_right_logical3A_445 : i32 to vector<16xi32>
    %shift_right_logical3A_447 = arith.shrui %get3A_444, %shift_right_logical3A_446 : vector<16xi32>
    %shift_left3A_448 = arith.constant 11 : i32
    %shift_left3A_449 = vector.broadcast %shift_left3A_448 : i32 to vector<16xi32>
    %shift_left3A_450 = arith.shli %shift_right_logical3A_447, %shift_left3A_449 : vector<16xi32>
    %and3A_451 = arith.andi %get3A_444, %broadcast_in_dim3A_14 : vector<16xi32>
    %or3A_452 = arith.ori %shift_left3A_450, %and3A_451 : vector<16xi32>
    %swap3A_453 = arith.constant 3 : i32
    %swap3A_454 = arith.index_cast %swap3A_453 : i32 to index
    %swap3A_455 = arith.constant 48 : index
    %swap3A_456 = tpu.vector_load %arg8[%swap3A_454, %swap3A_455] {strides = array<i32>} : memref<4x128xi32, #tpu.memory_space<vmem>>, vector<16xi32>,
    tpu.vector_store %arg8[%swap3A_454, %swap3A_455], %or3A_452 {strides = array<i32>} : memref<4x128xi32, #tpu.memory_space<vmem>>, vector<16xi32>,
    %get3A_457 = arith.constant 3 : i32
    %get3A_458 = arith.index_cast %get3A_457 : i32 to index
    %get3A_459 = arith.constant 64 : index
    %get3A_460 = tpu.vector_load %arg7[%get3A_458, %get3A_459] {strides = array<i32>} : memref<4x128xi32, #tpu.memory_space<vmem>>, vector<16xi32>,
    %shift_right_logical3A_461 = arith.constant 14 : i32
    %shift_right_logical3A_462 = vector.broadcast %shift_right_logical3A_461 : i32 to vector<16xi32>
    %shift_right_logical3A_463 = arith.shrui %get3A_460, %shift_right_logical3A_462 : vector<16xi32>
    %shift_left3A_464 = arith.constant 11 : i32
    %shift_left3A_465 = vector.broadcast %shift_left3A_464 : i32 to vector<16xi32>
    %shift_left3A_466 = arith.shli %shift_right_logical3A_463, %shift_left3A_465 : vector<16xi32>
    %and3A_467 = arith.andi %get3A_460, %broadcast_in_dim3A_14 : vector<16xi32>
    %or3A_468 = arith.ori %shift_left3A_466, %and3A_467 : vector<16xi32>
    %swap3A_469 = arith.constant 3 : i32
    %swap3A_470 = arith.index_cast %swap3A_469 : i32 to index
    %swap3A_471 = arith.constant 64 : index
    %swap3A_472 = tpu.vector_load %arg8[%swap3A_470, %swap3A_471] {strides = array<i32>} : memref<4x128xi32, #tpu.memory_space<vmem>>, vector<16xi32>,
    tpu.vector_store %arg8[%swap3A_470, %swap3A_471], %or3A_468 {strides = array<i32>} : memref<4x128xi32, #tpu.memory_space<vmem>>, vector<16xi32>,
    %get3A_473 = arith.constant 3 : i32
    %get3A_474 = arith.index_cast %get3A_473 : i32 to index
    %get3A_475 = arith.constant 80 : index
    %get3A_476 = tpu.vector_load %arg7[%get3A_474, %get3A_475] {strides = array<i32>} : memref<4x128xi32, #tpu.memory_space<vmem>>, vector<16xi32>,
    %shift_right_logical3A_477 = arith.constant 14 : i32
    %shift_right_logical3A_478 = vector.broadcast %shift_right_logical3A_477 : i32 to vector<16xi32>
    %shift_right_logical3A_479 = arith.shrui %get3A_476, %shift_right_logical3A_478 : vector<16xi32>
    %shift_left3A_480 = arith.constant 11 : i32
    %shift_left3A_481 = vector.broadcast %shift_left3A_480 : i32 to vector<16xi32>
    %shift_left3A_482 = arith.shli %shift_right_logical3A_479, %shift_left3A_481 : vector<16xi32>
    %and3A_483 = arith.andi %get3A_476, %broadcast_in_dim3A_14 : vector<16xi32>
    %or3A_484 = arith.ori %shift_left3A_482, %and3A_483 : vector<16xi32>
    %swap3A_485 = arith.constant 3 : i32
    %swap3A_486 = arith.index_cast %swap3A_485 : i32 to index
    %swap3A_487 = arith.constant 80 : index
    %swap3A_488 = tpu.vector_load %arg8[%swap3A_486, %swap3A_487] {strides = array<i32>} : memref<4x128xi32, #tpu.memory_space<vmem>>, vector<16xi32>,
    tpu.vector_store %arg8[%swap3A_486, %swap3A_487], %or3A_484 {strides = array<i32>} : memref<4x128xi32, #tpu.memory_space<vmem>>, vector<16xi32>,
    %get3A_489 = arith.constant 3 : i32
    %get3A_490 = arith.index_cast %get3A_489 : i32 to index
    %get3A_491 = arith.constant 96 : index
    %get3A_492 = tpu.vector_load %arg7[%get3A_490, %get3A_491] {strides = array<i32>} : memref<4x128xi32, #tpu.memory_space<vmem>>, vector<16xi32>,
    %shift_right_logical3A_493 = arith.constant 14 : i32
    %shift_right_logical3A_494 = vector.broadcast %shift_right_logical3A_493 : i32 to vector<16xi32>
    %shift_right_logical3A_495 = arith.shrui %get3A_492, %shift_right_logical3A_494 : vector<16xi32>
    %shift_left3A_496 = arith.constant 11 : i32
    %shift_left3A_497 = vector.broadcast %shift_left3A_496 : i32 to vector<16xi32>
    %shift_left3A_498 = arith.shli %shift_right_logical3A_495, %shift_left3A_497 : vector<16xi32>
    %and3A_499 = arith.andi %get3A_492, %broadcast_in_dim3A_14 : vector<16xi32>
    %or3A_500 = arith.ori %shift_left3A_498, %and3A_499 : vector<16xi32>
    %swap3A_501 = arith.constant 3 : i32
    %swap3A_502 = arith.index_cast %swap3A_501 : i32 to index
    %swap3A_503 = arith.constant 96 : index
    %swap3A_504 = tpu.vector_load %arg8[%swap3A_502, %swap3A_503] {strides = array<i32>} : memref<4x128xi32, #tpu.memory_space<vmem>>, vector<16xi32>,
    tpu.vector_store %arg8[%swap3A_502, %swap3A_503], %or3A_500 {strides = array<i32>} : memref<4x128xi32, #tpu.memory_space<vmem>>, vector<16xi32>,
    %get3A_505 = arith.constant 3 : i32
    %get3A_506 = arith.index_cast %get3A_505 : i32 to index
    %get3A_507 = arith.constant 112 : index
    %get3A_508 = tpu.vector_load %arg7[%get3A_506, %get3A_507] {strides = array<i32>} : memref<4x128xi32, #tpu.memory_space<vmem>>, vector<16xi32>,
    %shift_right_logical3A_509 = arith.constant 14 : i32
    %shift_right_logical3A_510 = vector.broadcast %shift_right_logical3A_509 : i32 to vector<16xi32>
    %shift_right_logical3A_511 = arith.shrui %get3A_508, %shift_right_logical3A_510 : vector<16xi32>
    %shift_left3A_512 = arith.constant 11 : i32
    %shift_left3A_513 = vector.broadcast %shift_left3A_512 : i32 to vector<16xi32>
    %shift_left3A_514 = arith.shli %shift_right_logical3A_511, %shift_left3A_513 : vector<16xi32>
    %and3A_515 = arith.andi %get3A_508, %broadcast_in_dim3A_14 : vector<16xi32>
    %or3A_516 = arith.ori %shift_left3A_514, %and3A_515 : vector<16xi32>
    %swap3A_517 = arith.constant 3 : i32
    %swap3A_518 = arith.index_cast %swap3A_517 : i32 to index
    %swap3A_519 = arith.constant 112 : index
    %swap3A_520 = tpu.vector_load %arg8[%swap3A_518, %swap3A_519] {strides = array<i32>} : memref<4x128xi32, #tpu.memory_space<vmem>>, vector<16xi32>,
    tpu.vector_store %arg8[%swap3A_518, %swap3A_519], %or3A_516 {strides = array<i32>} : memref<4x128xi32, #tpu.memory_space<vmem>>, vector<16xi32>,
    %dma_start3A = arith.constant 0 : i32
    %dma_start3A_521 = arith.constant 0 : i32
    %dma_start3A_522 = arith.constant 0 : i32
    %dma_start3A_523 = tpu.memref_slice %arg9[%dma_start3A_521, %dma_start3A_522] : memref<512x128xi32, #tpu.memory_space<vmem>> -> memref<128x128xi32, #tpu.memory_space<vmem>>
    %dma_start3A_524 = arith.constant 0 : i32
    %dma_start3A_525 = tpu.memref_slice %arg8[%dma_start3A, %dma_start3A_524] : memref<4x128xi32, #tpu.memory_space<vmem>> -> memref<1x128xi32, #tpu.memory_space<vmem>>
    %dma_start3A_526 = tpu.memref_squeeze %dma_start3A_525 : memref<1x128xi32, #tpu.memory_space<vmem>> -> memref<128xi32, #tpu.memory_space<vmem>>
    %dma_start3A_527 = arith.constant 0 : i32
    %dma_start3A_528 = arith.constant 0 : i32
    %dma_start3A_529 = tpu.memref_slice %arg3[%dma_start3A_527, %dma_start3A_528] : memref<126976x128xi32, #tpu.memory_space<hbm>> -> memref<126976x128xi32, #tpu.memory_space<hbm>>
    tpu.enqueue_indirect_dma source(%dma_start3A_529 : memref<126976x128xi32, #tpu.memory_space<hbm>>) target(%dma_start3A_523 : memref<128x128xi32, #tpu.memory_space<vmem>>) offsets(%dma_start3A_526 : memref<128xi32, #tpu.memory_space<vmem>>) semaphore(%arg14 : memref<!tpu.dma_semaphore, #tpu.memory_space<semaphore_mem>>)
    %dma_start3A_530 = arith.constant 1 : i32
    %dma_start3A_531 = arith.constant 128 : i32
    %dma_start3A_532 = arith.constant 0 : i32
    %dma_start3A_533 = tpu.memref_slice %arg9[%dma_start3A_531, %dma_start3A_532] : memref<512x128xi32, #tpu.memory_space<vmem>> -> memref<128x128xi32, #tpu.memory_space<vmem>>
    %dma_start3A_534 = arith.constant 0 : i32
    %dma_start3A_535 = tpu.memref_slice %arg8[%dma_start3A_530, %dma_start3A_534] : memref<4x128xi32, #tpu.memory_space<vmem>> -> memref<1x128xi32, #tpu.memory_space<vmem>>
    %dma_start3A_536 = tpu.memref_squeeze %dma_start3A_535 : memref<1x128xi32, #tpu.memory_space<vmem>> -> memref<128xi32, #tpu.memory_space<vmem>>
    %dma_start3A_537 = arith.constant 0 : i32
    %dma_start3A_538 = arith.constant 0 : i32
    %dma_start3A_539 = tpu.memref_slice %arg3[%dma_start3A_537, %dma_start3A_538] : memref<126976x128xi32, #tpu.memory_space<hbm>> -> memref<126976x128xi32, #tpu.memory_space<hbm>>
    tpu.enqueue_indirect_dma source(%dma_start3A_539 : memref<126976x128xi32, #tpu.memory_space<hbm>>) target(%dma_start3A_533 : memref<128x128xi32, #tpu.memory_space<vmem>>) offsets(%dma_start3A_536 : memref<128xi32, #tpu.memory_space<vmem>>) semaphore(%arg14 : memref<!tpu.dma_semaphore, #tpu.memory_space<semaphore_mem>>)
    %dma_start3A_540 = arith.constant 2 : i32
    %dma_start3A_541 = arith.constant 256 : i32
    %dma_start3A_542 = arith.constant 0 : i32
    %dma_start3A_543 = tpu.memref_slice %arg9[%dma_start3A_541, %dma_start3A_542] : memref<512x128xi32, #tpu.memory_space<vmem>> -> memref<128x128xi32, #tpu.memory_space<vmem>>
    %dma_start3A_544 = arith.constant 0 : i32
    %dma_start3A_545 = tpu.memref_slice %arg8[%dma_start3A_540, %dma_start3A_544] : memref<4x128xi32, #tpu.memory_space<vmem>> -> memref<1x128xi32, #tpu.memory_space<vmem>>
    %dma_start3A_546 = tpu.memref_squeeze %dma_start3A_545 : memref<1x128xi32, #tpu.memory_space<vmem>> -> memref<128xi32, #tpu.memory_space<vmem>>
    %dma_start3A_547 = arith.constant 0 : i32
    %dma_start3A_548 = arith.constant 0 : i32
    %dma_start3A_549 = tpu.memref_slice %arg3[%dma_start3A_547, %dma_start3A_548] : memref<126976x128xi32, #tpu.memory_space<hbm>> -> memref<126976x128xi32, #tpu.memory_space<hbm>>
    tpu.enqueue_indirect_dma source(%dma_start3A_549 : memref<126976x128xi32, #tpu.memory_space<hbm>>) target(%dma_start3A_543 : memref<128x128xi32, #tpu.memory_space<vmem>>) offsets(%dma_start3A_546 : memref<128xi32, #tpu.memory_space<vmem>>) semaphore(%arg14 : memref<!tpu.dma_semaphore, #tpu.memory_space<semaphore_mem>>)
    %dma_start3A_550 = arith.constant 3 : i32
    %dma_start3A_551 = arith.constant 384 : i32
    %dma_start3A_552 = arith.constant 0 : i32
    %dma_start3A_553 = tpu.memref_slice %arg9[%dma_start3A_551, %dma_start3A_552] : memref<512x128xi32, #tpu.memory_space<vmem>> -> memref<128x128xi32, #tpu.memory_space<vmem>>
    %dma_start3A_554 = arith.constant 0 : i32
    %dma_start3A_555 = tpu.memref_slice %arg8[%dma_start3A_550, %dma_start3A_554] : memref<4x128xi32, #tpu.memory_space<vmem>> -> memref<1x128xi32, #tpu.memory_space<vmem>>
    %dma_start3A_556 = tpu.memref_squeeze %dma_start3A_555 : memref<1x128xi32, #tpu.memory_space<vmem>> -> memref<128xi32, #tpu.memory_space<vmem>>
    %dma_start3A_557 = arith.constant 0 : i32
    %dma_start3A_558 = arith.constant 0 : i32
    %dma_start3A_559 = tpu.memref_slice %arg3[%dma_start3A_557, %dma_start3A_558] : memref<126976x128xi32, #tpu.memory_space<hbm>> -> memref<126976x128xi32, #tpu.memory_space<hbm>>
    tpu.enqueue_indirect_dma source(%dma_start3A_559 : memref<126976x128xi32, #tpu.memory_space<hbm>>) target(%dma_start3A_553 : memref<128x128xi32, #tpu.memory_space<vmem>>) offsets(%dma_start3A_556 : memref<128xi32, #tpu.memory_space<vmem>>) semaphore(%arg14 : memref<!tpu.dma_semaphore, #tpu.memory_space<semaphore_mem>>)
    "tpu.region"() ({
      %run_scoped3A_932 = tpu.sem_alloc : memref<!tpu.dma_semaphore, #tpu.memory_space<semaphore_mem>>
      tpu.enqueue_dma source(%arg4 : memref<15632xf32, #tpu.memory_space<hbm>>) target(%arg11 : memref<15632xf32, #tpu.memory_space<vmem>>) target_semaphore(%run_scoped3A_932 : memref<!tpu.dma_semaphore, #tpu.memory_space<semaphore_mem>>)
      tpu.wait_dma2 semaphore(%run_scoped3A_932 : memref<!tpu.dma_semaphore, #tpu.memory_space<semaphore_mem>>) src(%arg4 : memref<15632xf32, #tpu.memory_space<hbm>>) dst(%arg11 : memref<15632xf32, #tpu.memory_space<vmem>>)
      tpu.yield
    }) : () -> ()
    %get3A_560 = arith.constant 0 : i32
    %get3A_561 = arith.index_cast %get3A_560 : i32 to index
    %get3A_562 = arith.constant 0 : index
    %get3A_563 = tpu.vector_load %arg7[%get3A_561, %get3A_562] {strides = array<i32>} : memref<4x128xi32, #tpu.memory_space<vmem>>, vector<16xi32>,
    %shift_right_logical3A_564 = arith.constant 6 : i32
    %shift_right_logical3A_565 = vector.broadcast %shift_right_logical3A_564 : i32 to vector<16xi32>
    %shift_right_logical3A_566 = arith.shrui %get3A_563, %shift_right_logical3A_565 : vector<16xi32>
    %gather3A = tpu.vector_load_idx %arg11[%shift_right_logical3A_566] : memref<15632xf32, #tpu.memory_space<vmem>>[vector<16xi32>], vector<16xf32>,
    %swap3A_567 = arith.constant 0 : index
    %swap3A_568 = tpu.vector_load %arg12[%swap3A_567] {strides = array<i32>} : memref<512xf32, #tpu.memory_space<vmem>>, vector<16xf32>,
    tpu.vector_store %arg12[%swap3A_567], %gather3A {strides = array<i32>} : memref<512xf32, #tpu.memory_space<vmem>>, vector<16xf32>,
    %get3A_569 = arith.constant 0 : i32
    %get3A_570 = arith.index_cast %get3A_569 : i32 to index
    %get3A_571 = arith.constant 16 : index
    %get3A_572 = tpu.vector_load %arg7[%get3A_570, %get3A_571] {strides = array<i32>} : memref<4x128xi32, #tpu.memory_space<vmem>>, vector<16xi32>,
    %shift_right_logical3A_573 = arith.constant 6 : i32
    %shift_right_logical3A_574 = vector.broadcast %shift_right_logical3A_573 : i32 to vector<16xi32>
    %shift_right_logical3A_575 = arith.shrui %get3A_572, %shift_right_logical3A_574 : vector<16xi32>
    %gather3A_576 = tpu.vector_load_idx %arg11[%shift_right_logical3A_575] : memref<15632xf32, #tpu.memory_space<vmem>>[vector<16xi32>], vector<16xf32>,
    %swap3A_577 = arith.constant 16 : index
    %swap3A_578 = tpu.vector_load %arg12[%swap3A_577] {strides = array<i32>} : memref<512xf32, #tpu.memory_space<vmem>>, vector<16xf32>,
    tpu.vector_store %arg12[%swap3A_577], %gather3A_576 {strides = array<i32>} : memref<512xf32, #tpu.memory_space<vmem>>, vector<16xf32>,
    %get3A_579 = arith.constant 0 : i32
    %get3A_580 = arith.index_cast %get3A_579 : i32 to index
    %get3A_581 = arith.constant 32 : index
    %get3A_582 = tpu.vector_load %arg7[%get3A_580, %get3A_581] {strides = array<i32>} : memref<4x128xi32, #tpu.memory_space<vmem>>, vector<16xi32>,
    %shift_right_logical3A_583 = arith.constant 6 : i32
    %shift_right_logical3A_584 = vector.broadcast %shift_right_logical3A_583 : i32 to vector<16xi32>
    %shift_right_logical3A_585 = arith.shrui %get3A_582, %shift_right_logical3A_584 : vector<16xi32>
    %gather3A_586 = tpu.vector_load_idx %arg11[%shift_right_logical3A_585] : memref<15632xf32, #tpu.memory_space<vmem>>[vector<16xi32>], vector<16xf32>,
    %swap3A_587 = arith.constant 32 : index
    %swap3A_588 = tpu.vector_load %arg12[%swap3A_587] {strides = array<i32>} : memref<512xf32, #tpu.memory_space<vmem>>, vector<16xf32>,
    tpu.vector_store %arg12[%swap3A_587], %gather3A_586 {strides = array<i32>} : memref<512xf32, #tpu.memory_space<vmem>>, vector<16xf32>,
    %get3A_589 = arith.constant 0 : i32
    %get3A_590 = arith.index_cast %get3A_589 : i32 to index
    %get3A_591 = arith.constant 48 : index
    %get3A_592 = tpu.vector_load %arg7[%get3A_590, %get3A_591] {strides = array<i32>} : memref<4x128xi32, #tpu.memory_space<vmem>>, vector<16xi32>,
    %shift_right_logical3A_593 = arith.constant 6 : i32
    %shift_right_logical3A_594 = vector.broadcast %shift_right_logical3A_593 : i32 to vector<16xi32>
    %shift_right_logical3A_595 = arith.shrui %get3A_592, %shift_right_logical3A_594 : vector<16xi32>
    %gather3A_596 = tpu.vector_load_idx %arg11[%shift_right_logical3A_595] : memref<15632xf32, #tpu.memory_space<vmem>>[vector<16xi32>], vector<16xf32>,
    %swap3A_597 = arith.constant 48 : index
    %swap3A_598 = tpu.vector_load %arg12[%swap3A_597] {strides = array<i32>} : memref<512xf32, #tpu.memory_space<vmem>>, vector<16xf32>,
    tpu.vector_store %arg12[%swap3A_597], %gather3A_596 {strides = array<i32>} : memref<512xf32, #tpu.memory_space<vmem>>, vector<16xf32>,
    %get3A_599 = arith.constant 0 : i32
    %get3A_600 = arith.index_cast %get3A_599 : i32 to index
    %get3A_601 = arith.constant 64 : index
    %get3A_602 = tpu.vector_load %arg7[%get3A_600, %get3A_601] {strides = array<i32>} : memref<4x128xi32, #tpu.memory_space<vmem>>, vector<16xi32>,
    %shift_right_logical3A_603 = arith.constant 6 : i32
    %shift_right_logical3A_604 = vector.broadcast %shift_right_logical3A_603 : i32 to vector<16xi32>
    %shift_right_logical3A_605 = arith.shrui %get3A_602, %shift_right_logical3A_604 : vector<16xi32>
    %gather3A_606 = tpu.vector_load_idx %arg11[%shift_right_logical3A_605] : memref<15632xf32, #tpu.memory_space<vmem>>[vector<16xi32>], vector<16xf32>,
    %swap3A_607 = arith.constant 64 : index
    %swap3A_608 = tpu.vector_load %arg12[%swap3A_607] {strides = array<i32>} : memref<512xf32, #tpu.memory_space<vmem>>, vector<16xf32>,
    tpu.vector_store %arg12[%swap3A_607], %gather3A_606 {strides = array<i32>} : memref<512xf32, #tpu.memory_space<vmem>>, vector<16xf32>,
    %get3A_609 = arith.constant 0 : i32
    %get3A_610 = arith.index_cast %get3A_609 : i32 to index
    %get3A_611 = arith.constant 80 : index
    %get3A_612 = tpu.vector_load %arg7[%get3A_610, %get3A_611] {strides = array<i32>} : memref<4x128xi32, #tpu.memory_space<vmem>>, vector<16xi32>,
    %shift_right_logical3A_613 = arith.constant 6 : i32
    %shift_right_logical3A_614 = vector.broadcast %shift_right_logical3A_613 : i32 to vector<16xi32>
    %shift_right_logical3A_615 = arith.shrui %get3A_612, %shift_right_logical3A_614 : vector<16xi32>
    %gather3A_616 = tpu.vector_load_idx %arg11[%shift_right_logical3A_615] : memref<15632xf32, #tpu.memory_space<vmem>>[vector<16xi32>], vector<16xf32>,
    %swap3A_617 = arith.constant 80 : index
    %swap3A_618 = tpu.vector_load %arg12[%swap3A_617] {strides = array<i32>} : memref<512xf32, #tpu.memory_space<vmem>>, vector<16xf32>,
    tpu.vector_store %arg12[%swap3A_617], %gather3A_616 {strides = array<i32>} : memref<512xf32, #tpu.memory_space<vmem>>, vector<16xf32>,
    %get3A_619 = arith.constant 0 : i32
    %get3A_620 = arith.index_cast %get3A_619 : i32 to index
    %get3A_621 = arith.constant 96 : index
    %get3A_622 = tpu.vector_load %arg7[%get3A_620, %get3A_621] {strides = array<i32>} : memref<4x128xi32, #tpu.memory_space<vmem>>, vector<16xi32>,
    %shift_right_logical3A_623 = arith.constant 6 : i32
    %shift_right_logical3A_624 = vector.broadcast %shift_right_logical3A_623 : i32 to vector<16xi32>
    %shift_right_logical3A_625 = arith.shrui %get3A_622, %shift_right_logical3A_624 : vector<16xi32>
    %gather3A_626 = tpu.vector_load_idx %arg11[%shift_right_logical3A_625] : memref<15632xf32, #tpu.memory_space<vmem>>[vector<16xi32>], vector<16xf32>,
    %swap3A_627 = arith.constant 96 : index
    %swap3A_628 = tpu.vector_load %arg12[%swap3A_627] {strides = array<i32>} : memref<512xf32, #tpu.memory_space<vmem>>, vector<16xf32>,
    tpu.vector_store %arg12[%swap3A_627], %gather3A_626 {strides = array<i32>} : memref<512xf32, #tpu.memory_space<vmem>>, vector<16xf32>,
    %get3A_629 = arith.constant 0 : i32
    %get3A_630 = arith.index_cast %get3A_629 : i32 to index
    %get3A_631 = arith.constant 112 : index
    %get3A_632 = tpu.vector_load %arg7[%get3A_630, %get3A_631] {strides = array<i32>} : memref<4x128xi32, #tpu.memory_space<vmem>>, vector<16xi32>,
    %shift_right_logical3A_633 = arith.constant 6 : i32
    %shift_right_logical3A_634 = vector.broadcast %shift_right_logical3A_633 : i32 to vector<16xi32>
    %shift_right_logical3A_635 = arith.shrui %get3A_632, %shift_right_logical3A_634 : vector<16xi32>
    %gather3A_636 = tpu.vector_load_idx %arg11[%shift_right_logical3A_635] : memref<15632xf32, #tpu.memory_space<vmem>>[vector<16xi32>], vector<16xf32>,
    %swap3A_637 = arith.constant 112 : index
    %swap3A_638 = tpu.vector_load %arg12[%swap3A_637] {strides = array<i32>} : memref<512xf32, #tpu.memory_space<vmem>>, vector<16xf32>,
    tpu.vector_store %arg12[%swap3A_637], %gather3A_636 {strides = array<i32>} : memref<512xf32, #tpu.memory_space<vmem>>, vector<16xf32>,
    %get3A_639 = arith.constant 1 : i32
    %get3A_640 = arith.index_cast %get3A_639 : i32 to index
    %get3A_641 = arith.constant 0 : index
    %get3A_642 = tpu.vector_load %arg7[%get3A_640, %get3A_641] {strides = array<i32>} : memref<4x128xi32, #tpu.memory_space<vmem>>, vector<16xi32>,
    %shift_right_logical3A_643 = arith.constant 6 : i32
    %shift_right_logical3A_644 = vector.broadcast %shift_right_logical3A_643 : i32 to vector<16xi32>
    %shift_right_logical3A_645 = arith.shrui %get3A_642, %shift_right_logical3A_644 : vector<16xi32>
    %gather3A_646 = tpu.vector_load_idx %arg11[%shift_right_logical3A_645] : memref<15632xf32, #tpu.memory_space<vmem>>[vector<16xi32>], vector<16xf32>,
    %swap3A_647 = arith.constant 128 : index
    %swap3A_648 = tpu.vector_load %arg12[%swap3A_647] {strides = array<i32>} : memref<512xf32, #tpu.memory_space<vmem>>, vector<16xf32>,
    tpu.vector_store %arg12[%swap3A_647], %gather3A_646 {strides = array<i32>} : memref<512xf32, #tpu.memory_space<vmem>>, vector<16xf32>,
    %get3A_649 = arith.constant 1 : i32
    %get3A_650 = arith.index_cast %get3A_649 : i32 to index
    %get3A_651 = arith.constant 16 : index
    %get3A_652 = tpu.vector_load %arg7[%get3A_650, %get3A_651] {strides = array<i32>} : memref<4x128xi32, #tpu.memory_space<vmem>>, vector<16xi32>,
    %shift_right_logical3A_653 = arith.constant 6 : i32
    %shift_right_logical3A_654 = vector.broadcast %shift_right_logical3A_653 : i32 to vector<16xi32>
    %shift_right_logical3A_655 = arith.shrui %get3A_652, %shift_right_logical3A_654 : vector<16xi32>
    %gather3A_656 = tpu.vector_load_idx %arg11[%shift_right_logical3A_655] : memref<15632xf32, #tpu.memory_space<vmem>>[vector<16xi32>], vector<16xf32>,
    %swap3A_657 = arith.constant 144 : index
    %swap3A_658 = tpu.vector_load %arg12[%swap3A_657] {strides = array<i32>} : memref<512xf32, #tpu.memory_space<vmem>>, vector<16xf32>,
    tpu.vector_store %arg12[%swap3A_657], %gather3A_656 {strides = array<i32>} : memref<512xf32, #tpu.memory_space<vmem>>, vector<16xf32>,
    %get3A_659 = arith.constant 1 : i32
    %get3A_660 = arith.index_cast %get3A_659 : i32 to index
    %get3A_661 = arith.constant 32 : index
    %get3A_662 = tpu.vector_load %arg7[%get3A_660, %get3A_661] {strides = array<i32>} : memref<4x128xi32, #tpu.memory_space<vmem>>, vector<16xi32>,
    %shift_right_logical3A_663 = arith.constant 6 : i32
    %shift_right_logical3A_664 = vector.broadcast %shift_right_logical3A_663 : i32 to vector<16xi32>
    %shift_right_logical3A_665 = arith.shrui %get3A_662, %shift_right_logical3A_664 : vector<16xi32>
    %gather3A_666 = tpu.vector_load_idx %arg11[%shift_right_logical3A_665] : memref<15632xf32, #tpu.memory_space<vmem>>[vector<16xi32>], vector<16xf32>,
    %swap3A_667 = arith.constant 160 : index
    %swap3A_668 = tpu.vector_load %arg12[%swap3A_667] {strides = array<i32>} : memref<512xf32, #tpu.memory_space<vmem>>, vector<16xf32>,
    tpu.vector_store %arg12[%swap3A_667], %gather3A_666 {strides = array<i32>} : memref<512xf32, #tpu.memory_space<vmem>>, vector<16xf32>,
    %get3A_669 = arith.constant 1 : i32
    %get3A_670 = arith.index_cast %get3A_669 : i32 to index
    %get3A_671 = arith.constant 48 : index
    %get3A_672 = tpu.vector_load %arg7[%get3A_670, %get3A_671] {strides = array<i32>} : memref<4x128xi32, #tpu.memory_space<vmem>>, vector<16xi32>,
    %shift_right_logical3A_673 = arith.constant 6 : i32
    %shift_right_logical3A_674 = vector.broadcast %shift_right_logical3A_673 : i32 to vector<16xi32>
    %shift_right_logical3A_675 = arith.shrui %get3A_672, %shift_right_logical3A_674 : vector<16xi32>
    %gather3A_676 = tpu.vector_load_idx %arg11[%shift_right_logical3A_675] : memref<15632xf32, #tpu.memory_space<vmem>>[vector<16xi32>], vector<16xf32>,
    %swap3A_677 = arith.constant 176 : index
    %swap3A_678 = tpu.vector_load %arg12[%swap3A_677] {strides = array<i32>} : memref<512xf32, #tpu.memory_space<vmem>>, vector<16xf32>,
    tpu.vector_store %arg12[%swap3A_677], %gather3A_676 {strides = array<i32>} : memref<512xf32, #tpu.memory_space<vmem>>, vector<16xf32>,
    %get3A_679 = arith.constant 1 : i32
    %get3A_680 = arith.index_cast %get3A_679 : i32 to index
    %get3A_681 = arith.constant 64 : index
    %get3A_682 = tpu.vector_load %arg7[%get3A_680, %get3A_681] {strides = array<i32>} : memref<4x128xi32, #tpu.memory_space<vmem>>, vector<16xi32>,
    %shift_right_logical3A_683 = arith.constant 6 : i32
    %shift_right_logical3A_684 = vector.broadcast %shift_right_logical3A_683 : i32 to vector<16xi32>
    %shift_right_logical3A_685 = arith.shrui %get3A_682, %shift_right_logical3A_684 : vector<16xi32>
    %gather3A_686 = tpu.vector_load_idx %arg11[%shift_right_logical3A_685] : memref<15632xf32, #tpu.memory_space<vmem>>[vector<16xi32>], vector<16xf32>,
    %swap3A_687 = arith.constant 192 : index
    %swap3A_688 = tpu.vector_load %arg12[%swap3A_687] {strides = array<i32>} : memref<512xf32, #tpu.memory_space<vmem>>, vector<16xf32>,
    tpu.vector_store %arg12[%swap3A_687], %gather3A_686 {strides = array<i32>} : memref<512xf32, #tpu.memory_space<vmem>>, vector<16xf32>,
    %get3A_689 = arith.constant 1 : i32
    %get3A_690 = arith.index_cast %get3A_689 : i32 to index
    %get3A_691 = arith.constant 80 : index
    %get3A_692 = tpu.vector_load %arg7[%get3A_690, %get3A_691] {strides = array<i32>} : memref<4x128xi32, #tpu.memory_space<vmem>>, vector<16xi32>,
    %shift_right_logical3A_693 = arith.constant 6 : i32
    %shift_right_logical3A_694 = vector.broadcast %shift_right_logical3A_693 : i32 to vector<16xi32>
    %shift_right_logical3A_695 = arith.shrui %get3A_692, %shift_right_logical3A_694 : vector<16xi32>
    %gather3A_696 = tpu.vector_load_idx %arg11[%shift_right_logical3A_695] : memref<15632xf32, #tpu.memory_space<vmem>>[vector<16xi32>], vector<16xf32>,
    %swap3A_697 = arith.constant 208 : index
    %swap3A_698 = tpu.vector_load %arg12[%swap3A_697] {strides = array<i32>} : memref<512xf32, #tpu.memory_space<vmem>>, vector<16xf32>,
    tpu.vector_store %arg12[%swap3A_697], %gather3A_696 {strides = array<i32>} : memref<512xf32, #tpu.memory_space<vmem>>, vector<16xf32>,
    %get3A_699 = arith.constant 1 : i32
    %get3A_700 = arith.index_cast %get3A_699 : i32 to index
    %get3A_701 = arith.constant 96 : index
    %get3A_702 = tpu.vector_load %arg7[%get3A_700, %get3A_701] {strides = array<i32>} : memref<4x128xi32, #tpu.memory_space<vmem>>, vector<16xi32>,
    %shift_right_logical3A_703 = arith.constant 6 : i32
    %shift_right_logical3A_704 = vector.broadcast %shift_right_logical3A_703 : i32 to vector<16xi32>
    %shift_right_logical3A_705 = arith.shrui %get3A_702, %shift_right_logical3A_704 : vector<16xi32>
    %gather3A_706 = tpu.vector_load_idx %arg11[%shift_right_logical3A_705] : memref<15632xf32, #tpu.memory_space<vmem>>[vector<16xi32>], vector<16xf32>,
    %swap3A_707 = arith.constant 224 : index
    %swap3A_708 = tpu.vector_load %arg12[%swap3A_707] {strides = array<i32>} : memref<512xf32, #tpu.memory_space<vmem>>, vector<16xf32>,
    tpu.vector_store %arg12[%swap3A_707], %gather3A_706 {strides = array<i32>} : memref<512xf32, #tpu.memory_space<vmem>>, vector<16xf32>,
    %get3A_709 = arith.constant 1 : i32
    %get3A_710 = arith.index_cast %get3A_709 : i32 to index
    %get3A_711 = arith.constant 112 : index
    %get3A_712 = tpu.vector_load %arg7[%get3A_710, %get3A_711] {strides = array<i32>} : memref<4x128xi32, #tpu.memory_space<vmem>>, vector<16xi32>,
    %shift_right_logical3A_713 = arith.constant 6 : i32
    %shift_right_logical3A_714 = vector.broadcast %shift_right_logical3A_713 : i32 to vector<16xi32>
    %shift_right_logical3A_715 = arith.shrui %get3A_712, %shift_right_logical3A_714 : vector<16xi32>
    %gather3A_716 = tpu.vector_load_idx %arg11[%shift_right_logical3A_715] : memref<15632xf32, #tpu.memory_space<vmem>>[vector<16xi32>], vector<16xf32>,
    %swap3A_717 = arith.constant 240 : index
    %swap3A_718 = tpu.vector_load %arg12[%swap3A_717] {strides = array<i32>} : memref<512xf32, #tpu.memory_space<vmem>>, vector<16xf32>,
    tpu.vector_store %arg12[%swap3A_717], %gather3A_716 {strides = array<i32>} : memref<512xf32, #tpu.memory_space<vmem>>, vector<16xf32>,
    %get3A_719 = arith.constant 2 : i32
    %get3A_720 = arith.index_cast %get3A_719 : i32 to index
    %get3A_721 = arith.constant 0 : index
    %get3A_722 = tpu.vector_load %arg7[%get3A_720, %get3A_721] {strides = array<i32>} : memref<4x128xi32, #tpu.memory_space<vmem>>, vector<16xi32>,
    %shift_right_logical3A_723 = arith.constant 6 : i32
    %shift_right_logical3A_724 = vector.broadcast %shift_right_logical3A_723 : i32 to vector<16xi32>
    %shift_right_logical3A_725 = arith.shrui %get3A_722, %shift_right_logical3A_724 : vector<16xi32>
    %gather3A_726 = tpu.vector_load_idx %arg11[%shift_right_logical3A_725] : memref<15632xf32, #tpu.memory_space<vmem>>[vector<16xi32>], vector<16xf32>,
    %swap3A_727 = arith.constant 256 : index
    %swap3A_728 = tpu.vector_load %arg12[%swap3A_727] {strides = array<i32>} : memref<512xf32, #tpu.memory_space<vmem>>, vector<16xf32>,
    tpu.vector_store %arg12[%swap3A_727], %gather3A_726 {strides = array<i32>} : memref<512xf32, #tpu.memory_space<vmem>>, vector<16xf32>,
    %get3A_729 = arith.constant 2 : i32
    %get3A_730 = arith.index_cast %get3A_729 : i32 to index
    %get3A_731 = arith.constant 16 : index
    %get3A_732 = tpu.vector_load %arg7[%get3A_730, %get3A_731] {strides = array<i32>} : memref<4x128xi32, #tpu.memory_space<vmem>>, vector<16xi32>,
    %shift_right_logical3A_733 = arith.constant 6 : i32
    %shift_right_logical3A_734 = vector.broadcast %shift_right_logical3A_733 : i32 to vector<16xi32>
    %shift_right_logical3A_735 = arith.shrui %get3A_732, %shift_right_logical3A_734 : vector<16xi32>
    %gather3A_736 = tpu.vector_load_idx %arg11[%shift_right_logical3A_735] : memref<15632xf32, #tpu.memory_space<vmem>>[vector<16xi32>], vector<16xf32>,
    %swap3A_737 = arith.constant 272 : index
    %swap3A_738 = tpu.vector_load %arg12[%swap3A_737] {strides = array<i32>} : memref<512xf32, #tpu.memory_space<vmem>>, vector<16xf32>,
    tpu.vector_store %arg12[%swap3A_737], %gather3A_736 {strides = array<i32>} : memref<512xf32, #tpu.memory_space<vmem>>, vector<16xf32>,
    %get3A_739 = arith.constant 2 : i32
    %get3A_740 = arith.index_cast %get3A_739 : i32 to index
    %get3A_741 = arith.constant 32 : index
    %get3A_742 = tpu.vector_load %arg7[%get3A_740, %get3A_741] {strides = array<i32>} : memref<4x128xi32, #tpu.memory_space<vmem>>, vector<16xi32>,
    %shift_right_logical3A_743 = arith.constant 6 : i32
    %shift_right_logical3A_744 = vector.broadcast %shift_right_logical3A_743 : i32 to vector<16xi32>
    %shift_right_logical3A_745 = arith.shrui %get3A_742, %shift_right_logical3A_744 : vector<16xi32>
    %gather3A_746 = tpu.vector_load_idx %arg11[%shift_right_logical3A_745] : memref<15632xf32, #tpu.memory_space<vmem>>[vector<16xi32>], vector<16xf32>,
    %swap3A_747 = arith.constant 288 : index
    %swap3A_748 = tpu.vector_load %arg12[%swap3A_747] {strides = array<i32>} : memref<512xf32, #tpu.memory_space<vmem>>, vector<16xf32>,
    tpu.vector_store %arg12[%swap3A_747], %gather3A_746 {strides = array<i32>} : memref<512xf32, #tpu.memory_space<vmem>>, vector<16xf32>,
    %get3A_749 = arith.constant 2 : i32
    %get3A_750 = arith.index_cast %get3A_749 : i32 to index
    %get3A_751 = arith.constant 48 : index
    %get3A_752 = tpu.vector_load %arg7[%get3A_750, %get3A_751] {strides = array<i32>} : memref<4x128xi32, #tpu.memory_space<vmem>>, vector<16xi32>,
    %shift_right_logical3A_753 = arith.constant 6 : i32
    %shift_right_logical3A_754 = vector.broadcast %shift_right_logical3A_753 : i32 to vector<16xi32>
    %shift_right_logical3A_755 = arith.shrui %get3A_752, %shift_right_logical3A_754 : vector<16xi32>
    %gather3A_756 = tpu.vector_load_idx %arg11[%shift_right_logical3A_755] : memref<15632xf32, #tpu.memory_space<vmem>>[vector<16xi32>], vector<16xf32>,
    %swap3A_757 = arith.constant 304 : index
    %swap3A_758 = tpu.vector_load %arg12[%swap3A_757] {strides = array<i32>} : memref<512xf32, #tpu.memory_space<vmem>>, vector<16xf32>,
    tpu.vector_store %arg12[%swap3A_757], %gather3A_756 {strides = array<i32>} : memref<512xf32, #tpu.memory_space<vmem>>, vector<16xf32>,
    %get3A_759 = arith.constant 2 : i32
    %get3A_760 = arith.index_cast %get3A_759 : i32 to index
    %get3A_761 = arith.constant 64 : index
    %get3A_762 = tpu.vector_load %arg7[%get3A_760, %get3A_761] {strides = array<i32>} : memref<4x128xi32, #tpu.memory_space<vmem>>, vector<16xi32>,
    %shift_right_logical3A_763 = arith.constant 6 : i32
    %shift_right_logical3A_764 = vector.broadcast %shift_right_logical3A_763 : i32 to vector<16xi32>
    %shift_right_logical3A_765 = arith.shrui %get3A_762, %shift_right_logical3A_764 : vector<16xi32>
    %gather3A_766 = tpu.vector_load_idx %arg11[%shift_right_logical3A_765] : memref<15632xf32, #tpu.memory_space<vmem>>[vector<16xi32>], vector<16xf32>,
    %swap3A_767 = arith.constant 320 : index
    %swap3A_768 = tpu.vector_load %arg12[%swap3A_767] {strides = array<i32>} : memref<512xf32, #tpu.memory_space<vmem>>, vector<16xf32>,
    tpu.vector_store %arg12[%swap3A_767], %gather3A_766 {strides = array<i32>} : memref<512xf32, #tpu.memory_space<vmem>>, vector<16xf32>,
    %get3A_769 = arith.constant 2 : i32
    %get3A_770 = arith.index_cast %get3A_769 : i32 to index
    %get3A_771 = arith.constant 80 : index
    %get3A_772 = tpu.vector_load %arg7[%get3A_770, %get3A_771] {strides = array<i32>} : memref<4x128xi32, #tpu.memory_space<vmem>>, vector<16xi32>,
    %shift_right_logical3A_773 = arith.constant 6 : i32
    %shift_right_logical3A_774 = vector.broadcast %shift_right_logical3A_773 : i32 to vector<16xi32>
    %shift_right_logical3A_775 = arith.shrui %get3A_772, %shift_right_logical3A_774 : vector<16xi32>
    %gather3A_776 = tpu.vector_load_idx %arg11[%shift_right_logical3A_775] : memref<15632xf32, #tpu.memory_space<vmem>>[vector<16xi32>], vector<16xf32>,
    %swap3A_777 = arith.constant 336 : index
    %swap3A_778 = tpu.vector_load %arg12[%swap3A_777] {strides = array<i32>} : memref<512xf32, #tpu.memory_space<vmem>>, vector<16xf32>,
    tpu.vector_store %arg12[%swap3A_777], %gather3A_776 {strides = array<i32>} : memref<512xf32, #tpu.memory_space<vmem>>, vector<16xf32>,
    %get3A_779 = arith.constant 2 : i32
    %get3A_780 = arith.index_cast %get3A_779 : i32 to index
    %get3A_781 = arith.constant 96 : index
    %get3A_782 = tpu.vector_load %arg7[%get3A_780, %get3A_781] {strides = array<i32>} : memref<4x128xi32, #tpu.memory_space<vmem>>, vector<16xi32>,
    %shift_right_logical3A_783 = arith.constant 6 : i32
    %shift_right_logical3A_784 = vector.broadcast %shift_right_logical3A_783 : i32 to vector<16xi32>
    %shift_right_logical3A_785 = arith.shrui %get3A_782, %shift_right_logical3A_784 : vector<16xi32>
    %gather3A_786 = tpu.vector_load_idx %arg11[%shift_right_logical3A_785] : memref<15632xf32, #tpu.memory_space<vmem>>[vector<16xi32>], vector<16xf32>,
    %swap3A_787 = arith.constant 352 : index
    %swap3A_788 = tpu.vector_load %arg12[%swap3A_787] {strides = array<i32>} : memref<512xf32, #tpu.memory_space<vmem>>, vector<16xf32>,
    tpu.vector_store %arg12[%swap3A_787], %gather3A_786 {strides = array<i32>} : memref<512xf32, #tpu.memory_space<vmem>>, vector<16xf32>,
    %get3A_789 = arith.constant 2 : i32
    %get3A_790 = arith.index_cast %get3A_789 : i32 to index
    %get3A_791 = arith.constant 112 : index
    %get3A_792 = tpu.vector_load %arg7[%get3A_790, %get3A_791] {strides = array<i32>} : memref<4x128xi32, #tpu.memory_space<vmem>>, vector<16xi32>,
    %shift_right_logical3A_793 = arith.constant 6 : i32
    %shift_right_logical3A_794 = vector.broadcast %shift_right_logical3A_793 : i32 to vector<16xi32>
    %shift_right_logical3A_795 = arith.shrui %get3A_792, %shift_right_logical3A_794 : vector<16xi32>
    %gather3A_796 = tpu.vector_load_idx %arg11[%shift_right_logical3A_795] : memref<15632xf32, #tpu.memory_space<vmem>>[vector<16xi32>], vector<16xf32>,
    %swap3A_797 = arith.constant 368 : index
    %swap3A_798 = tpu.vector_load %arg12[%swap3A_797] {strides = array<i32>} : memref<512xf32, #tpu.memory_space<vmem>>, vector<16xf32>,
    tpu.vector_store %arg12[%swap3A_797], %gather3A_796 {strides = array<i32>} : memref<512xf32, #tpu.memory_space<vmem>>, vector<16xf32>,
    %get3A_799 = arith.constant 3 : i32
    %get3A_800 = arith.index_cast %get3A_799 : i32 to index
    %get3A_801 = arith.constant 0 : index
    %get3A_802 = tpu.vector_load %arg7[%get3A_800, %get3A_801] {strides = array<i32>} : memref<4x128xi32, #tpu.memory_space<vmem>>, vector<16xi32>,
    %shift_right_logical3A_803 = arith.constant 6 : i32
    %shift_right_logical3A_804 = vector.broadcast %shift_right_logical3A_803 : i32 to vector<16xi32>
    %shift_right_logical3A_805 = arith.shrui %get3A_802, %shift_right_logical3A_804 : vector<16xi32>
    %gather3A_806 = tpu.vector_load_idx %arg11[%shift_right_logical3A_805] : memref<15632xf32, #tpu.memory_space<vmem>>[vector<16xi32>], vector<16xf32>,
    %swap3A_807 = arith.constant 384 : index
    %swap3A_808 = tpu.vector_load %arg12[%swap3A_807] {strides = array<i32>} : memref<512xf32, #tpu.memory_space<vmem>>, vector<16xf32>,
    tpu.vector_store %arg12[%swap3A_807], %gather3A_806 {strides = array<i32>} : memref<512xf32, #tpu.memory_space<vmem>>, vector<16xf32>,
    %get3A_809 = arith.constant 3 : i32
    %get3A_810 = arith.index_cast %get3A_809 : i32 to index
    %get3A_811 = arith.constant 16 : index
    %get3A_812 = tpu.vector_load %arg7[%get3A_810, %get3A_811] {strides = array<i32>} : memref<4x128xi32, #tpu.memory_space<vmem>>, vector<16xi32>,
    %shift_right_logical3A_813 = arith.constant 6 : i32
    %shift_right_logical3A_814 = vector.broadcast %shift_right_logical3A_813 : i32 to vector<16xi32>
    %shift_right_logical3A_815 = arith.shrui %get3A_812, %shift_right_logical3A_814 : vector<16xi32>
    %gather3A_816 = tpu.vector_load_idx %arg11[%shift_right_logical3A_815] : memref<15632xf32, #tpu.memory_space<vmem>>[vector<16xi32>], vector<16xf32>,
    %swap3A_817 = arith.constant 400 : index
    %swap3A_818 = tpu.vector_load %arg12[%swap3A_817] {strides = array<i32>} : memref<512xf32, #tpu.memory_space<vmem>>, vector<16xf32>,
    tpu.vector_store %arg12[%swap3A_817], %gather3A_816 {strides = array<i32>} : memref<512xf32, #tpu.memory_space<vmem>>, vector<16xf32>,
    %get3A_819 = arith.constant 3 : i32
    %get3A_820 = arith.index_cast %get3A_819 : i32 to index
    %get3A_821 = arith.constant 32 : index
    %get3A_822 = tpu.vector_load %arg7[%get3A_820, %get3A_821] {strides = array<i32>} : memref<4x128xi32, #tpu.memory_space<vmem>>, vector<16xi32>,
    %shift_right_logical3A_823 = arith.constant 6 : i32
    %shift_right_logical3A_824 = vector.broadcast %shift_right_logical3A_823 : i32 to vector<16xi32>
    %shift_right_logical3A_825 = arith.shrui %get3A_822, %shift_right_logical3A_824 : vector<16xi32>
    %gather3A_826 = tpu.vector_load_idx %arg11[%shift_right_logical3A_825] : memref<15632xf32, #tpu.memory_space<vmem>>[vector<16xi32>], vector<16xf32>,
    %swap3A_827 = arith.constant 416 : index
    %swap3A_828 = tpu.vector_load %arg12[%swap3A_827] {strides = array<i32>} : memref<512xf32, #tpu.memory_space<vmem>>, vector<16xf32>,
    tpu.vector_store %arg12[%swap3A_827], %gather3A_826 {strides = array<i32>} : memref<512xf32, #tpu.memory_space<vmem>>, vector<16xf32>,
    %get3A_829 = arith.constant 3 : i32
    %get3A_830 = arith.index_cast %get3A_829 : i32 to index
    %get3A_831 = arith.constant 48 : index
    %get3A_832 = tpu.vector_load %arg7[%get3A_830, %get3A_831] {strides = array<i32>} : memref<4x128xi32, #tpu.memory_space<vmem>>, vector<16xi32>,
    %shift_right_logical3A_833 = arith.constant 6 : i32
    %shift_right_logical3A_834 = vector.broadcast %shift_right_logical3A_833 : i32 to vector<16xi32>
    %shift_right_logical3A_835 = arith.shrui %get3A_832, %shift_right_logical3A_834 : vector<16xi32>
    %gather3A_836 = tpu.vector_load_idx %arg11[%shift_right_logical3A_835] : memref<15632xf32, #tpu.memory_space<vmem>>[vector<16xi32>], vector<16xf32>,
    %swap3A_837 = arith.constant 432 : index
    %swap3A_838 = tpu.vector_load %arg12[%swap3A_837] {strides = array<i32>} : memref<512xf32, #tpu.memory_space<vmem>>, vector<16xf32>,
    tpu.vector_store %arg12[%swap3A_837], %gather3A_836 {strides = array<i32>} : memref<512xf32, #tpu.memory_space<vmem>>, vector<16xf32>,
    %get3A_839 = arith.constant 3 : i32
    %get3A_840 = arith.index_cast %get3A_839 : i32 to index
    %get3A_841 = arith.constant 64 : index
    %get3A_842 = tpu.vector_load %arg7[%get3A_840, %get3A_841] {strides = array<i32>} : memref<4x128xi32, #tpu.memory_space<vmem>>, vector<16xi32>,
    %shift_right_logical3A_843 = arith.constant 6 : i32
    %shift_right_logical3A_844 = vector.broadcast %shift_right_logical3A_843 : i32 to vector<16xi32>
    %shift_right_logical3A_845 = arith.shrui %get3A_842, %shift_right_logical3A_844 : vector<16xi32>
    %gather3A_846 = tpu.vector_load_idx %arg11[%shift_right_logical3A_845] : memref<15632xf32, #tpu.memory_space<vmem>>[vector<16xi32>], vector<16xf32>,
    %swap3A_847 = arith.constant 448 : index
    %swap3A_848 = tpu.vector_load %arg12[%swap3A_847] {strides = array<i32>} : memref<512xf32, #tpu.memory_space<vmem>>, vector<16xf32>,
    tpu.vector_store %arg12[%swap3A_847], %gather3A_846 {strides = array<i32>} : memref<512xf32, #tpu.memory_space<vmem>>, vector<16xf32>,
    %get3A_849 = arith.constant 3 : i32
    %get3A_850 = arith.index_cast %get3A_849 : i32 to index
    %get3A_851 = arith.constant 80 : index
    %get3A_852 = tpu.vector_load %arg7[%get3A_850, %get3A_851] {strides = array<i32>} : memref<4x128xi32, #tpu.memory_space<vmem>>, vector<16xi32>,
    %shift_right_logical3A_853 = arith.constant 6 : i32
    %shift_right_logical3A_854 = vector.broadcast %shift_right_logical3A_853 : i32 to vector<16xi32>
    %shift_right_logical3A_855 = arith.shrui %get3A_852, %shift_right_logical3A_854 : vector<16xi32>
    %gather3A_856 = tpu.vector_load_idx %arg11[%shift_right_logical3A_855] : memref<15632xf32, #tpu.memory_space<vmem>>[vector<16xi32>], vector<16xf32>,
    %swap3A_857 = arith.constant 464 : index
    %swap3A_858 = tpu.vector_load %arg12[%swap3A_857] {strides = array<i32>} : memref<512xf32, #tpu.memory_space<vmem>>, vector<16xf32>,
    tpu.vector_store %arg12[%swap3A_857], %gather3A_856 {strides = array<i32>} : memref<512xf32, #tpu.memory_space<vmem>>, vector<16xf32>,
    %get3A_859 = arith.constant 3 : i32
    %get3A_860 = arith.index_cast %get3A_859 : i32 to index
    %get3A_861 = arith.constant 96 : index
    %get3A_862 = tpu.vector_load %arg7[%get3A_860, %get3A_861] {strides = array<i32>} : memref<4x128xi32, #tpu.memory_space<vmem>>, vector<16xi32>,
    %shift_right_logical3A_863 = arith.constant 6 : i32
    %shift_right_logical3A_864 = vector.broadcast %shift_right_logical3A_863 : i32 to vector<16xi32>
    %shift_right_logical3A_865 = arith.shrui %get3A_862, %shift_right_logical3A_864 : vector<16xi32>
    %gather3A_866 = tpu.vector_load_idx %arg11[%shift_right_logical3A_865] : memref<15632xf32, #tpu.memory_space<vmem>>[vector<16xi32>], vector<16xf32>,
    %swap3A_867 = arith.constant 480 : index
    %swap3A_868 = tpu.vector_load %arg12[%swap3A_867] {strides = array<i32>} : memref<512xf32, #tpu.memory_space<vmem>>, vector<16xf32>,
    tpu.vector_store %arg12[%swap3A_867], %gather3A_866 {strides = array<i32>} : memref<512xf32, #tpu.memory_space<vmem>>, vector<16xf32>,
    %get3A_869 = arith.constant 3 : i32
    %get3A_870 = arith.index_cast %get3A_869 : i32 to index
    %get3A_871 = arith.constant 112 : index
    %get3A_872 = tpu.vector_load %arg7[%get3A_870, %get3A_871] {strides = array<i32>} : memref<4x128xi32, #tpu.memory_space<vmem>>, vector<16xi32>,
    %shift_right_logical3A_873 = arith.constant 6 : i32
    %shift_right_logical3A_874 = vector.broadcast %shift_right_logical3A_873 : i32 to vector<16xi32>
    %shift_right_logical3A_875 = arith.shrui %get3A_872, %shift_right_logical3A_874 : vector<16xi32>
    %gather3A_876 = tpu.vector_load_idx %arg11[%shift_right_logical3A_875] : memref<15632xf32, #tpu.memory_space<vmem>>[vector<16xi32>], vector<16xf32>,
    %swap3A_877 = arith.constant 496 : index
    %swap3A_878 = tpu.vector_load %arg12[%swap3A_877] {strides = array<i32>} : memref<512xf32, #tpu.memory_space<vmem>>, vector<16xf32>,
    tpu.vector_store %arg12[%swap3A_877], %gather3A_876 {strides = array<i32>} : memref<512xf32, #tpu.memory_space<vmem>>, vector<16xf32>,
    %dma_wait3A = arith.constant 0 : i32
    %dma_wait3A_879 = arith.constant 0 : i32
    %dma_wait3A_880 = arith.constant 0 : i32
    %dma_wait3A_881 = tpu.memref_slice %arg9[%dma_wait3A_879, %dma_wait3A_880] : memref<512x128xi32, #tpu.memory_space<vmem>> -> memref<128x128xi32, #tpu.memory_space<vmem>>
    %dma_wait3A_882 = arith.constant 0 : i32
    %dma_wait3A_883 = tpu.memref_slice %arg8[%dma_wait3A, %dma_wait3A_882] : memref<4x128xi32, #tpu.memory_space<vmem>> -> memref<1x128xi32, #tpu.memory_space<vmem>>
    %dma_wait3A_884 = tpu.memref_squeeze %dma_wait3A_883 : memref<1x128xi32, #tpu.memory_space<vmem>> -> memref<128xi32, #tpu.memory_space<vmem>>
    %dma_wait3A_885 = arith.constant 0 : i32
    %dma_wait3A_886 = arith.constant 0 : i32
    %dma_wait3A_887 = tpu.memref_slice %arg3[%dma_wait3A_885, %dma_wait3A_886] : memref<126976x128xi32, #tpu.memory_space<hbm>> -> memref<126976x128xi32, #tpu.memory_space<hbm>>
    tpu.wait_indirect_dma semaphore(%arg14 : memref<!tpu.dma_semaphore, #tpu.memory_space<semaphore_mem>>) src(%dma_wait3A_887 : memref<126976x128xi32, #tpu.memory_space<hbm>>) dst(%dma_wait3A_881 : memref<128x128xi32, #tpu.memory_space<vmem>>)
    %dma_wait3A_888 = arith.constant 1 : i32
    %dma_wait3A_889 = arith.constant 128 : i32
    %dma_wait3A_890 = arith.constant 0 : i32
    %dma_wait3A_891 = tpu.memref_slice %arg9[%dma_wait3A_889, %dma_wait3A_890] : memref<512x128xi32, #tpu.memory_space<vmem>> -> memref<128x128xi32, #tpu.memory_space<vmem>>
    %dma_wait3A_892 = arith.constant 0 : i32
    %dma_wait3A_893 = tpu.memref_slice %arg8[%dma_wait3A_888, %dma_wait3A_892] : memref<4x128xi32, #tpu.memory_space<vmem>> -> memref<1x128xi32, #tpu.memory_space<vmem>>
    %dma_wait3A_894 = tpu.memref_squeeze %dma_wait3A_893 : memref<1x128xi32, #tpu.memory_space<vmem>> -> memref<128xi32, #tpu.memory_space<vmem>>
    %dma_wait3A_895 = arith.constant 0 : i32
    %dma_wait3A_896 = arith.constant 0 : i32
    %dma_wait3A_897 = tpu.memref_slice %arg3[%dma_wait3A_895, %dma_wait3A_896] : memref<126976x128xi32, #tpu.memory_space<hbm>> -> memref<126976x128xi32, #tpu.memory_space<hbm>>
    tpu.wait_indirect_dma semaphore(%arg14 : memref<!tpu.dma_semaphore, #tpu.memory_space<semaphore_mem>>) src(%dma_wait3A_897 : memref<126976x128xi32, #tpu.memory_space<hbm>>) dst(%dma_wait3A_891 : memref<128x128xi32, #tpu.memory_space<vmem>>)
    %dma_wait3A_898 = arith.constant 2 : i32
    %dma_wait3A_899 = arith.constant 256 : i32
    %dma_wait3A_900 = arith.constant 0 : i32
    %dma_wait3A_901 = tpu.memref_slice %arg9[%dma_wait3A_899, %dma_wait3A_900] : memref<512x128xi32, #tpu.memory_space<vmem>> -> memref<128x128xi32, #tpu.memory_space<vmem>>
    %dma_wait3A_902 = arith.constant 0 : i32
    %dma_wait3A_903 = tpu.memref_slice %arg8[%dma_wait3A_898, %dma_wait3A_902] : memref<4x128xi32, #tpu.memory_space<vmem>> -> memref<1x128xi32, #tpu.memory_space<vmem>>
    %dma_wait3A_904 = tpu.memref_squeeze %dma_wait3A_903 : memref<1x128xi32, #tpu.memory_space<vmem>> -> memref<128xi32, #tpu.memory_space<vmem>>
    %dma_wait3A_905 = arith.constant 0 : i32
    %dma_wait3A_906 = arith.constant 0 : i32
    %dma_wait3A_907 = tpu.memref_slice %arg3[%dma_wait3A_905, %dma_wait3A_906] : memref<126976x128xi32, #tpu.memory_space<hbm>> -> memref<126976x128xi32, #tpu.memory_space<hbm>>
    tpu.wait_indirect_dma semaphore(%arg14 : memref<!tpu.dma_semaphore, #tpu.memory_space<semaphore_mem>>) src(%dma_wait3A_907 : memref<126976x128xi32, #tpu.memory_space<hbm>>) dst(%dma_wait3A_901 : memref<128x128xi32, #tpu.memory_space<vmem>>)
    %dma_wait3A_908 = arith.constant 3 : i32
    %dma_wait3A_909 = arith.constant 384 : i32
    %dma_wait3A_910 = arith.constant 0 : i32
    %dma_wait3A_911 = tpu.memref_slice %arg9[%dma_wait3A_909, %dma_wait3A_910] : memref<512x128xi32, #tpu.memory_space<vmem>> -> memref<128x128xi32, #tpu.memory_space<vmem>>
    %dma_wait3A_912 = arith.constant 0 : i32
    %dma_wait3A_913 = tpu.memref_slice %arg8[%dma_wait3A_908, %dma_wait3A_912] : memref<4x128xi32, #tpu.memory_space<vmem>> -> memref<1x128xi32, #tpu.memory_space<vmem>>
    %dma_wait3A_914 = tpu.memref_squeeze %dma_wait3A_913 : memref<1x128xi32, #tpu.memory_space<vmem>> -> memref<128xi32, #tpu.memory_space<vmem>>
    %dma_wait3A_915 = arith.constant 0 : i32
    %dma_wait3A_916 = arith.constant 0 : i32
    %dma_wait3A_917 = tpu.memref_slice %arg3[%dma_wait3A_915, %dma_wait3A_916] : memref<126976x128xi32, #tpu.memory_space<hbm>> -> memref<126976x128xi32, #tpu.memory_space<hbm>>
    tpu.wait_indirect_dma semaphore(%arg14 : memref<!tpu.dma_semaphore, #tpu.memory_space<semaphore_mem>>) src(%dma_wait3A_917 : memref<126976x128xi32, #tpu.memory_space<hbm>>) dst(%dma_wait3A_911 : memref<128x128xi32, #tpu.memory_space<vmem>>)
    %iota3A = tpu.iota {dimensions = array<i32: 0>} : vector<16xi32>
    %mul3A_918 = arith.constant 4 : i32
    %mul3A_919 = vector.broadcast %mul3A_918 : i32 to vector<16xi32>
    %mul3A_920 = arith.muli %iota3A, %mul3A_919 : vector<16xi32>
    %broadcast_in_dim3A_921 = arith.constant 255 : i32
    %broadcast_in_dim3A_922 = vector.broadcast %broadcast_in_dim3A_921 : i32 to vector<16xi32>
    %broadcast_in_dim3A_923 = arith.constant 7 : i32
    %broadcast_in_dim3A_924 = vector.broadcast %broadcast_in_dim3A_923 : i32 to vector<16xi32>
    %scan3A = arith.constant 0 : i32
    %scan3A_925 = arith.constant 0 : i32
    %scan3A_926 = arith.constant 32 : i32
    %scan3A_927 = arith.addi %scan3A_925, %scan3A_926 : i32
    %scan3A_928 = arith.constant 1 : i32
    scf.for %scan3A_932 = %scan3A_925 to %scan3A_927 step %scan3A_928  : i32 {
      %mul3A_933 = arith.constant 16 : i32
      %mul3A_934 = arith.muli %scan3A_932, %mul3A_933 : i32
      %get3A_935 = arith.index_cast %mul3A_934 : i32 to index
      %get3A_936 = tpu.vector_load %arg12[%get3A_935] {strides = array<i32>} : memref<512xf32, #tpu.memory_space<vmem>>, vector<16xf32>,
      %jit3A = arith.constant 8 : i32
      %div3A = arith.divsi %scan3A_932, %jit3A : i32
      %sign3A = arith.constant 0 : i32
      %sign3A_937 = arith.cmpi sgt, %scan3A_932, %sign3A : i32
      %sign3A_938 = arith.extui %sign3A_937 : i1 to i32
      %sign3A_939 = arith.constant 0 : i32
      %sign3A_940 = arith.cmpi slt, %scan3A_932, %sign3A_939 : i32
      %sign3A_941 = arith.extui %sign3A_940 : i1 to i32
      %sign3A_942 = arith.subi %sign3A_938, %sign3A_941 : i32
      %sign3A_943 = arith.constant 0 : i32
      %sign3A_944 = arith.cmpi sgt, %jit3A, %sign3A_943 : i32
      %sign3A_945 = arith.extui %sign3A_944 : i1 to i32
      %sign3A_946 = arith.constant 0 : i32
      %sign3A_947 = arith.cmpi slt, %jit3A, %sign3A_946 : i32
      %sign3A_948 = arith.extui %sign3A_947 : i1 to i32
      %sign3A_949 = arith.subi %sign3A_945, %sign3A_948 : i32
      %ne3A = arith.cmpi ne, %sign3A_942, %sign3A_949 : i32
      %rem3A = arith.remsi %scan3A_932, %jit3A : i32
      %ne3A_950 = arith.constant 0 : i32
      %ne3A_951 = arith.cmpi ne, %rem3A, %ne3A_950 : i32
      %and3A_952 = arith.andi %ne3A, %ne3A_951 : i1
      %sub3A = arith.constant 1 : i32
      %sub3A_953 = arith.subi %div3A, %sub3A : i32
      %select_n3A = arith.select %and3A_952, %sub3A_953, %div3A : i32
      %jit3A_954 = arith.constant 8 : i32
      %eq3A = arith.constant 0 : i32
      %eq3A_955 = arith.cmpi eq, %jit3A_954, %eq3A : i32
      %jit3A_956 = arith.constant 1 : i32
      %select_n3A_957 = arith.select %eq3A_955, %jit3A_956, %jit3A_954 : i32
      %rem3A_958 = arith.remsi %scan3A_932, %select_n3A_957 : i32
      %ne3A_959 = arith.constant 0 : i32
      %ne3A_960 = arith.cmpi ne, %rem3A_958, %ne3A_959 : i32
      %lt3A = arith.constant 0 : i32
      %lt3A_961 = arith.cmpi slt, %rem3A_958, %lt3A : i32
      %lt3A_962 = arith.constant 0 : i32
      %lt3A_963 = arith.cmpi slt, %select_n3A_957, %lt3A_962 : i32
      %ne3A_964 = arith.xori %lt3A_961, %lt3A_963 : i1
      %and3A_965 = arith.andi %ne3A_964, %ne3A_960 : i1
      %add3A_966 = arith.addi %rem3A_958, %select_n3A_957 : i32
      %select_n3A_967 = arith.select %and3A_965, %add3A_966, %rem3A_958 : i32
      %mul3A_968 = arith.constant 16 : i32
      %mul3A_969 = arith.muli %select_n3A_967, %mul3A_968 : i32
      %get3A_970 = arith.index_cast %select_n3A : i32 to index
      %get3A_971 = arith.index_cast %mul3A_969 : i32 to index
      %get3A_972 = tpu.vector_load %arg7[%get3A_970, %get3A_971] {strides = array<i32>} : memref<4x128xi32, #tpu.memory_space<vmem>>, vector<16xi32>,
      %shift_right_logical3A_973 = arith.constant 11 : i32
      %shift_right_logical3A_974 = vector.broadcast %shift_right_logical3A_973 : i32 to vector<16xi32>
      %shift_right_logical3A_975 = arith.shrui %get3A_972, %shift_right_logical3A_974 : vector<16xi32>
      %and3A_976 = arith.andi %shift_right_logical3A_975, %broadcast_in_dim3A_924 : vector<16xi32>
      %shift_left3A_977 = arith.constant 4 : i32
      %shift_left3A_978 = vector.broadcast %shift_left3A_977 : i32 to vector<16xi32>
      %shift_left3A_979 = arith.shli %and3A_976, %shift_left3A_978 : vector<16xi32>
      %slice3A = vector.extract_strided_slice %get3A_936 {offsets = [0], sizes = [1], strides = [1]} : vector<16xf32> to vector<1xf32>
      %squeeze3A = vector.extract %slice3A[0] : f32 from vector<1xf32>
      %add3A_980 = arith.constant 0 : i32
      %add3A_981 = arith.addi %mul3A_934, %add3A_980 : i32
      %slice3A_982 = vector.extract_strided_slice %shift_left3A_979 {offsets = [0], sizes = [1], strides = [1]} : vector<16xi32> to vector<1xi32>
      %squeeze3A_983 = vector.extract %slice3A_982[0] : i32 from vector<1xi32>
      %get3A_984 = arith.index_cast %add3A_981 : i32 to index
      %get3A_985 = arith.index_cast %squeeze3A_983 : i32 to index
      %get3A_986 = tpu.vector_load %arg9[%get3A_984, %get3A_985] {strides = array<i32>} : memref<512x128xi32, #tpu.memory_space<vmem>>, vector<16xi32>,
      %add3A_987 = arith.constant 0 : i32
      %add3A_988 = arith.addi %mul3A_934, %add3A_987 : i32
      %mul3A_989 = arith.constant 64 : i32
      %mul3A_990 = arith.muli %add3A_988, %mul3A_989 : i32
      %add3A_991 = vector.broadcast %mul3A_990 : i32 to vector<16xi32>
      %add3A_992 = arith.addi %add3A_991, %mul3A_920 : vector<16xi32>
      %shift_right_logical3A_993 = arith.constant 0 : i32
      %shift_right_logical3A_994 = vector.broadcast %shift_right_logical3A_993 : i32 to vector<16xi32>
      %shift_right_logical3A_995 = arith.shrui %get3A_986, %shift_right_logical3A_994 : vector<16xi32>
      %and3A_996 = arith.andi %shift_right_logical3A_995, %broadcast_in_dim3A_922 : vector<16xi32>
      %gather3A_997 = tpu.vector_load_idx %arg10[%and3A_996] : memref<256xf32, #tpu.memory_space<vmem>>[vector<16xi32>], vector<16xf32>,
      %mul3A_998 = vector.broadcast %squeeze3A : f32 to vector<16xf32>
      %mul3A_999 = arith.mulf %gather3A_997, %mul3A_998 : vector<16xf32>
      %add3A_1000 = arith.constant 0 : i32
      %add3A_1001 = vector.broadcast %add3A_1000 : i32 to vector<16xi32>
      %add3A_1002 = arith.addi %add3A_992, %add3A_1001 : vector<16xi32>
      tpu.vector_store_idx %arg13[%add3A_1002], %mul3A_999 : memref<32768xf32, #tpu.memory_space<vmem>>[vector<16xi32>], vector<16xf32>,
      %shift_right_logical3A_1003 = arith.constant 8 : i32
      %shift_right_logical3A_1004 = vector.broadcast %shift_right_logical3A_1003 : i32 to vector<16xi32>
      %shift_right_logical3A_1005 = arith.shrui %get3A_986, %shift_right_logical3A_1004 : vector<16xi32>
      %and3A_1006 = arith.andi %shift_right_logical3A_1005, %broadcast_in_dim3A_922 : vector<16xi32>
      %gather3A_1007 = tpu.vector_load_idx %arg10[%and3A_1006] : memref<256xf32, #tpu.memory_space<vmem>>[vector<16xi32>], vector<16xf32>,
      %mul3A_1008 = vector.broadcast %squeeze3A : f32 to vector<16xf32>
      %mul3A_1009 = arith.mulf %gather3A_1007, %mul3A_1008 : vector<16xf32>
      %add3A_1010 = arith.constant 1 : i32
      %add3A_1011 = vector.broadcast %add3A_1010 : i32 to vector<16xi32>
      %add3A_1012 = arith.addi %add3A_992, %add3A_1011 : vector<16xi32>
      tpu.vector_store_idx %arg13[%add3A_1012], %mul3A_1009 : memref<32768xf32, #tpu.memory_space<vmem>>[vector<16xi32>], vector<16xf32>,
      %shift_right_logical3A_1013 = arith.constant 16 : i32
      %shift_right_logical3A_1014 = vector.broadcast %shift_right_logical3A_1013 : i32 to vector<16xi32>
      %shift_right_logical3A_1015 = arith.shrui %get3A_986, %shift_right_logical3A_1014 : vector<16xi32>
      %and3A_1016 = arith.andi %shift_right_logical3A_1015, %broadcast_in_dim3A_922 : vector<16xi32>
      %gather3A_1017 = tpu.vector_load_idx %arg10[%and3A_1016] : memref<256xf32, #tpu.memory_space<vmem>>[vector<16xi32>], vector<16xf32>,
      %mul3A_1018 = vector.broadcast %squeeze3A : f32 to vector<16xf32>
      %mul3A_1019 = arith.mulf %gather3A_1017, %mul3A_1018 : vector<16xf32>
      %add3A_1020 = arith.constant 2 : i32
      %add3A_1021 = vector.broadcast %add3A_1020 : i32 to vector<16xi32>
      %add3A_1022 = arith.addi %add3A_992, %add3A_1021 : vector<16xi32>
      tpu.vector_store_idx %arg13[%add3A_1022], %mul3A_1019 : memref<32768xf32, #tpu.memory_space<vmem>>[vector<16xi32>], vector<16xf32>,
      %shift_right_logical3A_1023 = arith.constant 24 : i32
      %shift_right_logical3A_1024 = vector.broadcast %shift_right_logical3A_1023 : i32 to vector<16xi32>
      %shift_right_logical3A_1025 = arith.shrui %get3A_986, %shift_right_logical3A_1024 : vector<16xi32>
      %and3A_1026 = arith.andi %shift_right_logical3A_1025, %broadcast_in_dim3A_922 : vector<16xi32>
      %gather3A_1027 = tpu.vector_load_idx %arg10[%and3A_1026] : memref<256xf32, #tpu.memory_space<vmem>>[vector<16xi32>], vector<16xf32>,
      %mul3A_1028 = vector.broadcast %squeeze3A : f32 to vector<16xf32>
      %mul3A_1029 = arith.mulf %gather3A_1027, %mul3A_1028 : vector<16xf32>
      %add3A_1030 = arith.constant 3 : i32
      %add3A_1031 = vector.broadcast %add3A_1030 : i32 to vector<16xi32>
      %add3A_1032 = arith.addi %add3A_992, %add3A_1031 : vector<16xi32>
      tpu.vector_store_idx %arg13[%add3A_1032], %mul3A_1029 : memref<32768xf32, #tpu.memory_space<vmem>>[vector<16xi32>], vector<16xf32>,
      %slice3A_1033 = vector.extract_strided_slice %get3A_936 {offsets = [1], sizes = [1], strides = [1]} : vector<16xf32> to vector<1xf32>
      %squeeze3A_1034 = vector.extract %slice3A_1033[0] : f32 from vector<1xf32>
      %add3A_1035 = arith.constant 1 : i32
      %add3A_1036 = arith.addi %mul3A_934, %add3A_1035 : i32
      %slice3A_1037 = vector.extract_strided_slice %shift_left3A_979 {offsets = [1], sizes = [1], strides = [1]} : vector<16xi32> to vector<1xi32>
      %squeeze3A_1038 = vector.extract %slice3A_1037[0] : i32 from vector<1xi32>
      %get3A_1039 = arith.index_cast %add3A_1036 : i32 to index
      %get3A_1040 = arith.index_cast %squeeze3A_1038 : i32 to index
      %get3A_1041 = tpu.vector_load %arg9[%get3A_1039, %get3A_1040] {strides = array<i32>} : memref<512x128xi32, #tpu.memory_space<vmem>>, vector<16xi32>,
      %add3A_1042 = arith.constant 1 : i32
      %add3A_1043 = arith.addi %mul3A_934, %add3A_1042 : i32
      %mul3A_1044 = arith.constant 64 : i32
      %mul3A_1045 = arith.muli %add3A_1043, %mul3A_1044 : i32
      %add3A_1046 = vector.broadcast %mul3A_1045 : i32 to vector<16xi32>
      %add3A_1047 = arith.addi %add3A_1046, %mul3A_920 : vector<16xi32>
      %shift_right_logical3A_1048 = arith.constant 0 : i32
      %shift_right_logical3A_1049 = vector.broadcast %shift_right_logical3A_1048 : i32 to vector<16xi32>
      %shift_right_logical3A_1050 = arith.shrui %get3A_1041, %shift_right_logical3A_1049 : vector<16xi32>
      %and3A_1051 = arith.andi %shift_right_logical3A_1050, %broadcast_in_dim3A_922 : vector<16xi32>
      %gather3A_1052 = tpu.vector_load_idx %arg10[%and3A_1051] : memref<256xf32, #tpu.memory_space<vmem>>[vector<16xi32>], vector<16xf32>,
      %mul3A_1053 = vector.broadcast %squeeze3A_1034 : f32 to vector<16xf32>
      %mul3A_1054 = arith.mulf %gather3A_1052, %mul3A_1053 : vector<16xf32>
      %add3A_1055 = arith.constant 0 : i32
      %add3A_1056 = vector.broadcast %add3A_1055 : i32 to vector<16xi32>
      %add3A_1057 = arith.addi %add3A_1047, %add3A_1056 : vector<16xi32>
      tpu.vector_store_idx %arg13[%add3A_1057], %mul3A_1054 : memref<32768xf32, #tpu.memory_space<vmem>>[vector<16xi32>], vector<16xf32>,
      %shift_right_logical3A_1058 = arith.constant 8 : i32
      %shift_right_logical3A_1059 = vector.broadcast %shift_right_logical3A_1058 : i32 to vector<16xi32>
      %shift_right_logical3A_1060 = arith.shrui %get3A_1041, %shift_right_logical3A_1059 : vector<16xi32>
      %and3A_1061 = arith.andi %shift_right_logical3A_1060, %broadcast_in_dim3A_922 : vector<16xi32>
      %gather3A_1062 = tpu.vector_load_idx %arg10[%and3A_1061] : memref<256xf32, #tpu.memory_space<vmem>>[vector<16xi32>], vector<16xf32>,
      %mul3A_1063 = vector.broadcast %squeeze3A_1034 : f32 to vector<16xf32>
      %mul3A_1064 = arith.mulf %gather3A_1062, %mul3A_1063 : vector<16xf32>
      %add3A_1065 = arith.constant 1 : i32
      %add3A_1066 = vector.broadcast %add3A_1065 : i32 to vector<16xi32>
      %add3A_1067 = arith.addi %add3A_1047, %add3A_1066 : vector<16xi32>
      tpu.vector_store_idx %arg13[%add3A_1067], %mul3A_1064 : memref<32768xf32, #tpu.memory_space<vmem>>[vector<16xi32>], vector<16xf32>,
      %shift_right_logical3A_1068 = arith.constant 16 : i32
      %shift_right_logical3A_1069 = vector.broadcast %shift_right_logical3A_1068 : i32 to vector<16xi32>
      %shift_right_logical3A_1070 = arith.shrui %get3A_1041, %shift_right_logical3A_1069 : vector<16xi32>
      %and3A_1071 = arith.andi %shift_right_logical3A_1070, %broadcast_in_dim3A_922 : vector<16xi32>
      %gather3A_1072 = tpu.vector_load_idx %arg10[%and3A_1071] : memref<256xf32, #tpu.memory_space<vmem>>[vector<16xi32>], vector<16xf32>,
      %mul3A_1073 = vector.broadcast %squeeze3A_1034 : f32 to vector<16xf32>
      %mul3A_1074 = arith.mulf %gather3A_1072, %mul3A_1073 : vector<16xf32>
      %add3A_1075 = arith.constant 2 : i32
      %add3A_1076 = vector.broadcast %add3A_1075 : i32 to vector<16xi32>
      %add3A_1077 = arith.addi %add3A_1047, %add3A_1076 : vector<16xi32>
      tpu.vector_store_idx %arg13[%add3A_1077], %mul3A_1074 : memref<32768xf32, #tpu.memory_space<vmem>>[vector<16xi32>], vector<16xf32>,
      %shift_right_logical3A_1078 = arith.constant 24 : i32
      %shift_right_logical3A_1079 = vector.broadcast %shift_right_logical3A_1078 : i32 to vector<16xi32>
      %shift_right_logical3A_1080 = arith.shrui %get3A_1041, %shift_right_logical3A_1079 : vector<16xi32>
      %and3A_1081 = arith.andi %shift_right_logical3A_1080, %broadcast_in_dim3A_922 : vector<16xi32>
      %gather3A_1082 = tpu.vector_load_idx %arg10[%and3A_1081] : memref<256xf32, #tpu.memory_space<vmem>>[vector<16xi32>], vector<16xf32>,
      %mul3A_1083 = vector.broadcast %squeeze3A_1034 : f32 to vector<16xf32>
      %mul3A_1084 = arith.mulf %gather3A_1082, %mul3A_1083 : vector<16xf32>
      %add3A_1085 = arith.constant 3 : i32
      %add3A_1086 = vector.broadcast %add3A_1085 : i32 to vector<16xi32>
      %add3A_1087 = arith.addi %add3A_1047, %add3A_1086 : vector<16xi32>
      tpu.vector_store_idx %arg13[%add3A_1087], %mul3A_1084 : memref<32768xf32, #tpu.memory_space<vmem>>[vector<16xi32>], vector<16xf32>,
      %slice3A_1088 = vector.extract_strided_slice %get3A_936 {offsets = [2], sizes = [1], strides = [1]} : vector<16xf32> to vector<1xf32>
      %squeeze3A_1089 = vector.extract %slice3A_1088[0] : f32 from vector<1xf32>
      %add3A_1090 = arith.constant 2 : i32
      %add3A_1091 = arith.addi %mul3A_934, %add3A_1090 : i32
      %slice3A_1092 = vector.extract_strided_slice %shift_left3A_979 {offsets = [2], sizes = [1], strides = [1]} : vector<16xi32> to vector<1xi32>
      %squeeze3A_1093 = vector.extract %slice3A_1092[0] : i32 from vector<1xi32>
      %get3A_1094 = arith.index_cast %add3A_1091 : i32 to index
      %get3A_1095 = arith.index_cast %squeeze3A_1093 : i32 to index
      %get3A_1096 = tpu.vector_load %arg9[%get3A_1094, %get3A_1095] {strides = array<i32>} : memref<512x128xi32, #tpu.memory_space<vmem>>, vector<16xi32>,
      %add3A_1097 = arith.constant 2 : i32
      %add3A_1098 = arith.addi %mul3A_934, %add3A_1097 : i32
      %mul3A_1099 = arith.constant 64 : i32
      %mul3A_1100 = arith.muli %add3A_1098, %mul3A_1099 : i32
      %add3A_1101 = vector.broadcast %mul3A_1100 : i32 to vector<16xi32>
      %add3A_1102 = arith.addi %add3A_1101, %mul3A_920 : vector<16xi32>
      %shift_right_logical3A_1103 = arith.constant 0 : i32
      %shift_right_logical3A_1104 = vector.broadcast %shift_right_logical3A_1103 : i32 to vector<16xi32>
      %shift_right_logical3A_1105 = arith.shrui %get3A_1096, %shift_right_logical3A_1104 : vector<16xi32>
      %and3A_1106 = arith.andi %shift_right_logical3A_1105, %broadcast_in_dim3A_922 : vector<16xi32>
      %gather3A_1107 = tpu.vector_load_idx %arg10[%and3A_1106] : memref<256xf32, #tpu.memory_space<vmem>>[vector<16xi32>], vector<16xf32>,
      %mul3A_1108 = vector.broadcast %squeeze3A_1089 : f32 to vector<16xf32>
      %mul3A_1109 = arith.mulf %gather3A_1107, %mul3A_1108 : vector<16xf32>
      %add3A_1110 = arith.constant 0 : i32
      %add3A_1111 = vector.broadcast %add3A_1110 : i32 to vector<16xi32>
      %add3A_1112 = arith.addi %add3A_1102, %add3A_1111 : vector<16xi32>
      tpu.vector_store_idx %arg13[%add3A_1112], %mul3A_1109 : memref<32768xf32, #tpu.memory_space<vmem>>[vector<16xi32>], vector<16xf32>,
      %shift_right_logical3A_1113 = arith.constant 8 : i32
      %shift_right_logical3A_1114 = vector.broadcast %shift_right_logical3A_1113 : i32 to vector<16xi32>
      %shift_right_logical3A_1115 = arith.shrui %get3A_1096, %shift_right_logical3A_1114 : vector<16xi32>
      %and3A_1116 = arith.andi %shift_right_logical3A_1115, %broadcast_in_dim3A_922 : vector<16xi32>
      %gather3A_1117 = tpu.vector_load_idx %arg10[%and3A_1116] : memref<256xf32, #tpu.memory_space<vmem>>[vector<16xi32>], vector<16xf32>,
      %mul3A_1118 = vector.broadcast %squeeze3A_1089 : f32 to vector<16xf32>
      %mul3A_1119 = arith.mulf %gather3A_1117, %mul3A_1118 : vector<16xf32>
      %add3A_1120 = arith.constant 1 : i32
      %add3A_1121 = vector.broadcast %add3A_1120 : i32 to vector<16xi32>
      %add3A_1122 = arith.addi %add3A_1102, %add3A_1121 : vector<16xi32>
      tpu.vector_store_idx %arg13[%add3A_1122], %mul3A_1119 : memref<32768xf32, #tpu.memory_space<vmem>>[vector<16xi32>], vector<16xf32>,
      %shift_right_logical3A_1123 = arith.constant 16 : i32
      %shift_right_logical3A_1124 = vector.broadcast %shift_right_logical3A_1123 : i32 to vector<16xi32>
      %shift_right_logical3A_1125 = arith.shrui %get3A_1096, %shift_right_logical3A_1124 : vector<16xi32>
      %and3A_1126 = arith.andi %shift_right_logical3A_1125, %broadcast_in_dim3A_922 : vector<16xi32>
      %gather3A_1127 = tpu.vector_load_idx %arg10[%and3A_1126] : memref<256xf32, #tpu.memory_space<vmem>>[vector<16xi32>], vector<16xf32>,
      %mul3A_1128 = vector.broadcast %squeeze3A_1089 : f32 to vector<16xf32>
      %mul3A_1129 = arith.mulf %gather3A_1127, %mul3A_1128 : vector<16xf32>
      %add3A_1130 = arith.constant 2 : i32
      %add3A_1131 = vector.broadcast %add3A_1130 : i32 to vector<16xi32>
      %add3A_1132 = arith.addi %add3A_1102, %add3A_1131 : vector<16xi32>
      tpu.vector_store_idx %arg13[%add3A_1132], %mul3A_1129 : memref<32768xf32, #tpu.memory_space<vmem>>[vector<16xi32>], vector<16xf32>,
      %shift_right_logical3A_1133 = arith.constant 24 : i32
      %shift_right_logical3A_1134 = vector.broadcast %shift_right_logical3A_1133 : i32 to vector<16xi32>
      %shift_right_logical3A_1135 = arith.shrui %get3A_1096, %shift_right_logical3A_1134 : vector<16xi32>
      %and3A_1136 = arith.andi %shift_right_logical3A_1135, %broadcast_in_dim3A_922 : vector<16xi32>
      %gather3A_1137 = tpu.vector_load_idx %arg10[%and3A_1136] : memref<256xf32, #tpu.memory_space<vmem>>[vector<16xi32>], vector<16xf32>,
      %mul3A_1138 = vector.broadcast %squeeze3A_1089 : f32 to vector<16xf32>
      %mul3A_1139 = arith.mulf %gather3A_1137, %mul3A_1138 : vector<16xf32>
      %add3A_1140 = arith.constant 3 : i32
      %add3A_1141 = vector.broadcast %add3A_1140 : i32 to vector<16xi32>
      %add3A_1142 = arith.addi %add3A_1102, %add3A_1141 : vector<16xi32>
      tpu.vector_store_idx %arg13[%add3A_1142], %mul3A_1139 : memref<32768xf32, #tpu.memory_space<vmem>>[vector<16xi32>], vector<16xf32>,
      %slice3A_1143 = vector.extract_strided_slice %get3A_936 {offsets = [3], sizes = [1], strides = [1]} : vector<16xf32> to vector<1xf32>
      %squeeze3A_1144 = vector.extract %slice3A_1143[0] : f32 from vector<1xf32>
      %add3A_1145 = arith.constant 3 : i32
      %add3A_1146 = arith.addi %mul3A_934, %add3A_1145 : i32
      %slice3A_1147 = vector.extract_strided_slice %shift_left3A_979 {offsets = [3], sizes = [1], strides = [1]} : vector<16xi32> to vector<1xi32>
      %squeeze3A_1148 = vector.extract %slice3A_1147[0] : i32 from vector<1xi32>
      %get3A_1149 = arith.index_cast %add3A_1146 : i32 to index
      %get3A_1150 = arith.index_cast %squeeze3A_1148 : i32 to index
      %get3A_1151 = tpu.vector_load %arg9[%get3A_1149, %get3A_1150] {strides = array<i32>} : memref<512x128xi32, #tpu.memory_space<vmem>>, vector<16xi32>,
      %add3A_1152 = arith.constant 3 : i32
      %add3A_1153 = arith.addi %mul3A_934, %add3A_1152 : i32
      %mul3A_1154 = arith.constant 64 : i32
      %mul3A_1155 = arith.muli %add3A_1153, %mul3A_1154 : i32
      %add3A_1156 = vector.broadcast %mul3A_1155 : i32 to vector<16xi32>
      %add3A_1157 = arith.addi %add3A_1156, %mul3A_920 : vector<16xi32>
      %shift_right_logical3A_1158 = arith.constant 0 : i32
      %shift_right_logical3A_1159 = vector.broadcast %shift_right_logical3A_1158 : i32 to vector<16xi32>
      %shift_right_logical3A_1160 = arith.shrui %get3A_1151, %shift_right_logical3A_1159 : vector<16xi32>
      %and3A_1161 = arith.andi %shift_right_logical3A_1160, %broadcast_in_dim3A_922 : vector<16xi32>
      %gather3A_1162 = tpu.vector_load_idx %arg10[%and3A_1161] : memref<256xf32, #tpu.memory_space<vmem>>[vector<16xi32>], vector<16xf32>,
      %mul3A_1163 = vector.broadcast %squeeze3A_1144 : f32 to vector<16xf32>
      %mul3A_1164 = arith.mulf %gather3A_1162, %mul3A_1163 : vector<16xf32>
      %add3A_1165 = arith.constant 0 : i32
      %add3A_1166 = vector.broadcast %add3A_1165 : i32 to vector<16xi32>
      %add3A_1167 = arith.addi %add3A_1157, %add3A_1166 : vector<16xi32>
      tpu.vector_store_idx %arg13[%add3A_1167], %mul3A_1164 : memref<32768xf32, #tpu.memory_space<vmem>>[vector<16xi32>], vector<16xf32>,
      %shift_right_logical3A_1168 = arith.constant 8 : i32
      %shift_right_logical3A_1169 = vector.broadcast %shift_right_logical3A_1168 : i32 to vector<16xi32>
      %shift_right_logical3A_1170 = arith.shrui %get3A_1151, %shift_right_logical3A_1169 : vector<16xi32>
      %and3A_1171 = arith.andi %shift_right_logical3A_1170, %broadcast_in_dim3A_922 : vector<16xi32>
      %gather3A_1172 = tpu.vector_load_idx %arg10[%and3A_1171] : memref<256xf32, #tpu.memory_space<vmem>>[vector<16xi32>], vector<16xf32>,
      %mul3A_1173 = vector.broadcast %squeeze3A_1144 : f32 to vector<16xf32>
      %mul3A_1174 = arith.mulf %gather3A_1172, %mul3A_1173 : vector<16xf32>
      %add3A_1175 = arith.constant 1 : i32
      %add3A_1176 = vector.broadcast %add3A_1175 : i32 to vector<16xi32>
      %add3A_1177 = arith.addi %add3A_1157, %add3A_1176 : vector<16xi32>
      tpu.vector_store_idx %arg13[%add3A_1177], %mul3A_1174 : memref<32768xf32, #tpu.memory_space<vmem>>[vector<16xi32>], vector<16xf32>,
      %shift_right_logical3A_1178 = arith.constant 16 : i32
      %shift_right_logical3A_1179 = vector.broadcast %shift_right_logical3A_1178 : i32 to vector<16xi32>
      %shift_right_logical3A_1180 = arith.shrui %get3A_1151, %shift_right_logical3A_1179 : vector<16xi32>
      %and3A_1181 = arith.andi %shift_right_logical3A_1180, %broadcast_in_dim3A_922 : vector<16xi32>
      %gather3A_1182 = tpu.vector_load_idx %arg10[%and3A_1181] : memref<256xf32, #tpu.memory_space<vmem>>[vector<16xi32>], vector<16xf32>,
      %mul3A_1183 = vector.broadcast %squeeze3A_1144 : f32 to vector<16xf32>
      %mul3A_1184 = arith.mulf %gather3A_1182, %mul3A_1183 : vector<16xf32>
      %add3A_1185 = arith.constant 2 : i32
      %add3A_1186 = vector.broadcast %add3A_1185 : i32 to vector<16xi32>
      %add3A_1187 = arith.addi %add3A_1157, %add3A_1186 : vector<16xi32>
      tpu.vector_store_idx %arg13[%add3A_1187], %mul3A_1184 : memref<32768xf32, #tpu.memory_space<vmem>>[vector<16xi32>], vector<16xf32>,
      %shift_right_logical3A_1188 = arith.constant 24 : i32
      %shift_right_logical3A_1189 = vector.broadcast %shift_right_logical3A_1188 : i32 to vector<16xi32>
      %shift_right_logical3A_1190 = arith.shrui %get3A_1151, %shift_right_logical3A_1189 : vector<16xi32>
      %and3A_1191 = arith.andi %shift_right_logical3A_1190, %broadcast_in_dim3A_922 : vector<16xi32>
      %gather3A_1192 = tpu.vector_load_idx %arg10[%and3A_1191] : memref<256xf32, #tpu.memory_space<vmem>>[vector<16xi32>], vector<16xf32>,
      %mul3A_1193 = vector.broadcast %squeeze3A_1144 : f32 to vector<16xf32>
      %mul3A_1194 = arith.mulf %gather3A_1192, %mul3A_1193 : vector<16xf32>
      %add3A_1195 = arith.constant 3 : i32
      %add3A_1196 = vector.broadcast %add3A_1195 : i32 to vector<16xi32>
      %add3A_1197 = arith.addi %add3A_1157, %add3A_1196 : vector<16xi32>
      tpu.vector_store_idx %arg13[%add3A_1197], %mul3A_1194 : memref<32768xf32, #tpu.memory_space<vmem>>[vector<16xi32>], vector<16xf32>,
      %slice3A_1198 = vector.extract_strided_slice %get3A_936 {offsets = [4], sizes = [1], strides = [1]} : vector<16xf32> to vector<1xf32>
      %squeeze3A_1199 = vector.extract %slice3A_1198[0] : f32 from vector<1xf32>
      %add3A_1200 = arith.constant 4 : i32
      %add3A_1201 = arith.addi %mul3A_934, %add3A_1200 : i32
      %slice3A_1202 = vector.extract_strided_slice %shift_left3A_979 {offsets = [4], sizes = [1], strides = [1]} : vector<16xi32> to vector<1xi32>
      %squeeze3A_1203 = vector.extract %slice3A_1202[0] : i32 from vector<1xi32>
      %get3A_1204 = arith.index_cast %add3A_1201 : i32 to index
      %get3A_1205 = arith.index_cast %squeeze3A_1203 : i32 to index
      %get3A_1206 = tpu.vector_load %arg9[%get3A_1204, %get3A_1205] {strides = array<i32>} : memref<512x128xi32, #tpu.memory_space<vmem>>, vector<16xi32>,
      %add3A_1207 = arith.constant 4 : i32
      %add3A_1208 = arith.addi %mul3A_934, %add3A_1207 : i32
      %mul3A_1209 = arith.constant 64 : i32
      %mul3A_1210 = arith.muli %add3A_1208, %mul3A_1209 : i32
      %add3A_1211 = vector.broadcast %mul3A_1210 : i32 to vector<16xi32>
      %add3A_1212 = arith.addi %add3A_1211, %mul3A_920 : vector<16xi32>
      %shift_right_logical3A_1213 = arith.constant 0 : i32
      %shift_right_logical3A_1214 = vector.broadcast %shift_right_logical3A_1213 : i32 to vector<16xi32>
      %shift_right_logical3A_1215 = arith.shrui %get3A_1206, %shift_right_logical3A_1214 : vector<16xi32>
      %and3A_1216 = arith.andi %shift_right_logical3A_1215, %broadcast_in_dim3A_922 : vector<16xi32>
      %gather3A_1217 = tpu.vector_load_idx %arg10[%and3A_1216] : memref<256xf32, #tpu.memory_space<vmem>>[vector<16xi32>], vector<16xf32>,
      %mul3A_1218 = vector.broadcast %squeeze3A_1199 : f32 to vector<16xf32>
      %mul3A_1219 = arith.mulf %gather3A_1217, %mul3A_1218 : vector<16xf32>
      %add3A_1220 = arith.constant 0 : i32
      %add3A_1221 = vector.broadcast %add3A_1220 : i32 to vector<16xi32>
      %add3A_1222 = arith.addi %add3A_1212, %add3A_1221 : vector<16xi32>
      tpu.vector_store_idx %arg13[%add3A_1222], %mul3A_1219 : memref<32768xf32, #tpu.memory_space<vmem>>[vector<16xi32>], vector<16xf32>,
      %shift_right_logical3A_1223 = arith.constant 8 : i32
      %shift_right_logical3A_1224 = vector.broadcast %shift_right_logical3A_1223 : i32 to vector<16xi32>
      %shift_right_logical3A_1225 = arith.shrui %get3A_1206, %shift_right_logical3A_1224 : vector<16xi32>
      %and3A_1226 = arith.andi %shift_right_logical3A_1225, %broadcast_in_dim3A_922 : vector<16xi32>
      %gather3A_1227 = tpu.vector_load_idx %arg10[%and3A_1226] : memref<256xf32, #tpu.memory_space<vmem>>[vector<16xi32>], vector<16xf32>,
      %mul3A_1228 = vector.broadcast %squeeze3A_1199 : f32 to vector<16xf32>
      %mul3A_1229 = arith.mulf %gather3A_1227, %mul3A_1228 : vector<16xf32>
      %add3A_1230 = arith.constant 1 : i32
      %add3A_1231 = vector.broadcast %add3A_1230 : i32 to vector<16xi32>
      %add3A_1232 = arith.addi %add3A_1212, %add3A_1231 : vector<16xi32>
      tpu.vector_store_idx %arg13[%add3A_1232], %mul3A_1229 : memref<32768xf32, #tpu.memory_space<vmem>>[vector<16xi32>], vector<16xf32>,
      %shift_right_logical3A_1233 = arith.constant 16 : i32
      %shift_right_logical3A_1234 = vector.broadcast %shift_right_logical3A_1233 : i32 to vector<16xi32>
      %shift_right_logical3A_1235 = arith.shrui %get3A_1206, %shift_right_logical3A_1234 : vector<16xi32>
      %and3A_1236 = arith.andi %shift_right_logical3A_1235, %broadcast_in_dim3A_922 : vector<16xi32>
      %gather3A_1237 = tpu.vector_load_idx %arg10[%and3A_1236] : memref<256xf32, #tpu.memory_space<vmem>>[vector<16xi32>], vector<16xf32>,
      %mul3A_1238 = vector.broadcast %squeeze3A_1199 : f32 to vector<16xf32>
      %mul3A_1239 = arith.mulf %gather3A_1237, %mul3A_1238 : vector<16xf32>
      %add3A_1240 = arith.constant 2 : i32
      %add3A_1241 = vector.broadcast %add3A_1240 : i32 to vector<16xi32>
      %add3A_1242 = arith.addi %add3A_1212, %add3A_1241 : vector<16xi32>
      tpu.vector_store_idx %arg13[%add3A_1242], %mul3A_1239 : memref<32768xf32, #tpu.memory_space<vmem>>[vector<16xi32>], vector<16xf32>,
      %shift_right_logical3A_1243 = arith.constant 24 : i32
      %shift_right_logical3A_1244 = vector.broadcast %shift_right_logical3A_1243 : i32 to vector<16xi32>
      %shift_right_logical3A_1245 = arith.shrui %get3A_1206, %shift_right_logical3A_1244 : vector<16xi32>
      %and3A_1246 = arith.andi %shift_right_logical3A_1245, %broadcast_in_dim3A_922 : vector<16xi32>
      %gather3A_1247 = tpu.vector_load_idx %arg10[%and3A_1246] : memref<256xf32, #tpu.memory_space<vmem>>[vector<16xi32>], vector<16xf32>,
      %mul3A_1248 = vector.broadcast %squeeze3A_1199 : f32 to vector<16xf32>
      %mul3A_1249 = arith.mulf %gather3A_1247, %mul3A_1248 : vector<16xf32>
      %add3A_1250 = arith.constant 3 : i32
      %add3A_1251 = vector.broadcast %add3A_1250 : i32 to vector<16xi32>
      %add3A_1252 = arith.addi %add3A_1212, %add3A_1251 : vector<16xi32>
      tpu.vector_store_idx %arg13[%add3A_1252], %mul3A_1249 : memref<32768xf32, #tpu.memory_space<vmem>>[vector<16xi32>], vector<16xf32>,
      %slice3A_1253 = vector.extract_strided_slice %get3A_936 {offsets = [5], sizes = [1], strides = [1]} : vector<16xf32> to vector<1xf32>
      %squeeze3A_1254 = vector.extract %slice3A_1253[0] : f32 from vector<1xf32>
      %add3A_1255 = arith.constant 5 : i32
      %add3A_1256 = arith.addi %mul3A_934, %add3A_1255 : i32
      %slice3A_1257 = vector.extract_strided_slice %shift_left3A_979 {offsets = [5], sizes = [1], strides = [1]} : vector<16xi32> to vector<1xi32>
      %squeeze3A_1258 = vector.extract %slice3A_1257[0] : i32 from vector<1xi32>
      %get3A_1259 = arith.index_cast %add3A_1256 : i32 to index
      %get3A_1260 = arith.index_cast %squeeze3A_1258 : i32 to index
      %get3A_1261 = tpu.vector_load %arg9[%get3A_1259, %get3A_1260] {strides = array<i32>} : memref<512x128xi32, #tpu.memory_space<vmem>>, vector<16xi32>,
      %add3A_1262 = arith.constant 5 : i32
      %add3A_1263 = arith.addi %mul3A_934, %add3A_1262 : i32
      %mul3A_1264 = arith.constant 64 : i32
      %mul3A_1265 = arith.muli %add3A_1263, %mul3A_1264 : i32
      %add3A_1266 = vector.broadcast %mul3A_1265 : i32 to vector<16xi32>
      %add3A_1267 = arith.addi %add3A_1266, %mul3A_920 : vector<16xi32>
      %shift_right_logical3A_1268 = arith.constant 0 : i32
      %shift_right_logical3A_1269 = vector.broadcast %shift_right_logical3A_1268 : i32 to vector<16xi32>
      %shift_right_logical3A_1270 = arith.shrui %get3A_1261, %shift_right_logical3A_1269 : vector<16xi32>
      %and3A_1271 = arith.andi %shift_right_logical3A_1270, %broadcast_in_dim3A_922 : vector<16xi32>
      %gather3A_1272 = tpu.vector_load_idx %arg10[%and3A_1271] : memref<256xf32, #tpu.memory_space<vmem>>[vector<16xi32>], vector<16xf32>,
      %mul3A_1273 = vector.broadcast %squeeze3A_1254 : f32 to vector<16xf32>
      %mul3A_1274 = arith.mulf %gather3A_1272, %mul3A_1273 : vector<16xf32>
      %add3A_1275 = arith.constant 0 : i32
      %add3A_1276 = vector.broadcast %add3A_1275 : i32 to vector<16xi32>
      %add3A_1277 = arith.addi %add3A_1267, %add3A_1276 : vector<16xi32>
      tpu.vector_store_idx %arg13[%add3A_1277], %mul3A_1274 : memref<32768xf32, #tpu.memory_space<vmem>>[vector<16xi32>], vector<16xf32>,
      %shift_right_logical3A_1278 = arith.constant 8 : i32
      %shift_right_logical3A_1279 = vector.broadcast %shift_right_logical3A_1278 : i32 to vector<16xi32>
      %shift_right_logical3A_1280 = arith.shrui %get3A_1261, %shift_right_logical3A_1279 : vector<16xi32>
      %and3A_1281 = arith.andi %shift_right_logical3A_1280, %broadcast_in_dim3A_922 : vector<16xi32>
      %gather3A_1282 = tpu.vector_load_idx %arg10[%and3A_1281] : memref<256xf32, #tpu.memory_space<vmem>>[vector<16xi32>], vector<16xf32>,
      %mul3A_1283 = vector.broadcast %squeeze3A_1254 : f32 to vector<16xf32>
      %mul3A_1284 = arith.mulf %gather3A_1282, %mul3A_1283 : vector<16xf32>
      %add3A_1285 = arith.constant 1 : i32
      %add3A_1286 = vector.broadcast %add3A_1285 : i32 to vector<16xi32>
      %add3A_1287 = arith.addi %add3A_1267, %add3A_1286 : vector<16xi32>
      tpu.vector_store_idx %arg13[%add3A_1287], %mul3A_1284 : memref<32768xf32, #tpu.memory_space<vmem>>[vector<16xi32>], vector<16xf32>,
      %shift_right_logical3A_1288 = arith.constant 16 : i32
      %shift_right_logical3A_1289 = vector.broadcast %shift_right_logical3A_1288 : i32 to vector<16xi32>
      %shift_right_logical3A_1290 = arith.shrui %get3A_1261, %shift_right_logical3A_1289 : vector<16xi32>
      %and3A_1291 = arith.andi %shift_right_logical3A_1290, %broadcast_in_dim3A_922 : vector<16xi32>
      %gather3A_1292 = tpu.vector_load_idx %arg10[%and3A_1291] : memref<256xf32, #tpu.memory_space<vmem>>[vector<16xi32>], vector<16xf32>,
      %mul3A_1293 = vector.broadcast %squeeze3A_1254 : f32 to vector<16xf32>
      %mul3A_1294 = arith.mulf %gather3A_1292, %mul3A_1293 : vector<16xf32>
      %add3A_1295 = arith.constant 2 : i32
      %add3A_1296 = vector.broadcast %add3A_1295 : i32 to vector<16xi32>
      %add3A_1297 = arith.addi %add3A_1267, %add3A_1296 : vector<16xi32>
      tpu.vector_store_idx %arg13[%add3A_1297], %mul3A_1294 : memref<32768xf32, #tpu.memory_space<vmem>>[vector<16xi32>], vector<16xf32>,
      %shift_right_logical3A_1298 = arith.constant 24 : i32
      %shift_right_logical3A_1299 = vector.broadcast %shift_right_logical3A_1298 : i32 to vector<16xi32>
      %shift_right_logical3A_1300 = arith.shrui %get3A_1261, %shift_right_logical3A_1299 : vector<16xi32>
      %and3A_1301 = arith.andi %shift_right_logical3A_1300, %broadcast_in_dim3A_922 : vector<16xi32>
      %gather3A_1302 = tpu.vector_load_idx %arg10[%and3A_1301] : memref<256xf32, #tpu.memory_space<vmem>>[vector<16xi32>], vector<16xf32>,
      %mul3A_1303 = vector.broadcast %squeeze3A_1254 : f32 to vector<16xf32>
      %mul3A_1304 = arith.mulf %gather3A_1302, %mul3A_1303 : vector<16xf32>
      %add3A_1305 = arith.constant 3 : i32
      %add3A_1306 = vector.broadcast %add3A_1305 : i32 to vector<16xi32>
      %add3A_1307 = arith.addi %add3A_1267, %add3A_1306 : vector<16xi32>
      tpu.vector_store_idx %arg13[%add3A_1307], %mul3A_1304 : memref<32768xf32, #tpu.memory_space<vmem>>[vector<16xi32>], vector<16xf32>,
      %slice3A_1308 = vector.extract_strided_slice %get3A_936 {offsets = [6], sizes = [1], strides = [1]} : vector<16xf32> to vector<1xf32>
      %squeeze3A_1309 = vector.extract %slice3A_1308[0] : f32 from vector<1xf32>
      %add3A_1310 = arith.constant 6 : i32
      %add3A_1311 = arith.addi %mul3A_934, %add3A_1310 : i32
      %slice3A_1312 = vector.extract_strided_slice %shift_left3A_979 {offsets = [6], sizes = [1], strides = [1]} : vector<16xi32> to vector<1xi32>
      %squeeze3A_1313 = vector.extract %slice3A_1312[0] : i32 from vector<1xi32>
      %get3A_1314 = arith.index_cast %add3A_1311 : i32 to index
      %get3A_1315 = arith.index_cast %squeeze3A_1313 : i32 to index
      %get3A_1316 = tpu.vector_load %arg9[%get3A_1314, %get3A_1315] {strides = array<i32>} : memref<512x128xi32, #tpu.memory_space<vmem>>, vector<16xi32>,
      %add3A_1317 = arith.constant 6 : i32
      %add3A_1318 = arith.addi %mul3A_934, %add3A_1317 : i32
      %mul3A_1319 = arith.constant 64 : i32
      %mul3A_1320 = arith.muli %add3A_1318, %mul3A_1319 : i32
      %add3A_1321 = vector.broadcast %mul3A_1320 : i32 to vector<16xi32>
      %add3A_1322 = arith.addi %add3A_1321, %mul3A_920 : vector<16xi32>
      %shift_right_logical3A_1323 = arith.constant 0 : i32
      %shift_right_logical3A_1324 = vector.broadcast %shift_right_logical3A_1323 : i32 to vector<16xi32>
      %shift_right_logical3A_1325 = arith.shrui %get3A_1316, %shift_right_logical3A_1324 : vector<16xi32>
      %and3A_1326 = arith.andi %shift_right_logical3A_1325, %broadcast_in_dim3A_922 : vector<16xi32>
      %gather3A_1327 = tpu.vector_load_idx %arg10[%and3A_1326] : memref<256xf32, #tpu.memory_space<vmem>>[vector<16xi32>], vector<16xf32>,
      %mul3A_1328 = vector.broadcast %squeeze3A_1309 : f32 to vector<16xf32>
      %mul3A_1329 = arith.mulf %gather3A_1327, %mul3A_1328 : vector<16xf32>
      %add3A_1330 = arith.constant 0 : i32
      %add3A_1331 = vector.broadcast %add3A_1330 : i32 to vector<16xi32>
      %add3A_1332 = arith.addi %add3A_1322, %add3A_1331 : vector<16xi32>
      tpu.vector_store_idx %arg13[%add3A_1332], %mul3A_1329 : memref<32768xf32, #tpu.memory_space<vmem>>[vector<16xi32>], vector<16xf32>,
      %shift_right_logical3A_1333 = arith.constant 8 : i32
      %shift_right_logical3A_1334 = vector.broadcast %shift_right_logical3A_1333 : i32 to vector<16xi32>
      %shift_right_logical3A_1335 = arith.shrui %get3A_1316, %shift_right_logical3A_1334 : vector<16xi32>
      %and3A_1336 = arith.andi %shift_right_logical3A_1335, %broadcast_in_dim3A_922 : vector<16xi32>
      %gather3A_1337 = tpu.vector_load_idx %arg10[%and3A_1336] : memref<256xf32, #tpu.memory_space<vmem>>[vector<16xi32>], vector<16xf32>,
      %mul3A_1338 = vector.broadcast %squeeze3A_1309 : f32 to vector<16xf32>
      %mul3A_1339 = arith.mulf %gather3A_1337, %mul3A_1338 : vector<16xf32>
      %add3A_1340 = arith.constant 1 : i32
      %add3A_1341 = vector.broadcast %add3A_1340 : i32 to vector<16xi32>
      %add3A_1342 = arith.addi %add3A_1322, %add3A_1341 : vector<16xi32>
      tpu.vector_store_idx %arg13[%add3A_1342], %mul3A_1339 : memref<32768xf32, #tpu.memory_space<vmem>>[vector<16xi32>], vector<16xf32>,
      %shift_right_logical3A_1343 = arith.constant 16 : i32
      %shift_right_logical3A_1344 = vector.broadcast %shift_right_logical3A_1343 : i32 to vector<16xi32>
      %shift_right_logical3A_1345 = arith.shrui %get3A_1316, %shift_right_logical3A_1344 : vector<16xi32>
      %and3A_1346 = arith.andi %shift_right_logical3A_1345, %broadcast_in_dim3A_922 : vector<16xi32>
      %gather3A_1347 = tpu.vector_load_idx %arg10[%and3A_1346] : memref<256xf32, #tpu.memory_space<vmem>>[vector<16xi32>], vector<16xf32>,
      %mul3A_1348 = vector.broadcast %squeeze3A_1309 : f32 to vector<16xf32>
      %mul3A_1349 = arith.mulf %gather3A_1347, %mul3A_1348 : vector<16xf32>
      %add3A_1350 = arith.constant 2 : i32
      %add3A_1351 = vector.broadcast %add3A_1350 : i32 to vector<16xi32>
      %add3A_1352 = arith.addi %add3A_1322, %add3A_1351 : vector<16xi32>
      tpu.vector_store_idx %arg13[%add3A_1352], %mul3A_1349 : memref<32768xf32, #tpu.memory_space<vmem>>[vector<16xi32>], vector<16xf32>,
      %shift_right_logical3A_1353 = arith.constant 24 : i32
      %shift_right_logical3A_1354 = vector.broadcast %shift_right_logical3A_1353 : i32 to vector<16xi32>
      %shift_right_logical3A_1355 = arith.shrui %get3A_1316, %shift_right_logical3A_1354 : vector<16xi32>
      %and3A_1356 = arith.andi %shift_right_logical3A_1355, %broadcast_in_dim3A_922 : vector<16xi32>
      %gather3A_1357 = tpu.vector_load_idx %arg10[%and3A_1356] : memref<256xf32, #tpu.memory_space<vmem>>[vector<16xi32>], vector<16xf32>,
      %mul3A_1358 = vector.broadcast %squeeze3A_1309 : f32 to vector<16xf32>
      %mul3A_1359 = arith.mulf %gather3A_1357, %mul3A_1358 : vector<16xf32>
      %add3A_1360 = arith.constant 3 : i32
      %add3A_1361 = vector.broadcast %add3A_1360 : i32 to vector<16xi32>
      %add3A_1362 = arith.addi %add3A_1322, %add3A_1361 : vector<16xi32>
      tpu.vector_store_idx %arg13[%add3A_1362], %mul3A_1359 : memref<32768xf32, #tpu.memory_space<vmem>>[vector<16xi32>], vector<16xf32>,
      %slice3A_1363 = vector.extract_strided_slice %get3A_936 {offsets = [7], sizes = [1], strides = [1]} : vector<16xf32> to vector<1xf32>
      %squeeze3A_1364 = vector.extract %slice3A_1363[0] : f32 from vector<1xf32>
      %add3A_1365 = arith.constant 7 : i32
      %add3A_1366 = arith.addi %mul3A_934, %add3A_1365 : i32
      %slice3A_1367 = vector.extract_strided_slice %shift_left3A_979 {offsets = [7], sizes = [1], strides = [1]} : vector<16xi32> to vector<1xi32>
      %squeeze3A_1368 = vector.extract %slice3A_1367[0] : i32 from vector<1xi32>
      %get3A_1369 = arith.index_cast %add3A_1366 : i32 to index
      %get3A_1370 = arith.index_cast %squeeze3A_1368 : i32 to index
      %get3A_1371 = tpu.vector_load %arg9[%get3A_1369, %get3A_1370] {strides = array<i32>} : memref<512x128xi32, #tpu.memory_space<vmem>>, vector<16xi32>,
      %add3A_1372 = arith.constant 7 : i32
      %add3A_1373 = arith.addi %mul3A_934, %add3A_1372 : i32
      %mul3A_1374 = arith.constant 64 : i32
      %mul3A_1375 = arith.muli %add3A_1373, %mul3A_1374 : i32
      %add3A_1376 = vector.broadcast %mul3A_1375 : i32 to vector<16xi32>
      %add3A_1377 = arith.addi %add3A_1376, %mul3A_920 : vector<16xi32>
      %shift_right_logical3A_1378 = arith.constant 0 : i32
      %shift_right_logical3A_1379 = vector.broadcast %shift_right_logical3A_1378 : i32 to vector<16xi32>
      %shift_right_logical3A_1380 = arith.shrui %get3A_1371, %shift_right_logical3A_1379 : vector<16xi32>
      %and3A_1381 = arith.andi %shift_right_logical3A_1380, %broadcast_in_dim3A_922 : vector<16xi32>
      %gather3A_1382 = tpu.vector_load_idx %arg10[%and3A_1381] : memref<256xf32, #tpu.memory_space<vmem>>[vector<16xi32>], vector<16xf32>,
      %mul3A_1383 = vector.broadcast %squeeze3A_1364 : f32 to vector<16xf32>
      %mul3A_1384 = arith.mulf %gather3A_1382, %mul3A_1383 : vector<16xf32>
      %add3A_1385 = arith.constant 0 : i32
      %add3A_1386 = vector.broadcast %add3A_1385 : i32 to vector<16xi32>
      %add3A_1387 = arith.addi %add3A_1377, %add3A_1386 : vector<16xi32>
      tpu.vector_store_idx %arg13[%add3A_1387], %mul3A_1384 : memref<32768xf32, #tpu.memory_space<vmem>>[vector<16xi32>], vector<16xf32>,
      %shift_right_logical3A_1388 = arith.constant 8 : i32
      %shift_right_logical3A_1389 = vector.broadcast %shift_right_logical3A_1388 : i32 to vector<16xi32>
      %shift_right_logical3A_1390 = arith.shrui %get3A_1371, %shift_right_logical3A_1389 : vector<16xi32>
      %and3A_1391 = arith.andi %shift_right_logical3A_1390, %broadcast_in_dim3A_922 : vector<16xi32>
      %gather3A_1392 = tpu.vector_load_idx %arg10[%and3A_1391] : memref<256xf32, #tpu.memory_space<vmem>>[vector<16xi32>], vector<16xf32>,
      %mul3A_1393 = vector.broadcast %squeeze3A_1364 : f32 to vector<16xf32>
      %mul3A_1394 = arith.mulf %gather3A_1392, %mul3A_1393 : vector<16xf32>
      %add3A_1395 = arith.constant 1 : i32
      %add3A_1396 = vector.broadcast %add3A_1395 : i32 to vector<16xi32>
      %add3A_1397 = arith.addi %add3A_1377, %add3A_1396 : vector<16xi32>
      tpu.vector_store_idx %arg13[%add3A_1397], %mul3A_1394 : memref<32768xf32, #tpu.memory_space<vmem>>[vector<16xi32>], vector<16xf32>,
      %shift_right_logical3A_1398 = arith.constant 16 : i32
      %shift_right_logical3A_1399 = vector.broadcast %shift_right_logical3A_1398 : i32 to vector<16xi32>
      %shift_right_logical3A_1400 = arith.shrui %get3A_1371, %shift_right_logical3A_1399 : vector<16xi32>
      %and3A_1401 = arith.andi %shift_right_logical3A_1400, %broadcast_in_dim3A_922 : vector<16xi32>
      %gather3A_1402 = tpu.vector_load_idx %arg10[%and3A_1401] : memref<256xf32, #tpu.memory_space<vmem>>[vector<16xi32>], vector<16xf32>,
      %mul3A_1403 = vector.broadcast %squeeze3A_1364 : f32 to vector<16xf32>
      %mul3A_1404 = arith.mulf %gather3A_1402, %mul3A_1403 : vector<16xf32>
      %add3A_1405 = arith.constant 2 : i32
      %add3A_1406 = vector.broadcast %add3A_1405 : i32 to vector<16xi32>
      %add3A_1407 = arith.addi %add3A_1377, %add3A_1406 : vector<16xi32>
      tpu.vector_store_idx %arg13[%add3A_1407], %mul3A_1404 : memref<32768xf32, #tpu.memory_space<vmem>>[vector<16xi32>], vector<16xf32>,
      %shift_right_logical3A_1408 = arith.constant 24 : i32
      %shift_right_logical3A_1409 = vector.broadcast %shift_right_logical3A_1408 : i32 to vector<16xi32>
      %shift_right_logical3A_1410 = arith.shrui %get3A_1371, %shift_right_logical3A_1409 : vector<16xi32>
      %and3A_1411 = arith.andi %shift_right_logical3A_1410, %broadcast_in_dim3A_922 : vector<16xi32>
      %gather3A_1412 = tpu.vector_load_idx %arg10[%and3A_1411] : memref<256xf32, #tpu.memory_space<vmem>>[vector<16xi32>], vector<16xf32>,
      %mul3A_1413 = vector.broadcast %squeeze3A_1364 : f32 to vector<16xf32>
      %mul3A_1414 = arith.mulf %gather3A_1412, %mul3A_1413 : vector<16xf32>
      %add3A_1415 = arith.constant 3 : i32
      %add3A_1416 = vector.broadcast %add3A_1415 : i32 to vector<16xi32>
      %add3A_1417 = arith.addi %add3A_1377, %add3A_1416 : vector<16xi32>
      tpu.vector_store_idx %arg13[%add3A_1417], %mul3A_1414 : memref<32768xf32, #tpu.memory_space<vmem>>[vector<16xi32>], vector<16xf32>,
      %slice3A_1418 = vector.extract_strided_slice %get3A_936 {offsets = [8], sizes = [1], strides = [1]} : vector<16xf32> to vector<1xf32>
      %squeeze3A_1419 = vector.extract %slice3A_1418[0] : f32 from vector<1xf32>
      %add3A_1420 = arith.constant 8 : i32
      %add3A_1421 = arith.addi %mul3A_934, %add3A_1420 : i32
      %slice3A_1422 = vector.extract_strided_slice %shift_left3A_979 {offsets = [8], sizes = [1], strides = [1]} : vector<16xi32> to vector<1xi32>
      %squeeze3A_1423 = vector.extract %slice3A_1422[0] : i32 from vector<1xi32>
      %get3A_1424 = arith.index_cast %add3A_1421 : i32 to index
      %get3A_1425 = arith.index_cast %squeeze3A_1423 : i32 to index
      %get3A_1426 = tpu.vector_load %arg9[%get3A_1424, %get3A_1425] {strides = array<i32>} : memref<512x128xi32, #tpu.memory_space<vmem>>, vector<16xi32>,
      %add3A_1427 = arith.constant 8 : i32
      %add3A_1428 = arith.addi %mul3A_934, %add3A_1427 : i32
      %mul3A_1429 = arith.constant 64 : i32
      %mul3A_1430 = arith.muli %add3A_1428, %mul3A_1429 : i32
      %add3A_1431 = vector.broadcast %mul3A_1430 : i32 to vector<16xi32>
      %add3A_1432 = arith.addi %add3A_1431, %mul3A_920 : vector<16xi32>
      %shift_right_logical3A_1433 = arith.constant 0 : i32
      %shift_right_logical3A_1434 = vector.broadcast %shift_right_logical3A_1433 : i32 to vector<16xi32>
      %shift_right_logical3A_1435 = arith.shrui %get3A_1426, %shift_right_logical3A_1434 : vector<16xi32>
      %and3A_1436 = arith.andi %shift_right_logical3A_1435, %broadcast_in_dim3A_922 : vector<16xi32>
      %gather3A_1437 = tpu.vector_load_idx %arg10[%and3A_1436] : memref<256xf32, #tpu.memory_space<vmem>>[vector<16xi32>], vector<16xf32>,
      %mul3A_1438 = vector.broadcast %squeeze3A_1419 : f32 to vector<16xf32>
      %mul3A_1439 = arith.mulf %gather3A_1437, %mul3A_1438 : vector<16xf32>
      %add3A_1440 = arith.constant 0 : i32
      %add3A_1441 = vector.broadcast %add3A_1440 : i32 to vector<16xi32>
      %add3A_1442 = arith.addi %add3A_1432, %add3A_1441 : vector<16xi32>
      tpu.vector_store_idx %arg13[%add3A_1442], %mul3A_1439 : memref<32768xf32, #tpu.memory_space<vmem>>[vector<16xi32>], vector<16xf32>,
      %shift_right_logical3A_1443 = arith.constant 8 : i32
      %shift_right_logical3A_1444 = vector.broadcast %shift_right_logical3A_1443 : i32 to vector<16xi32>
      %shift_right_logical3A_1445 = arith.shrui %get3A_1426, %shift_right_logical3A_1444 : vector<16xi32>
      %and3A_1446 = arith.andi %shift_right_logical3A_1445, %broadcast_in_dim3A_922 : vector<16xi32>
      %gather3A_1447 = tpu.vector_load_idx %arg10[%and3A_1446] : memref<256xf32, #tpu.memory_space<vmem>>[vector<16xi32>], vector<16xf32>,
      %mul3A_1448 = vector.broadcast %squeeze3A_1419 : f32 to vector<16xf32>
      %mul3A_1449 = arith.mulf %gather3A_1447, %mul3A_1448 : vector<16xf32>
      %add3A_1450 = arith.constant 1 : i32
      %add3A_1451 = vector.broadcast %add3A_1450 : i32 to vector<16xi32>
      %add3A_1452 = arith.addi %add3A_1432, %add3A_1451 : vector<16xi32>
      tpu.vector_store_idx %arg13[%add3A_1452], %mul3A_1449 : memref<32768xf32, #tpu.memory_space<vmem>>[vector<16xi32>], vector<16xf32>,
      %shift_right_logical3A_1453 = arith.constant 16 : i32
      %shift_right_logical3A_1454 = vector.broadcast %shift_right_logical3A_1453 : i32 to vector<16xi32>
      %shift_right_logical3A_1455 = arith.shrui %get3A_1426, %shift_right_logical3A_1454 : vector<16xi32>
      %and3A_1456 = arith.andi %shift_right_logical3A_1455, %broadcast_in_dim3A_922 : vector<16xi32>
      %gather3A_1457 = tpu.vector_load_idx %arg10[%and3A_1456] : memref<256xf32, #tpu.memory_space<vmem>>[vector<16xi32>], vector<16xf32>,
      %mul3A_1458 = vector.broadcast %squeeze3A_1419 : f32 to vector<16xf32>
      %mul3A_1459 = arith.mulf %gather3A_1457, %mul3A_1458 : vector<16xf32>
      %add3A_1460 = arith.constant 2 : i32
      %add3A_1461 = vector.broadcast %add3A_1460 : i32 to vector<16xi32>
      %add3A_1462 = arith.addi %add3A_1432, %add3A_1461 : vector<16xi32>
      tpu.vector_store_idx %arg13[%add3A_1462], %mul3A_1459 : memref<32768xf32, #tpu.memory_space<vmem>>[vector<16xi32>], vector<16xf32>,
      %shift_right_logical3A_1463 = arith.constant 24 : i32
      %shift_right_logical3A_1464 = vector.broadcast %shift_right_logical3A_1463 : i32 to vector<16xi32>
      %shift_right_logical3A_1465 = arith.shrui %get3A_1426, %shift_right_logical3A_1464 : vector<16xi32>
      %and3A_1466 = arith.andi %shift_right_logical3A_1465, %broadcast_in_dim3A_922 : vector<16xi32>
      %gather3A_1467 = tpu.vector_load_idx %arg10[%and3A_1466] : memref<256xf32, #tpu.memory_space<vmem>>[vector<16xi32>], vector<16xf32>,
      %mul3A_1468 = vector.broadcast %squeeze3A_1419 : f32 to vector<16xf32>
      %mul3A_1469 = arith.mulf %gather3A_1467, %mul3A_1468 : vector<16xf32>
      %add3A_1470 = arith.constant 3 : i32
      %add3A_1471 = vector.broadcast %add3A_1470 : i32 to vector<16xi32>
      %add3A_1472 = arith.addi %add3A_1432, %add3A_1471 : vector<16xi32>
      tpu.vector_store_idx %arg13[%add3A_1472], %mul3A_1469 : memref<32768xf32, #tpu.memory_space<vmem>>[vector<16xi32>], vector<16xf32>,
      %slice3A_1473 = vector.extract_strided_slice %get3A_936 {offsets = [9], sizes = [1], strides = [1]} : vector<16xf32> to vector<1xf32>
      %squeeze3A_1474 = vector.extract %slice3A_1473[0] : f32 from vector<1xf32>
      %add3A_1475 = arith.constant 9 : i32
      %add3A_1476 = arith.addi %mul3A_934, %add3A_1475 : i32
      %slice3A_1477 = vector.extract_strided_slice %shift_left3A_979 {offsets = [9], sizes = [1], strides = [1]} : vector<16xi32> to vector<1xi32>
      %squeeze3A_1478 = vector.extract %slice3A_1477[0] : i32 from vector<1xi32>
      %get3A_1479 = arith.index_cast %add3A_1476 : i32 to index
      %get3A_1480 = arith.index_cast %squeeze3A_1478 : i32 to index
      %get3A_1481 = tpu.vector_load %arg9[%get3A_1479, %get3A_1480] {strides = array<i32>} : memref<512x128xi32, #tpu.memory_space<vmem>>, vector<16xi32>,
      %add3A_1482 = arith.constant 9 : i32
      %add3A_1483 = arith.addi %mul3A_934, %add3A_1482 : i32
      %mul3A_1484 = arith.constant 64 : i32
      %mul3A_1485 = arith.muli %add3A_1483, %mul3A_1484 : i32
      %add3A_1486 = vector.broadcast %mul3A_1485 : i32 to vector<16xi32>
      %add3A_1487 = arith.addi %add3A_1486, %mul3A_920 : vector<16xi32>
      %shift_right_logical3A_1488 = arith.constant 0 : i32
      %shift_right_logical3A_1489 = vector.broadcast %shift_right_logical3A_1488 : i32 to vector<16xi32>
      %shift_right_logical3A_1490 = arith.shrui %get3A_1481, %shift_right_logical3A_1489 : vector<16xi32>
      %and3A_1491 = arith.andi %shift_right_logical3A_1490, %broadcast_in_dim3A_922 : vector<16xi32>
      %gather3A_1492 = tpu.vector_load_idx %arg10[%and3A_1491] : memref<256xf32, #tpu.memory_space<vmem>>[vector<16xi32>], vector<16xf32>,
      %mul3A_1493 = vector.broadcast %squeeze3A_1474 : f32 to vector<16xf32>
      %mul3A_1494 = arith.mulf %gather3A_1492, %mul3A_1493 : vector<16xf32>
      %add3A_1495 = arith.constant 0 : i32
      %add3A_1496 = vector.broadcast %add3A_1495 : i32 to vector<16xi32>
      %add3A_1497 = arith.addi %add3A_1487, %add3A_1496 : vector<16xi32>
      tpu.vector_store_idx %arg13[%add3A_1497], %mul3A_1494 : memref<32768xf32, #tpu.memory_space<vmem>>[vector<16xi32>], vector<16xf32>,
      %shift_right_logical3A_1498 = arith.constant 8 : i32
      %shift_right_logical3A_1499 = vector.broadcast %shift_right_logical3A_1498 : i32 to vector<16xi32>
      %shift_right_logical3A_1500 = arith.shrui %get3A_1481, %shift_right_logical3A_1499 : vector<16xi32>
      %and3A_1501 = arith.andi %shift_right_logical3A_1500, %broadcast_in_dim3A_922 : vector<16xi32>
      %gather3A_1502 = tpu.vector_load_idx %arg10[%and3A_1501] : memref<256xf32, #tpu.memory_space<vmem>>[vector<16xi32>], vector<16xf32>,
      %mul3A_1503 = vector.broadcast %squeeze3A_1474 : f32 to vector<16xf32>
      %mul3A_1504 = arith.mulf %gather3A_1502, %mul3A_1503 : vector<16xf32>
      %add3A_1505 = arith.constant 1 : i32
      %add3A_1506 = vector.broadcast %add3A_1505 : i32 to vector<16xi32>
      %add3A_1507 = arith.addi %add3A_1487, %add3A_1506 : vector<16xi32>
      tpu.vector_store_idx %arg13[%add3A_1507], %mul3A_1504 : memref<32768xf32, #tpu.memory_space<vmem>>[vector<16xi32>], vector<16xf32>,
      %shift_right_logical3A_1508 = arith.constant 16 : i32
      %shift_right_logical3A_1509 = vector.broadcast %shift_right_logical3A_1508 : i32 to vector<16xi32>
      %shift_right_logical3A_1510 = arith.shrui %get3A_1481, %shift_right_logical3A_1509 : vector<16xi32>
      %and3A_1511 = arith.andi %shift_right_logical3A_1510, %broadcast_in_dim3A_922 : vector<16xi32>
      %gather3A_1512 = tpu.vector_load_idx %arg10[%and3A_1511] : memref<256xf32, #tpu.memory_space<vmem>>[vector<16xi32>], vector<16xf32>,
      %mul3A_1513 = vector.broadcast %squeeze3A_1474 : f32 to vector<16xf32>
      %mul3A_1514 = arith.mulf %gather3A_1512, %mul3A_1513 : vector<16xf32>
      %add3A_1515 = arith.constant 2 : i32
      %add3A_1516 = vector.broadcast %add3A_1515 : i32 to vector<16xi32>
      %add3A_1517 = arith.addi %add3A_1487, %add3A_1516 : vector<16xi32>
      tpu.vector_store_idx %arg13[%add3A_1517], %mul3A_1514 : memref<32768xf32, #tpu.memory_space<vmem>>[vector<16xi32>], vector<16xf32>,
      %shift_right_logical3A_1518 = arith.constant 24 : i32
      %shift_right_logical3A_1519 = vector.broadcast %shift_right_logical3A_1518 : i32 to vector<16xi32>
      %shift_right_logical3A_1520 = arith.shrui %get3A_1481, %shift_right_logical3A_1519 : vector<16xi32>
      %and3A_1521 = arith.andi %shift_right_logical3A_1520, %broadcast_in_dim3A_922 : vector<16xi32>
      %gather3A_1522 = tpu.vector_load_idx %arg10[%and3A_1521] : memref<256xf32, #tpu.memory_space<vmem>>[vector<16xi32>], vector<16xf32>,
      %mul3A_1523 = vector.broadcast %squeeze3A_1474 : f32 to vector<16xf32>
      %mul3A_1524 = arith.mulf %gather3A_1522, %mul3A_1523 : vector<16xf32>
      %add3A_1525 = arith.constant 3 : i32
      %add3A_1526 = vector.broadcast %add3A_1525 : i32 to vector<16xi32>
      %add3A_1527 = arith.addi %add3A_1487, %add3A_1526 : vector<16xi32>
      tpu.vector_store_idx %arg13[%add3A_1527], %mul3A_1524 : memref<32768xf32, #tpu.memory_space<vmem>>[vector<16xi32>], vector<16xf32>,
      %slice3A_1528 = vector.extract_strided_slice %get3A_936 {offsets = [10], sizes = [1], strides = [1]} : vector<16xf32> to vector<1xf32>
      %squeeze3A_1529 = vector.extract %slice3A_1528[0] : f32 from vector<1xf32>
      %add3A_1530 = arith.constant 10 : i32
      %add3A_1531 = arith.addi %mul3A_934, %add3A_1530 : i32
      %slice3A_1532 = vector.extract_strided_slice %shift_left3A_979 {offsets = [10], sizes = [1], strides = [1]} : vector<16xi32> to vector<1xi32>
      %squeeze3A_1533 = vector.extract %slice3A_1532[0] : i32 from vector<1xi32>
      %get3A_1534 = arith.index_cast %add3A_1531 : i32 to index
      %get3A_1535 = arith.index_cast %squeeze3A_1533 : i32 to index
      %get3A_1536 = tpu.vector_load %arg9[%get3A_1534, %get3A_1535] {strides = array<i32>} : memref<512x128xi32, #tpu.memory_space<vmem>>, vector<16xi32>,
      %add3A_1537 = arith.constant 10 : i32
      %add3A_1538 = arith.addi %mul3A_934, %add3A_1537 : i32
      %mul3A_1539 = arith.constant 64 : i32
      %mul3A_1540 = arith.muli %add3A_1538, %mul3A_1539 : i32
      %add3A_1541 = vector.broadcast %mul3A_1540 : i32 to vector<16xi32>
      %add3A_1542 = arith.addi %add3A_1541, %mul3A_920 : vector<16xi32>
      %shift_right_logical3A_1543 = arith.constant 0 : i32
      %shift_right_logical3A_1544 = vector.broadcast %shift_right_logical3A_1543 : i32 to vector<16xi32>
      %shift_right_logical3A_1545 = arith.shrui %get3A_1536, %shift_right_logical3A_1544 : vector<16xi32>
      %and3A_1546 = arith.andi %shift_right_logical3A_1545, %broadcast_in_dim3A_922 : vector<16xi32>
      %gather3A_1547 = tpu.vector_load_idx %arg10[%and3A_1546] : memref<256xf32, #tpu.memory_space<vmem>>[vector<16xi32>], vector<16xf32>,
      %mul3A_1548 = vector.broadcast %squeeze3A_1529 : f32 to vector<16xf32>
      %mul3A_1549 = arith.mulf %gather3A_1547, %mul3A_1548 : vector<16xf32>
      %add3A_1550 = arith.constant 0 : i32
      %add3A_1551 = vector.broadcast %add3A_1550 : i32 to vector<16xi32>
      %add3A_1552 = arith.addi %add3A_1542, %add3A_1551 : vector<16xi32>
      tpu.vector_store_idx %arg13[%add3A_1552], %mul3A_1549 : memref<32768xf32, #tpu.memory_space<vmem>>[vector<16xi32>], vector<16xf32>,
      %shift_right_logical3A_1553 = arith.constant 8 : i32
      %shift_right_logical3A_1554 = vector.broadcast %shift_right_logical3A_1553 : i32 to vector<16xi32>
      %shift_right_logical3A_1555 = arith.shrui %get3A_1536, %shift_right_logical3A_1554 : vector<16xi32>
      %and3A_1556 = arith.andi %shift_right_logical3A_1555, %broadcast_in_dim3A_922 : vector<16xi32>
      %gather3A_1557 = tpu.vector_load_idx %arg10[%and3A_1556] : memref<256xf32, #tpu.memory_space<vmem>>[vector<16xi32>], vector<16xf32>,
      %mul3A_1558 = vector.broadcast %squeeze3A_1529 : f32 to vector<16xf32>
      %mul3A_1559 = arith.mulf %gather3A_1557, %mul3A_1558 : vector<16xf32>
      %add3A_1560 = arith.constant 1 : i32
      %add3A_1561 = vector.broadcast %add3A_1560 : i32 to vector<16xi32>
      %add3A_1562 = arith.addi %add3A_1542, %add3A_1561 : vector<16xi32>
      tpu.vector_store_idx %arg13[%add3A_1562], %mul3A_1559 : memref<32768xf32, #tpu.memory_space<vmem>>[vector<16xi32>], vector<16xf32>,
      %shift_right_logical3A_1563 = arith.constant 16 : i32
      %shift_right_logical3A_1564 = vector.broadcast %shift_right_logical3A_1563 : i32 to vector<16xi32>
      %shift_right_logical3A_1565 = arith.shrui %get3A_1536, %shift_right_logical3A_1564 : vector<16xi32>
      %and3A_1566 = arith.andi %shift_right_logical3A_1565, %broadcast_in_dim3A_922 : vector<16xi32>
      %gather3A_1567 = tpu.vector_load_idx %arg10[%and3A_1566] : memref<256xf32, #tpu.memory_space<vmem>>[vector<16xi32>], vector<16xf32>,
      %mul3A_1568 = vector.broadcast %squeeze3A_1529 : f32 to vector<16xf32>
      %mul3A_1569 = arith.mulf %gather3A_1567, %mul3A_1568 : vector<16xf32>
      %add3A_1570 = arith.constant 2 : i32
      %add3A_1571 = vector.broadcast %add3A_1570 : i32 to vector<16xi32>
      %add3A_1572 = arith.addi %add3A_1542, %add3A_1571 : vector<16xi32>
      tpu.vector_store_idx %arg13[%add3A_1572], %mul3A_1569 : memref<32768xf32, #tpu.memory_space<vmem>>[vector<16xi32>], vector<16xf32>,
      %shift_right_logical3A_1573 = arith.constant 24 : i32
      %shift_right_logical3A_1574 = vector.broadcast %shift_right_logical3A_1573 : i32 to vector<16xi32>
      %shift_right_logical3A_1575 = arith.shrui %get3A_1536, %shift_right_logical3A_1574 : vector<16xi32>
      %and3A_1576 = arith.andi %shift_right_logical3A_1575, %broadcast_in_dim3A_922 : vector<16xi32>
      %gather3A_1577 = tpu.vector_load_idx %arg10[%and3A_1576] : memref<256xf32, #tpu.memory_space<vmem>>[vector<16xi32>], vector<16xf32>,
      %mul3A_1578 = vector.broadcast %squeeze3A_1529 : f32 to vector<16xf32>
      %mul3A_1579 = arith.mulf %gather3A_1577, %mul3A_1578 : vector<16xf32>
      %add3A_1580 = arith.constant 3 : i32
      %add3A_1581 = vector.broadcast %add3A_1580 : i32 to vector<16xi32>
      %add3A_1582 = arith.addi %add3A_1542, %add3A_1581 : vector<16xi32>
      tpu.vector_store_idx %arg13[%add3A_1582], %mul3A_1579 : memref<32768xf32, #tpu.memory_space<vmem>>[vector<16xi32>], vector<16xf32>,
      %slice3A_1583 = vector.extract_strided_slice %get3A_936 {offsets = [11], sizes = [1], strides = [1]} : vector<16xf32> to vector<1xf32>
      %squeeze3A_1584 = vector.extract %slice3A_1583[0] : f32 from vector<1xf32>
      %add3A_1585 = arith.constant 11 : i32
      %add3A_1586 = arith.addi %mul3A_934, %add3A_1585 : i32
      %slice3A_1587 = vector.extract_strided_slice %shift_left3A_979 {offsets = [11], sizes = [1], strides = [1]} : vector<16xi32> to vector<1xi32>
      %squeeze3A_1588 = vector.extract %slice3A_1587[0] : i32 from vector<1xi32>
      %get3A_1589 = arith.index_cast %add3A_1586 : i32 to index
      %get3A_1590 = arith.index_cast %squeeze3A_1588 : i32 to index
      %get3A_1591 = tpu.vector_load %arg9[%get3A_1589, %get3A_1590] {strides = array<i32>} : memref<512x128xi32, #tpu.memory_space<vmem>>, vector<16xi32>,
      %add3A_1592 = arith.constant 11 : i32
      %add3A_1593 = arith.addi %mul3A_934, %add3A_1592 : i32
      %mul3A_1594 = arith.constant 64 : i32
      %mul3A_1595 = arith.muli %add3A_1593, %mul3A_1594 : i32
      %add3A_1596 = vector.broadcast %mul3A_1595 : i32 to vector<16xi32>
      %add3A_1597 = arith.addi %add3A_1596, %mul3A_920 : vector<16xi32>
      %shift_right_logical3A_1598 = arith.constant 0 : i32
      %shift_right_logical3A_1599 = vector.broadcast %shift_right_logical3A_1598 : i32 to vector<16xi32>
      %shift_right_logical3A_1600 = arith.shrui %get3A_1591, %shift_right_logical3A_1599 : vector<16xi32>
      %and3A_1601 = arith.andi %shift_right_logical3A_1600, %broadcast_in_dim3A_922 : vector<16xi32>
      %gather3A_1602 = tpu.vector_load_idx %arg10[%and3A_1601] : memref<256xf32, #tpu.memory_space<vmem>>[vector<16xi32>], vector<16xf32>,
      %mul3A_1603 = vector.broadcast %squeeze3A_1584 : f32 to vector<16xf32>
      %mul3A_1604 = arith.mulf %gather3A_1602, %mul3A_1603 : vector<16xf32>
      %add3A_1605 = arith.constant 0 : i32
      %add3A_1606 = vector.broadcast %add3A_1605 : i32 to vector<16xi32>
      %add3A_1607 = arith.addi %add3A_1597, %add3A_1606 : vector<16xi32>
      tpu.vector_store_idx %arg13[%add3A_1607], %mul3A_1604 : memref<32768xf32, #tpu.memory_space<vmem>>[vector<16xi32>], vector<16xf32>,
      %shift_right_logical3A_1608 = arith.constant 8 : i32
      %shift_right_logical3A_1609 = vector.broadcast %shift_right_logical3A_1608 : i32 to vector<16xi32>
      %shift_right_logical3A_1610 = arith.shrui %get3A_1591, %shift_right_logical3A_1609 : vector<16xi32>
      %and3A_1611 = arith.andi %shift_right_logical3A_1610, %broadcast_in_dim3A_922 : vector<16xi32>
      %gather3A_1612 = tpu.vector_load_idx %arg10[%and3A_1611] : memref<256xf32, #tpu.memory_space<vmem>>[vector<16xi32>], vector<16xf32>,
      %mul3A_1613 = vector.broadcast %squeeze3A_1584 : f32 to vector<16xf32>
      %mul3A_1614 = arith.mulf %gather3A_1612, %mul3A_1613 : vector<16xf32>
      %add3A_1615 = arith.constant 1 : i32
      %add3A_1616 = vector.broadcast %add3A_1615 : i32 to vector<16xi32>
      %add3A_1617 = arith.addi %add3A_1597, %add3A_1616 : vector<16xi32>
      tpu.vector_store_idx %arg13[%add3A_1617], %mul3A_1614 : memref<32768xf32, #tpu.memory_space<vmem>>[vector<16xi32>], vector<16xf32>,
      %shift_right_logical3A_1618 = arith.constant 16 : i32
      %shift_right_logical3A_1619 = vector.broadcast %shift_right_logical3A_1618 : i32 to vector<16xi32>
      %shift_right_logical3A_1620 = arith.shrui %get3A_1591, %shift_right_logical3A_1619 : vector<16xi32>
      %and3A_1621 = arith.andi %shift_right_logical3A_1620, %broadcast_in_dim3A_922 : vector<16xi32>
      %gather3A_1622 = tpu.vector_load_idx %arg10[%and3A_1621] : memref<256xf32, #tpu.memory_space<vmem>>[vector<16xi32>], vector<16xf32>,
      %mul3A_1623 = vector.broadcast %squeeze3A_1584 : f32 to vector<16xf32>
      %mul3A_1624 = arith.mulf %gather3A_1622, %mul3A_1623 : vector<16xf32>
      %add3A_1625 = arith.constant 2 : i32
      %add3A_1626 = vector.broadcast %add3A_1625 : i32 to vector<16xi32>
      %add3A_1627 = arith.addi %add3A_1597, %add3A_1626 : vector<16xi32>
      tpu.vector_store_idx %arg13[%add3A_1627], %mul3A_1624 : memref<32768xf32, #tpu.memory_space<vmem>>[vector<16xi32>], vector<16xf32>,
      %shift_right_logical3A_1628 = arith.constant 24 : i32
      %shift_right_logical3A_1629 = vector.broadcast %shift_right_logical3A_1628 : i32 to vector<16xi32>
      %shift_right_logical3A_1630 = arith.shrui %get3A_1591, %shift_right_logical3A_1629 : vector<16xi32>
      %and3A_1631 = arith.andi %shift_right_logical3A_1630, %broadcast_in_dim3A_922 : vector<16xi32>
      %gather3A_1632 = tpu.vector_load_idx %arg10[%and3A_1631] : memref<256xf32, #tpu.memory_space<vmem>>[vector<16xi32>], vector<16xf32>,
      %mul3A_1633 = vector.broadcast %squeeze3A_1584 : f32 to vector<16xf32>
      %mul3A_1634 = arith.mulf %gather3A_1632, %mul3A_1633 : vector<16xf32>
      %add3A_1635 = arith.constant 3 : i32
      %add3A_1636 = vector.broadcast %add3A_1635 : i32 to vector<16xi32>
      %add3A_1637 = arith.addi %add3A_1597, %add3A_1636 : vector<16xi32>
      tpu.vector_store_idx %arg13[%add3A_1637], %mul3A_1634 : memref<32768xf32, #tpu.memory_space<vmem>>[vector<16xi32>], vector<16xf32>,
      %slice3A_1638 = vector.extract_strided_slice %get3A_936 {offsets = [12], sizes = [1], strides = [1]} : vector<16xf32> to vector<1xf32>
      %squeeze3A_1639 = vector.extract %slice3A_1638[0] : f32 from vector<1xf32>
      %add3A_1640 = arith.constant 12 : i32
      %add3A_1641 = arith.addi %mul3A_934, %add3A_1640 : i32
      %slice3A_1642 = vector.extract_strided_slice %shift_left3A_979 {offsets = [12], sizes = [1], strides = [1]} : vector<16xi32> to vector<1xi32>
      %squeeze3A_1643 = vector.extract %slice3A_1642[0] : i32 from vector<1xi32>
      %get3A_1644 = arith.index_cast %add3A_1641 : i32 to index
      %get3A_1645 = arith.index_cast %squeeze3A_1643 : i32 to index
      %get3A_1646 = tpu.vector_load %arg9[%get3A_1644, %get3A_1645] {strides = array<i32>} : memref<512x128xi32, #tpu.memory_space<vmem>>, vector<16xi32>,
      %add3A_1647 = arith.constant 12 : i32
      %add3A_1648 = arith.addi %mul3A_934, %add3A_1647 : i32
      %mul3A_1649 = arith.constant 64 : i32
      %mul3A_1650 = arith.muli %add3A_1648, %mul3A_1649 : i32
      %add3A_1651 = vector.broadcast %mul3A_1650 : i32 to vector<16xi32>
      %add3A_1652 = arith.addi %add3A_1651, %mul3A_920 : vector<16xi32>
      %shift_right_logical3A_1653 = arith.constant 0 : i32
      %shift_right_logical3A_1654 = vector.broadcast %shift_right_logical3A_1653 : i32 to vector<16xi32>
      %shift_right_logical3A_1655 = arith.shrui %get3A_1646, %shift_right_logical3A_1654 : vector<16xi32>
      %and3A_1656 = arith.andi %shift_right_logical3A_1655, %broadcast_in_dim3A_922 : vector<16xi32>
      %gather3A_1657 = tpu.vector_load_idx %arg10[%and3A_1656] : memref<256xf32, #tpu.memory_space<vmem>>[vector<16xi32>], vector<16xf32>,
      %mul3A_1658 = vector.broadcast %squeeze3A_1639 : f32 to vector<16xf32>
      %mul3A_1659 = arith.mulf %gather3A_1657, %mul3A_1658 : vector<16xf32>
      %add3A_1660 = arith.constant 0 : i32
      %add3A_1661 = vector.broadcast %add3A_1660 : i32 to vector<16xi32>
      %add3A_1662 = arith.addi %add3A_1652, %add3A_1661 : vector<16xi32>
      tpu.vector_store_idx %arg13[%add3A_1662], %mul3A_1659 : memref<32768xf32, #tpu.memory_space<vmem>>[vector<16xi32>], vector<16xf32>,
      %shift_right_logical3A_1663 = arith.constant 8 : i32
      %shift_right_logical3A_1664 = vector.broadcast %shift_right_logical3A_1663 : i32 to vector<16xi32>
      %shift_right_logical3A_1665 = arith.shrui %get3A_1646, %shift_right_logical3A_1664 : vector<16xi32>
      %and3A_1666 = arith.andi %shift_right_logical3A_1665, %broadcast_in_dim3A_922 : vector<16xi32>
      %gather3A_1667 = tpu.vector_load_idx %arg10[%and3A_1666] : memref<256xf32, #tpu.memory_space<vmem>>[vector<16xi32>], vector<16xf32>,
      %mul3A_1668 = vector.broadcast %squeeze3A_1639 : f32 to vector<16xf32>
      %mul3A_1669 = arith.mulf %gather3A_1667, %mul3A_1668 : vector<16xf32>
      %add3A_1670 = arith.constant 1 : i32
      %add3A_1671 = vector.broadcast %add3A_1670 : i32 to vector<16xi32>
      %add3A_1672 = arith.addi %add3A_1652, %add3A_1671 : vector<16xi32>
      tpu.vector_store_idx %arg13[%add3A_1672], %mul3A_1669 : memref<32768xf32, #tpu.memory_space<vmem>>[vector<16xi32>], vector<16xf32>,
      %shift_right_logical3A_1673 = arith.constant 16 : i32
      %shift_right_logical3A_1674 = vector.broadcast %shift_right_logical3A_1673 : i32 to vector<16xi32>
      %shift_right_logical3A_1675 = arith.shrui %get3A_1646, %shift_right_logical3A_1674 : vector<16xi32>
      %and3A_1676 = arith.andi %shift_right_logical3A_1675, %broadcast_in_dim3A_922 : vector<16xi32>
      %gather3A_1677 = tpu.vector_load_idx %arg10[%and3A_1676] : memref<256xf32, #tpu.memory_space<vmem>>[vector<16xi32>], vector<16xf32>,
      %mul3A_1678 = vector.broadcast %squeeze3A_1639 : f32 to vector<16xf32>
      %mul3A_1679 = arith.mulf %gather3A_1677, %mul3A_1678 : vector<16xf32>
      %add3A_1680 = arith.constant 2 : i32
      %add3A_1681 = vector.broadcast %add3A_1680 : i32 to vector<16xi32>
      %add3A_1682 = arith.addi %add3A_1652, %add3A_1681 : vector<16xi32>
      tpu.vector_store_idx %arg13[%add3A_1682], %mul3A_1679 : memref<32768xf32, #tpu.memory_space<vmem>>[vector<16xi32>], vector<16xf32>,
      %shift_right_logical3A_1683 = arith.constant 24 : i32
      %shift_right_logical3A_1684 = vector.broadcast %shift_right_logical3A_1683 : i32 to vector<16xi32>
      %shift_right_logical3A_1685 = arith.shrui %get3A_1646, %shift_right_logical3A_1684 : vector<16xi32>
      %and3A_1686 = arith.andi %shift_right_logical3A_1685, %broadcast_in_dim3A_922 : vector<16xi32>
      %gather3A_1687 = tpu.vector_load_idx %arg10[%and3A_1686] : memref<256xf32, #tpu.memory_space<vmem>>[vector<16xi32>], vector<16xf32>,
      %mul3A_1688 = vector.broadcast %squeeze3A_1639 : f32 to vector<16xf32>
      %mul3A_1689 = arith.mulf %gather3A_1687, %mul3A_1688 : vector<16xf32>
      %add3A_1690 = arith.constant 3 : i32
      %add3A_1691 = vector.broadcast %add3A_1690 : i32 to vector<16xi32>
      %add3A_1692 = arith.addi %add3A_1652, %add3A_1691 : vector<16xi32>
      tpu.vector_store_idx %arg13[%add3A_1692], %mul3A_1689 : memref<32768xf32, #tpu.memory_space<vmem>>[vector<16xi32>], vector<16xf32>,
      %slice3A_1693 = vector.extract_strided_slice %get3A_936 {offsets = [13], sizes = [1], strides = [1]} : vector<16xf32> to vector<1xf32>
      %squeeze3A_1694 = vector.extract %slice3A_1693[0] : f32 from vector<1xf32>
      %add3A_1695 = arith.constant 13 : i32
      %add3A_1696 = arith.addi %mul3A_934, %add3A_1695 : i32
      %slice3A_1697 = vector.extract_strided_slice %shift_left3A_979 {offsets = [13], sizes = [1], strides = [1]} : vector<16xi32> to vector<1xi32>
      %squeeze3A_1698 = vector.extract %slice3A_1697[0] : i32 from vector<1xi32>
      %get3A_1699 = arith.index_cast %add3A_1696 : i32 to index
      %get3A_1700 = arith.index_cast %squeeze3A_1698 : i32 to index
      %get3A_1701 = tpu.vector_load %arg9[%get3A_1699, %get3A_1700] {strides = array<i32>} : memref<512x128xi32, #tpu.memory_space<vmem>>, vector<16xi32>,
      %add3A_1702 = arith.constant 13 : i32
      %add3A_1703 = arith.addi %mul3A_934, %add3A_1702 : i32
      %mul3A_1704 = arith.constant 64 : i32
      %mul3A_1705 = arith.muli %add3A_1703, %mul3A_1704 : i32
      %add3A_1706 = vector.broadcast %mul3A_1705 : i32 to vector<16xi32>
      %add3A_1707 = arith.addi %add3A_1706, %mul3A_920 : vector<16xi32>
      %shift_right_logical3A_1708 = arith.constant 0 : i32
      %shift_right_logical3A_1709 = vector.broadcast %shift_right_logical3A_1708 : i32 to vector<16xi32>
      %shift_right_logical3A_1710 = arith.shrui %get3A_1701, %shift_right_logical3A_1709 : vector<16xi32>
      %and3A_1711 = arith.andi %shift_right_logical3A_1710, %broadcast_in_dim3A_922 : vector<16xi32>
      %gather3A_1712 = tpu.vector_load_idx %arg10[%and3A_1711] : memref<256xf32, #tpu.memory_space<vmem>>[vector<16xi32>], vector<16xf32>,
      %mul3A_1713 = vector.broadcast %squeeze3A_1694 : f32 to vector<16xf32>
      %mul3A_1714 = arith.mulf %gather3A_1712, %mul3A_1713 : vector<16xf32>
      %add3A_1715 = arith.constant 0 : i32
      %add3A_1716 = vector.broadcast %add3A_1715 : i32 to vector<16xi32>
      %add3A_1717 = arith.addi %add3A_1707, %add3A_1716 : vector<16xi32>
      tpu.vector_store_idx %arg13[%add3A_1717], %mul3A_1714 : memref<32768xf32, #tpu.memory_space<vmem>>[vector<16xi32>], vector<16xf32>,
      %shift_right_logical3A_1718 = arith.constant 8 : i32
      %shift_right_logical3A_1719 = vector.broadcast %shift_right_logical3A_1718 : i32 to vector<16xi32>
      %shift_right_logical3A_1720 = arith.shrui %get3A_1701, %shift_right_logical3A_1719 : vector<16xi32>
      %and3A_1721 = arith.andi %shift_right_logical3A_1720, %broadcast_in_dim3A_922 : vector<16xi32>
      %gather3A_1722 = tpu.vector_load_idx %arg10[%and3A_1721] : memref<256xf32, #tpu.memory_space<vmem>>[vector<16xi32>], vector<16xf32>,
      %mul3A_1723 = vector.broadcast %squeeze3A_1694 : f32 to vector<16xf32>
      %mul3A_1724 = arith.mulf %gather3A_1722, %mul3A_1723 : vector<16xf32>
      %add3A_1725 = arith.constant 1 : i32
      %add3A_1726 = vector.broadcast %add3A_1725 : i32 to vector<16xi32>
      %add3A_1727 = arith.addi %add3A_1707, %add3A_1726 : vector<16xi32>
      tpu.vector_store_idx %arg13[%add3A_1727], %mul3A_1724 : memref<32768xf32, #tpu.memory_space<vmem>>[vector<16xi32>], vector<16xf32>,
      %shift_right_logical3A_1728 = arith.constant 16 : i32
      %shift_right_logical3A_1729 = vector.broadcast %shift_right_logical3A_1728 : i32 to vector<16xi32>
      %shift_right_logical3A_1730 = arith.shrui %get3A_1701, %shift_right_logical3A_1729 : vector<16xi32>
      %and3A_1731 = arith.andi %shift_right_logical3A_1730, %broadcast_in_dim3A_922 : vector<16xi32>
      %gather3A_1732 = tpu.vector_load_idx %arg10[%and3A_1731] : memref<256xf32, #tpu.memory_space<vmem>>[vector<16xi32>], vector<16xf32>,
      %mul3A_1733 = vector.broadcast %squeeze3A_1694 : f32 to vector<16xf32>
      %mul3A_1734 = arith.mulf %gather3A_1732, %mul3A_1733 : vector<16xf32>
      %add3A_1735 = arith.constant 2 : i32
      %add3A_1736 = vector.broadcast %add3A_1735 : i32 to vector<16xi32>
      %add3A_1737 = arith.addi %add3A_1707, %add3A_1736 : vector<16xi32>
      tpu.vector_store_idx %arg13[%add3A_1737], %mul3A_1734 : memref<32768xf32, #tpu.memory_space<vmem>>[vector<16xi32>], vector<16xf32>,
      %shift_right_logical3A_1738 = arith.constant 24 : i32
      %shift_right_logical3A_1739 = vector.broadcast %shift_right_logical3A_1738 : i32 to vector<16xi32>
      %shift_right_logical3A_1740 = arith.shrui %get3A_1701, %shift_right_logical3A_1739 : vector<16xi32>
      %and3A_1741 = arith.andi %shift_right_logical3A_1740, %broadcast_in_dim3A_922 : vector<16xi32>
      %gather3A_1742 = tpu.vector_load_idx %arg10[%and3A_1741] : memref<256xf32, #tpu.memory_space<vmem>>[vector<16xi32>], vector<16xf32>,
      %mul3A_1743 = vector.broadcast %squeeze3A_1694 : f32 to vector<16xf32>
      %mul3A_1744 = arith.mulf %gather3A_1742, %mul3A_1743 : vector<16xf32>
      %add3A_1745 = arith.constant 3 : i32
      %add3A_1746 = vector.broadcast %add3A_1745 : i32 to vector<16xi32>
      %add3A_1747 = arith.addi %add3A_1707, %add3A_1746 : vector<16xi32>
      tpu.vector_store_idx %arg13[%add3A_1747], %mul3A_1744 : memref<32768xf32, #tpu.memory_space<vmem>>[vector<16xi32>], vector<16xf32>,
      %slice3A_1748 = vector.extract_strided_slice %get3A_936 {offsets = [14], sizes = [1], strides = [1]} : vector<16xf32> to vector<1xf32>
      %squeeze3A_1749 = vector.extract %slice3A_1748[0] : f32 from vector<1xf32>
      %add3A_1750 = arith.constant 14 : i32
      %add3A_1751 = arith.addi %mul3A_934, %add3A_1750 : i32
      %slice3A_1752 = vector.extract_strided_slice %shift_left3A_979 {offsets = [14], sizes = [1], strides = [1]} : vector<16xi32> to vector<1xi32>
      %squeeze3A_1753 = vector.extract %slice3A_1752[0] : i32 from vector<1xi32>
      %get3A_1754 = arith.index_cast %add3A_1751 : i32 to index
      %get3A_1755 = arith.index_cast %squeeze3A_1753 : i32 to index
      %get3A_1756 = tpu.vector_load %arg9[%get3A_1754, %get3A_1755] {strides = array<i32>} : memref<512x128xi32, #tpu.memory_space<vmem>>, vector<16xi32>,
      %add3A_1757 = arith.constant 14 : i32
      %add3A_1758 = arith.addi %mul3A_934, %add3A_1757 : i32
      %mul3A_1759 = arith.constant 64 : i32
      %mul3A_1760 = arith.muli %add3A_1758, %mul3A_1759 : i32
      %add3A_1761 = vector.broadcast %mul3A_1760 : i32 to vector<16xi32>
      %add3A_1762 = arith.addi %add3A_1761, %mul3A_920 : vector<16xi32>
      %shift_right_logical3A_1763 = arith.constant 0 : i32
      %shift_right_logical3A_1764 = vector.broadcast %shift_right_logical3A_1763 : i32 to vector<16xi32>
      %shift_right_logical3A_1765 = arith.shrui %get3A_1756, %shift_right_logical3A_1764 : vector<16xi32>
      %and3A_1766 = arith.andi %shift_right_logical3A_1765, %broadcast_in_dim3A_922 : vector<16xi32>
      %gather3A_1767 = tpu.vector_load_idx %arg10[%and3A_1766] : memref<256xf32, #tpu.memory_space<vmem>>[vector<16xi32>], vector<16xf32>,
      %mul3A_1768 = vector.broadcast %squeeze3A_1749 : f32 to vector<16xf32>
      %mul3A_1769 = arith.mulf %gather3A_1767, %mul3A_1768 : vector<16xf32>
      %add3A_1770 = arith.constant 0 : i32
      %add3A_1771 = vector.broadcast %add3A_1770 : i32 to vector<16xi32>
      %add3A_1772 = arith.addi %add3A_1762, %add3A_1771 : vector<16xi32>
      tpu.vector_store_idx %arg13[%add3A_1772], %mul3A_1769 : memref<32768xf32, #tpu.memory_space<vmem>>[vector<16xi32>], vector<16xf32>,
      %shift_right_logical3A_1773 = arith.constant 8 : i32
      %shift_right_logical3A_1774 = vector.broadcast %shift_right_logical3A_1773 : i32 to vector<16xi32>
      %shift_right_logical3A_1775 = arith.shrui %get3A_1756, %shift_right_logical3A_1774 : vector<16xi32>
      %and3A_1776 = arith.andi %shift_right_logical3A_1775, %broadcast_in_dim3A_922 : vector<16xi32>
      %gather3A_1777 = tpu.vector_load_idx %arg10[%and3A_1776] : memref<256xf32, #tpu.memory_space<vmem>>[vector<16xi32>], vector<16xf32>,
      %mul3A_1778 = vector.broadcast %squeeze3A_1749 : f32 to vector<16xf32>
      %mul3A_1779 = arith.mulf %gather3A_1777, %mul3A_1778 : vector<16xf32>
      %add3A_1780 = arith.constant 1 : i32
      %add3A_1781 = vector.broadcast %add3A_1780 : i32 to vector<16xi32>
      %add3A_1782 = arith.addi %add3A_1762, %add3A_1781 : vector<16xi32>
      tpu.vector_store_idx %arg13[%add3A_1782], %mul3A_1779 : memref<32768xf32, #tpu.memory_space<vmem>>[vector<16xi32>], vector<16xf32>,
      %shift_right_logical3A_1783 = arith.constant 16 : i32
      %shift_right_logical3A_1784 = vector.broadcast %shift_right_logical3A_1783 : i32 to vector<16xi32>
      %shift_right_logical3A_1785 = arith.shrui %get3A_1756, %shift_right_logical3A_1784 : vector<16xi32>
      %and3A_1786 = arith.andi %shift_right_logical3A_1785, %broadcast_in_dim3A_922 : vector<16xi32>
      %gather3A_1787 = tpu.vector_load_idx %arg10[%and3A_1786] : memref<256xf32, #tpu.memory_space<vmem>>[vector<16xi32>], vector<16xf32>,
      %mul3A_1788 = vector.broadcast %squeeze3A_1749 : f32 to vector<16xf32>
      %mul3A_1789 = arith.mulf %gather3A_1787, %mul3A_1788 : vector<16xf32>
      %add3A_1790 = arith.constant 2 : i32
      %add3A_1791 = vector.broadcast %add3A_1790 : i32 to vector<16xi32>
      %add3A_1792 = arith.addi %add3A_1762, %add3A_1791 : vector<16xi32>
      tpu.vector_store_idx %arg13[%add3A_1792], %mul3A_1789 : memref<32768xf32, #tpu.memory_space<vmem>>[vector<16xi32>], vector<16xf32>,
      %shift_right_logical3A_1793 = arith.constant 24 : i32
      %shift_right_logical3A_1794 = vector.broadcast %shift_right_logical3A_1793 : i32 to vector<16xi32>
      %shift_right_logical3A_1795 = arith.shrui %get3A_1756, %shift_right_logical3A_1794 : vector<16xi32>
      %and3A_1796 = arith.andi %shift_right_logical3A_1795, %broadcast_in_dim3A_922 : vector<16xi32>
      %gather3A_1797 = tpu.vector_load_idx %arg10[%and3A_1796] : memref<256xf32, #tpu.memory_space<vmem>>[vector<16xi32>], vector<16xf32>,
      %mul3A_1798 = vector.broadcast %squeeze3A_1749 : f32 to vector<16xf32>
      %mul3A_1799 = arith.mulf %gather3A_1797, %mul3A_1798 : vector<16xf32>
      %add3A_1800 = arith.constant 3 : i32
      %add3A_1801 = vector.broadcast %add3A_1800 : i32 to vector<16xi32>
      %add3A_1802 = arith.addi %add3A_1762, %add3A_1801 : vector<16xi32>
      tpu.vector_store_idx %arg13[%add3A_1802], %mul3A_1799 : memref<32768xf32, #tpu.memory_space<vmem>>[vector<16xi32>], vector<16xf32>,
      %slice3A_1803 = vector.extract_strided_slice %get3A_936 {offsets = [15], sizes = [1], strides = [1]} : vector<16xf32> to vector<1xf32>
      %squeeze3A_1804 = vector.extract %slice3A_1803[0] : f32 from vector<1xf32>
      %add3A_1805 = arith.constant 15 : i32
      %add3A_1806 = arith.addi %mul3A_934, %add3A_1805 : i32
      %slice3A_1807 = vector.extract_strided_slice %shift_left3A_979 {offsets = [15], sizes = [1], strides = [1]} : vector<16xi32> to vector<1xi32>
      %squeeze3A_1808 = vector.extract %slice3A_1807[0] : i32 from vector<1xi32>
      %get3A_1809 = arith.index_cast %add3A_1806 : i32 to index
      %get3A_1810 = arith.index_cast %squeeze3A_1808 : i32 to index
      %get3A_1811 = tpu.vector_load %arg9[%get3A_1809, %get3A_1810] {strides = array<i32>} : memref<512x128xi32, #tpu.memory_space<vmem>>, vector<16xi32>,
      %add3A_1812 = arith.constant 15 : i32
      %add3A_1813 = arith.addi %mul3A_934, %add3A_1812 : i32
      %mul3A_1814 = arith.constant 64 : i32
      %mul3A_1815 = arith.muli %add3A_1813, %mul3A_1814 : i32
      %add3A_1816 = vector.broadcast %mul3A_1815 : i32 to vector<16xi32>
      %add3A_1817 = arith.addi %add3A_1816, %mul3A_920 : vector<16xi32>
      %shift_right_logical3A_1818 = arith.constant 0 : i32
      %shift_right_logical3A_1819 = vector.broadcast %shift_right_logical3A_1818 : i32 to vector<16xi32>
      %shift_right_logical3A_1820 = arith.shrui %get3A_1811, %shift_right_logical3A_1819 : vector<16xi32>
      %and3A_1821 = arith.andi %shift_right_logical3A_1820, %broadcast_in_dim3A_922 : vector<16xi32>
      %gather3A_1822 = tpu.vector_load_idx %arg10[%and3A_1821] : memref<256xf32, #tpu.memory_space<vmem>>[vector<16xi32>], vector<16xf32>,
      %mul3A_1823 = vector.broadcast %squeeze3A_1804 : f32 to vector<16xf32>
      %mul3A_1824 = arith.mulf %gather3A_1822, %mul3A_1823 : vector<16xf32>
      %add3A_1825 = arith.constant 0 : i32
      %add3A_1826 = vector.broadcast %add3A_1825 : i32 to vector<16xi32>
      %add3A_1827 = arith.addi %add3A_1817, %add3A_1826 : vector<16xi32>
      tpu.vector_store_idx %arg13[%add3A_1827], %mul3A_1824 : memref<32768xf32, #tpu.memory_space<vmem>>[vector<16xi32>], vector<16xf32>,
      %shift_right_logical3A_1828 = arith.constant 8 : i32
      %shift_right_logical3A_1829 = vector.broadcast %shift_right_logical3A_1828 : i32 to vector<16xi32>
      %shift_right_logical3A_1830 = arith.shrui %get3A_1811, %shift_right_logical3A_1829 : vector<16xi32>
      %and3A_1831 = arith.andi %shift_right_logical3A_1830, %broadcast_in_dim3A_922 : vector<16xi32>
      %gather3A_1832 = tpu.vector_load_idx %arg10[%and3A_1831] : memref<256xf32, #tpu.memory_space<vmem>>[vector<16xi32>], vector<16xf32>,
      %mul3A_1833 = vector.broadcast %squeeze3A_1804 : f32 to vector<16xf32>
      %mul3A_1834 = arith.mulf %gather3A_1832, %mul3A_1833 : vector<16xf32>
      %add3A_1835 = arith.constant 1 : i32
      %add3A_1836 = vector.broadcast %add3A_1835 : i32 to vector<16xi32>
      %add3A_1837 = arith.addi %add3A_1817, %add3A_1836 : vector<16xi32>
      tpu.vector_store_idx %arg13[%add3A_1837], %mul3A_1834 : memref<32768xf32, #tpu.memory_space<vmem>>[vector<16xi32>], vector<16xf32>,
      %shift_right_logical3A_1838 = arith.constant 16 : i32
      %shift_right_logical3A_1839 = vector.broadcast %shift_right_logical3A_1838 : i32 to vector<16xi32>
      %shift_right_logical3A_1840 = arith.shrui %get3A_1811, %shift_right_logical3A_1839 : vector<16xi32>
      %and3A_1841 = arith.andi %shift_right_logical3A_1840, %broadcast_in_dim3A_922 : vector<16xi32>
      %gather3A_1842 = tpu.vector_load_idx %arg10[%and3A_1841] : memref<256xf32, #tpu.memory_space<vmem>>[vector<16xi32>], vector<16xf32>,
      %mul3A_1843 = vector.broadcast %squeeze3A_1804 : f32 to vector<16xf32>
      %mul3A_1844 = arith.mulf %gather3A_1842, %mul3A_1843 : vector<16xf32>
      %add3A_1845 = arith.constant 2 : i32
      %add3A_1846 = vector.broadcast %add3A_1845 : i32 to vector<16xi32>
      %add3A_1847 = arith.addi %add3A_1817, %add3A_1846 : vector<16xi32>
      tpu.vector_store_idx %arg13[%add3A_1847], %mul3A_1844 : memref<32768xf32, #tpu.memory_space<vmem>>[vector<16xi32>], vector<16xf32>,
      %shift_right_logical3A_1848 = arith.constant 24 : i32
      %shift_right_logical3A_1849 = vector.broadcast %shift_right_logical3A_1848 : i32 to vector<16xi32>
      %shift_right_logical3A_1850 = arith.shrui %get3A_1811, %shift_right_logical3A_1849 : vector<16xi32>
      %and3A_1851 = arith.andi %shift_right_logical3A_1850, %broadcast_in_dim3A_922 : vector<16xi32>
      %gather3A_1852 = tpu.vector_load_idx %arg10[%and3A_1851] : memref<256xf32, #tpu.memory_space<vmem>>[vector<16xi32>], vector<16xf32>,
      %mul3A_1853 = vector.broadcast %squeeze3A_1804 : f32 to vector<16xf32>
      %mul3A_1854 = arith.mulf %gather3A_1852, %mul3A_1853 : vector<16xf32>
      %add3A_1855 = arith.constant 3 : i32
      %add3A_1856 = vector.broadcast %add3A_1855 : i32 to vector<16xi32>
      %add3A_1857 = arith.addi %add3A_1817, %add3A_1856 : vector<16xi32>
      tpu.vector_store_idx %arg13[%add3A_1857], %mul3A_1854 : memref<32768xf32, #tpu.memory_space<vmem>>[vector<16xi32>], vector<16xf32>,
    }
    %scan3A_929 = arith.constant 32 : i32
    %mul3A_930 = arith.constant 64 : i32
    %mul3A_931 = arith.muli %mul3A_2, %mul3A_930 : i32
    "tpu.region"() ({
      %run_scoped3A_932 = tpu.sem_alloc : memref<!tpu.dma_semaphore, #tpu.memory_space<semaphore_mem>>
      %dma_start3A_933 = tpu.memref_slice %arg6[%mul3A_931] : memref<1048576xf32, #tpu.memory_space<hbm>> -> memref<32768xf32, #tpu.memory_space<hbm>>
      %dma_start3A_934 = tpu.memref_slice %arg6[%mul3A_931] : memref<1048576xf32, #tpu.memory_space<hbm>> -> memref<32768xf32, #tpu.memory_space<hbm>>
      tpu.enqueue_dma source(%arg13 : memref<32768xf32, #tpu.memory_space<vmem>>) target(%dma_start3A_934 : memref<32768xf32, #tpu.memory_space<hbm>>) target_semaphore(%run_scoped3A_932 : memref<!tpu.dma_semaphore, #tpu.memory_space<semaphore_mem>>)
      %dma_wait3A_935 = tpu.memref_slice %arg6[%mul3A_931] : memref<1048576xf32, #tpu.memory_space<hbm>> -> memref<32768xf32, #tpu.memory_space<hbm>>
      %dma_wait3A_936 = tpu.memref_slice %arg6[%mul3A_931] : memref<1048576xf32, #tpu.memory_space<hbm>> -> memref<32768xf32, #tpu.memory_space<hbm>>
      tpu.wait_dma2 semaphore(%run_scoped3A_932 : memref<!tpu.dma_semaphore, #tpu.memory_space<semaphore_mem>>) src(%arg13 : memref<32768xf32, #tpu.memory_space<vmem>>) dst(%dma_wait3A_936 : memref<32768xf32, #tpu.memory_space<hbm>>)
      tpu.yield
    }) : () -> ()
    return
  }
}

module attributes {stable_mosaic.version = 14 : i64} {
  func.func @body(%arg0: i32, %arg1: memref<64x16384xi32, #tpu.memory_space<vmem>>, %arg2: memref<2048x128xi32, #tpu.memory_space<vmem>>) attributes {dimension_semantics = [#tpu.dimension_semantics<arbitrary>], iteration_bounds = array<i64: 62>, scalar_prefetch = 0 : i64, scratch_operands = 0 : i64, tpu.core_type = #tpu.core_type<tc>, window_params = [{transform_indices = @transform_0, window_bounds = array<i64: 64, 16384>}, {transform_indices = @transform_1, window_bounds = array<i64: 2048, 128>}]} {
    %get3A = arith.constant 0 : index
    %get3A_0 = arith.constant 0 : index
    %get3A_1 = vector.load %arg1[%get3A, %get3A_0] : memref<64x16384xi32, #tpu.memory_space<vmem>>, vector<64x16384xi32>
    %convert_element_type3A = arith.trunci %get3A_1 : vector<64x16384xi32> to vector<64x16384xi8>
    %bitcast3A = tpu.bitcast %convert_element_type3A : vector<64x16384xi8> -> vector<16x16384xi32>
    %slice3A = vector.extract_strided_slice %bitcast3A {offsets = [0, 0], sizes = [16, 2048], strides = [1, 1]} : vector<16x16384xi32> to vector<16x2048xi32>
    %slice3A_2 = vector.extract_strided_slice %bitcast3A {offsets = [0, 2048], sizes = [16, 2048], strides = [1, 1]} : vector<16x16384xi32> to vector<16x2048xi32>
    %slice3A_3 = vector.extract_strided_slice %bitcast3A {offsets = [0, 4096], sizes = [16, 2048], strides = [1, 1]} : vector<16x16384xi32> to vector<16x2048xi32>
    %slice3A_4 = vector.extract_strided_slice %bitcast3A {offsets = [0, 6144], sizes = [16, 2048], strides = [1, 1]} : vector<16x16384xi32> to vector<16x2048xi32>
    %slice3A_5 = vector.extract_strided_slice %bitcast3A {offsets = [0, 8192], sizes = [16, 2048], strides = [1, 1]} : vector<16x16384xi32> to vector<16x2048xi32>
    %slice3A_6 = vector.extract_strided_slice %bitcast3A {offsets = [0, 10240], sizes = [16, 2048], strides = [1, 1]} : vector<16x16384xi32> to vector<16x2048xi32>
    %slice3A_7 = vector.extract_strided_slice %bitcast3A {offsets = [0, 12288], sizes = [16, 2048], strides = [1, 1]} : vector<16x16384xi32> to vector<16x2048xi32>
    %slice3A_8 = vector.extract_strided_slice %bitcast3A {offsets = [0, 14336], sizes = [16, 2048], strides = [1, 1]} : vector<16x16384xi32> to vector<16x2048xi32>
    %concatenate3A = tpu.concatenate %slice3A, %slice3A_2, %slice3A_3, %slice3A_4, %slice3A_5, %slice3A_6, %slice3A_7, %slice3A_8 in 0 : vector<16x2048xi32>, vector<16x2048xi32>, vector<16x2048xi32>, vector<16x2048xi32>, vector<16x2048xi32>, vector<16x2048xi32>, vector<16x2048xi32>, vector<16x2048xi32> -> vector<128x2048xi32>
    %transpose3A = tpu.transpose %concatenate3A, [1, 0] : vector<128x2048xi32> -> vector<2048x128xi32>
    %swap3A = arith.constant 0 : index
    %swap3A_9 = arith.constant 0 : index
    %swap3A_10 = vector.load %arg2[%swap3A, %swap3A_9] : memref<2048x128xi32, #tpu.memory_space<vmem>>, vector<2048x128xi32>
    tpu.vector_store %arg2[%swap3A, %swap3A_9], %transpose3A {strides = array<i32>} : memref<2048x128xi32, #tpu.memory_space<vmem>>, vector<2048x128xi32>,
    return
  }
  func.func @transform_0(%arg0: i32) -> (i32, i32) {
    %c0_i32 = arith.constant 0 : i32
    %c0_i32_0 = arith.constant 0 : i32
    return %c0_i32, %arg0 : i32, i32
  }
  func.func @transform_1(%arg0: i32) -> (i32, i32) {
    %c0_i32 = arith.constant 0 : i32
    %c0_i32_0 = arith.constant 0 : i32
    return %arg0, %c0_i32 : i32, i32
  }
}

</mosaic_0001>

<sc_bundles>
// kernel: kernel.4.cloned.1.call-start
scs
__scs_entry_jumppad:
0x0: {  	(pc) =	sbr.rel $0x88, $3  }
0x1: {  	(tag) =	ssettag $0x0;
	lr =	simm.s32 $0x1  }
0x2: {  	[smem:$0x3F9D] =	sst lr;
	_ =	strace $0xD0000000  }
0x3: {  	_ = 	snop  }
0x4: {  	_ = 	snop  }
0x5: {  	_ = 	snop  }
0x6: {  	_ = 	snop  }
0x7: {  	_ = 	snop  }
__scs_overlays_trampoline_lowered:
0x8: {  	[smem:$0x3FAC] =	sst s0  }
0x9: {  	[smem:$0x3FAD] =	sst s1  }
0xa: {  	[smem:$0x3FAE] =	sst s2  }
0xb: {  	[smem:$0x3FAF] =	sst s3  }
0xc: {  	[smem:$0x3FB0] =	sst s4  }
0xd: {  	[smem:$0x3FB1] =	sst s5  }
0xe: {  	[smem:$0x3FB2] =	sst s6  }
0xf: {  	[smem:$0x3FB3] =	sst s7  }
0x10: {  	[smem:$0x3FB4] =	sst s8  }
0x11: {  	[smem:$0x3FB5] =	sst s9;
	s0 =	simm.s32 @!p0 $0x0  }
0x12: {  	s1 =	sld [smem:$0x3F9B];
	s0 =	simm.s32 @p0 $0x1  }
0x13: {  	[smem:$0x3FB6] =	sst s0;
	s0 =	simm.s32 @!p1 $0x0  }
0x14: {  	s2 =	sld [smem:$0x3F9A];
	s0 =	simm.s32 @p1 $0x1  }
0x15: {  	[smem:$0x3FB7] =	sst s0;
	s0 =	simm.s32 @!p2 $0x0  }
0x16: {  	s3 =	sld [smem:$0x3FDB];
	s0 =	simm.s32 @p2 $0x1  }
0x17: {  	s4 =	simm.s32 $0x1BF5;
	[smem:$0x3FB9] =	sst s0  }
0x18: {  	s0 =	sld [smem:$0x3F9C];
	_ =	swait.ge [sflag:s4], $0x0  }
0x19: {  	s7 =	sld [smem:$0x3F9D]  }
0x1a: {  	s8 =	sadd.s32 $0xFFFFE003, lr  }
0x1b: {  	s9 =	sadd.s32 $0xFFFFFEF7, lr;
	s5 =	simm.s32 $0xFFFFFFFF;
	p2 =	slt.u32 s8, $0xFFFFF086  }
0x1c: {  	p1 =	slt.u32 s9, $0xF7A;
	s5 =	simm.s32 @!p2 $0x0  }
0x1d: {  	s5 =	simm.s32 @p1 $0x1;
	p0 =	seq.s32 s7, s2  }
0x1e: {  	s7 =	smul.u32 @!p0 $0xF7A, s2;
	p2 =	seq.s32 @!p0 s5, $0x0  }
0x1f: {  	s9 =	smul.u32 $0xF7A, s1;
	s8 =	simm.s32 @!p0 $0x1BF5;
	p2 =	por !p2, p0  }
0x20: {  	[sflag:s8] =	ssyncset.s32 @!p0 $0xFFFFF086;
	s6 =	sadd.s32 @!p0 s3, s7;
	s7 =	simm.s32 @!p0 $0x108  }
0x21: {  	s3 =	sadd.s32 s3, s9;
	s6 =	sadd.s32 @!p0 $0x88, s6;
	s7 =	simm.s32 @p2 $0x1082  }
0x22: {  	[simem:s7], [sflag:s8] =	dma.local @!p0 [hbm:s6], $0xF7A  }
0x23: {  	s9 =	sor.u32 $0xD0000000, s2;
	s6 =	simm.s32 $0x108;
	_ =	swait.ge @!p0 [sflag:s8], $0x0  }
0x24: {  	s3 =	sadd.s32 $0x88, s3;
	s6 =	simm.s32 @!p1 $0x1082;
	[sflag:s4] =	ssyncset.s32 $0xFFFFF086  }
0x25: {  	[simem:s6], [sflag:s4] =	dma.local [hbm:s3], $0xF7A  }
0x26: {  	[smem:$0x3F9D] =	sst s1;
	(tag) =	ssettag s2;
	_ =	strace s9  }
0x27: {  	s1 =	sld [smem:$0x3FAD]  }
0x28: {  	s2 =	sld [smem:$0x3FAE]  }
0x29: {  	s4 =	sld [smem:$0x3FB0]  }
0x2a: {  	p0 =	seq.s32 s5, $0x0;
	s5 =	sld [smem:$0x3FB1]  }
0x2b: {  	s6 =	sld [smem:$0x3FB2]  }
0x2c: {  	s7 =	sld [smem:$0x3FB3]  }
0x2d: {  	s3 =	simm.s32 $0x108;
	s8 =	sld [smem:$0x3FB4]  }
0x2e: {  	s3 =	simm.s32 @!p0 $0x1082;
	s9 =	sld [smem:$0x3FB5]  }
0x2f: {  	lr =	sadd.s32 s0, s3;
	s0 =	sld [smem:$0x3FAC]  }
0x30: {  	s3 =	sld [smem:$0x3FAF]  }
0x31: {  	[smem:$0x3FB8] =	sst s10  }
0x32: {  	s10 =	sld [smem:$0x3FB6];
	_ =	sdelay $0x3  }
0x33: {  	p0 =	seq.s32 s10, $0x1;
	s10 =	sld [smem:$0x3FB8];
	_ =	sdelay $0x3  }
0x34: {  	[smem:$0x3FB8] =	sst s10  }
0x35: {  	s10 =	sld [smem:$0x3FB7];
	_ =	sdelay $0x3  }
0x36: {  	p1 =	seq.s32 s10, $0x1;
	s10 =	sld [smem:$0x3FB8];
	_ =	sdelay $0x3  }
0x37: {  	[smem:$0x3FB8] =	sst s10  }
0x38: {  	s10 =	sld [smem:$0x3FB9]  }
0x39: {  	_ = 	snop;
	(pc) =	sbr.ind lr, $3  }
0x3a: {  	_ = 	snop  }
0x3b: {  	_ = 	snop  }
0x3c: {  	p2 =	seq.s32 s10, $0x1;
	s10 =	sld [smem:$0x3FB8]  }
0x3d: {  	_ =	shalt  }
0x3e: {  	_ =	shalt  }
0x3f: {  	_ =	shalt  }
0x40: {  	_ =	shalt  }
0x41: {  	_ =	shalt  }
0x42: {  	_ =	shalt  }
0x43: {  	_ =	shalt  }
0x44: {  	_ =	shalt  }
0x45: {  	_ =	shalt  }
0x46: {  	_ =	shalt  }
0x47: {  	_ =	shalt  }
0x48: {  	_ =	shalt  }
0x49: {  	_ =	shalt  }
0x4a: {  	_ =	shalt  }
0x4b: {  	_ =	shalt  }
0x4c: {  	_ =	shalt  }
0x4d: {  	_ =	shalt  }
0x4e: {  	_ =	shalt  }
0x4f: {  	_ =	shalt  }
0x50: {  	_ =	shalt  }
0x51: {  	_ =	shalt  }
0x52: {  	_ =	shalt  }
0x53: {  	_ =	shalt  }
0x54: {  	_ =	shalt  }
0x55: {  	_ =	shalt  }
0x56: {  	_ =	shalt  }
0x57: {  	_ =	shalt  }
0x58: {  	_ =	shalt  }
0x59: {  	_ =	shalt  }
0x5a: {  	_ =	shalt  }
0x5b: {  	_ =	shalt  }
0x5c: {  	_ =	shalt  }
0x5d: {  	_ =	shalt  }
0x5e: {  	_ =	shalt  }
0x5f: {  	_ =	shalt  }
0x60: {  	_ =	shalt  }
0x61: {  	_ =	shalt  }
0x62: {  	_ =	shalt  }
0x63: {  	_ =	shalt  }
0x64: {  	_ =	shalt  }
0x65: {  	_ =	shalt  }
0x66: {  	_ =	shalt  }
0x67: {  	_ =	shalt  }
0x68: {  	_ =	shalt  }
0x69: {  	_ =	shalt  }
0x6a: {  	_ =	shalt  }
0x6b: {  	_ =	shalt  }
0x6c: {  	_ =	shalt  }
0x6d: {  	_ =	shalt  }
0x6e: {  	_ =	shalt  }
0x6f: {  	_ =	shalt  }
0x70: {  	_ =	shalt  }
0x71: {  	_ =	shalt  }
0x72: {  	_ =	shalt  }
0x73: {  	_ =	shalt  }
0x74: {  	_ =	shalt  }
0x75: {  	_ =	shalt  }
0x76: {  	_ =	shalt  }
0x77: {  	_ =	shalt  }
0x78: {  	_ =	shalt  }
0x79: {  	_ =	shalt  }
0x7a: {  	_ =	shalt  }
0x7b: {  	_ =	shalt  }
0x7c: {  	_ =	shalt  }
0x7d: {  	_ =	shalt  }
0x7e: {  	_ =	shalt  }
0x7f: {  	_ =	shalt  }
0x80: {  	_ =	shalt  }
0x81: {  	_ =	shalt  }
0x82: {  	_ =	shalt  }
0x83: {  	_ =	shalt  }
0x84: {  	_ =	shalt  }
0x85: {  	_ =	shalt  }
0x86: {  	_ =	shalt  }
0x87: {  	_ =	shalt  }
.Lfunc_end0:
.L_simem_size_0:
called_computation_lowered:
.L_overlay_start_0:
0x88: {  	s2 =	sld [smem:$0x3FD9]  }
0x89: {  	s3 =	sld [smem:$0x3FFE];
	_ =	sdelay $0x1  }
0x8a: {  	s1 =	srdreg.scid  }
0x8b: {  	s0 =	sand.u32 $0x1, s1  }
0x8c: {  	s17 =	sshll.u32 s0, $0xA;
	s2 =	sadd.s32 s3, s2  }
0x8d: {  	s2 =	sadd.s32 s2, s17  }
0x8e: {  	[smem:$0x3FC4] =	sst s2  }
0x8f: {  	_ = 	snop  }
0x90: {  	s2 =	sld [smem:$0x3FC9]  }
0x91: {  	s18 =	sld [smem:$0x3FC6]  }
0x92: {  	s4 =	sld [smem:$0x3FD0];
	(tm) =	ssettm $0x1  }
0x93: {  	s5 =	sld [smem:$0x3FFB];
	_ =	sdelay $0x3  }
0x94: {  	_ =	strace s5  }
0x95: {  	s5 =	sld [smem:$0x3FFC];
	_ =	sdelay $0x3  }
0x96: {  	_ =	strace s5  }
0x97: {  	s5 =	sld [smem:$0x3FFD];
	_ =	sdelay $0x3  }
0x98: {  	_ =	strace s5  }
0x99: {  	_ =	strace $0x8FFFFFFF  }
0x9a: {  	s19 =	sld [smem:$0x3FDB];
	_ =	sdelay $0x1  }
0x9b: {  	s6 =	simm.s32 $_scs_section_size  }
0x9c: {  	s7 =	simm.s32 $_size__tile_overlayer_lowered;
	s8 =	simm.s32 $_tile_overlayer_lowered  }
0x9d: {  	s22 =	simm.s32 $0x1BFF;
	s21 =	sshll.u32 s8, $0x1;
	s5 =	sadd.s32 s6, s19  }
0x9e: {  	s9 =	simm.s32 $0x0;
	s20 =	sshll.u32 s7, $0x1;
	s7 =	sadd.s32 s21, s5  }
0x9f: {  	[timem:s9], [sflag:s22] =	dma.local [hbm:s7], s20  }
0xa0: {  	_ =	swait.ge [sflag:s22], s20  }
0xa1: {  	s6 =	ssub.s32 $0x0, s20;
	[sflag:s22] =	ssyncset.done $0x0  }
0xa2: {  	[sflag:s22] =	ssyncadd.s32 s6;
	_ =	sdelay $0x1  }
0xa3: {  	s23 =	simm.s32 $0x1B8B  }
0xa4: {  	_ =	swait.ge [sflag:s23], $0x1  }
0xa5: {  	[sflag:s23] =	ssyncset.done $0x0  }
0xa6: {  	s25 =	simm.s32 $0x1B8E;
	s24 =	sld [smem:$0x3FFE];
	[sflag:s23] =	ssyncadd.s32 $0xFFFFFFFF  }
0xa7: {  	s26 =	simm.s32 $execute0_lowered;
	[smem:$0x3FD2] =	sst s25  }
0xa8: {  	s7 =	sshll.u32 s26, $0x1;
	_ =	strace $0x80000046;
	[dreg:$0x1] =	wrdreg $0xFFFFFFFF  }
0xa9: {  	s28 =	simm.s32 $_size_execute0_lowered;
	s5 =	sadd.s32 s5, s7;
	[dreg:$0x0] =	wrdreg $0x0  }
0xaa: {  	s7 =	sshll.u32 s28, $0x1;
	[dreg:$0x2] =	wrdreg s5  }
0xab: {  	[dreg:$0x3] =	wrdreg s7  }
0xac: {  	[dreg:$0x4] =	wrdreg $0xC0  }
0xad: {  	_ =	task [dreg:s9], $0x5FFFF  }
0xae: {  	[dreg:$0x1] =	wrdreg $0xFFFFFFFF  }
0xaf: {  	[dreg:$0x0] =	wrdreg $0x60  }
0xb0: {  	[dreg:$0x2] =	wrdreg s2  }
0xb1: {  	[dreg:$0x3] =	wrdreg s24  }
0xb2: {  	[dreg:$0x4] =	wrdreg s18  }
0xb3: {  	[dreg:$0x5] =	wrdreg s4  }
0xb4: {  	[dreg:$0x6] =	wrdreg $0x9  }
0xb5: {  	_ =	task.clear_ibuf [dreg:s9], $0x7FFFF;
	_ =	strace $0x90000046  }
0xb6: {  	s29 =	simm.s32 $0x9;
	_ =	strace $0x80000048  }
0xb7: {  	_ =	swait.ge [sflag:s29], $0x1  }
0xb8: {  	[sflag:s29] =	ssyncadd.s32 $0xFFFFFFFF  }
0xb9: {  	_ =	strace $0x90000048  }
0xba: {  	_ =	sfence  }
0xbb: {  	s30 =	sld [smem:$0x0];
	_ =	sdelay $0x2  }
0xbc: {  	s31 =	sshll.u32 s1, $0xD;
	s1 =	sshrl.u32 s1, $0x2  }
0xbd: {  	s3 =	sand.u32 $0x4000, s31;
	s1 =	sadd.s32 s1, s30  }
0xbe: {  	s0 =	sor.u32 s3, s0;
	s1 =	sshll.u32 s1, $0x11  }
0xbf: {  	s0 =	sor.u32 s1, s0  }
0xc0: {  	s0 =	sadd.s32 $0x8F2B, s0  }
0xc1: {  	[sflag:s0] =	ssyncadd.remote.s32 $0x1  }
0xc2: {  	_ =	sfence.sel $0xFFFF  }
0xc3: {  	[dreg:$0x0] =	wrdreg $0xFFFFFFFF;
	(pc) =	sbr.abs _section_cstart, $3  }
0xc4: {  	[dreg:$0x1] =	wrdreg $0xFFFFFFFF  }
0xc5: {  	_ =	task.clear_ibuf [dreg:s9], $0x2FFFF;
	_ =	strace $0x9FFFFFFF  }
0xc6: {  	(tm) =	ssettm $0x7FFFFFFF  }
0xc7: {  	_ =	shalt  }
tec
execute0_lowered:
.L_overlay_start_1:
0x0: {  	(tag) =	ssettag $0x1  }
0x1: {  	s0 =	rddreg [dreg:$0x0]  }
0x2: {  	s6 =	rddreg [dreg:$0x1]  }
0x3: {  	s10 =	rddreg [dreg:$0x3];
	s4 =	srdreg.scid  }
0x4: {  	s1 =	stileid.u32;
	s3 =	simm.s32 $0x0;
	s12 =	simm.s32 $0x2  }
0x5: {  	s13 =	simm.s32 $0x80;
	s14 =	simm.s32 $0x100;
	s15 =	simm.s32 $0x180  }
0x6: {  	s16 =	simm.s32 $0x10400;
	s17 =	simm.s32 $0x200;
	s18 =	simm.s32 $0x280  }
0x7: {  	s19 =	simm.s32 $0x4400;
	s20 =	simm.s32 $0x300;
	s21 =	simm.s32 $0x8400  }
0x8: {  	s22 =	simm.s32 $0x380;
	s23 =	simm.s32 $0xC400;
	s24 =	simm.s32 $0x10500  }
0x9: {  	s25 =	simm.s32 $0x1;
	s26 =	simm.s32 $0x14480;
	s28 =	simm.s32 $0x0  }
0xa: {  	s4 =	sand.u32 $0x1, s4;
	s5 =	sshll.u32 s1, $0x1;
	[smem:$0x7FF] =	sst s3  }
0xb: {  	v0 =	vlaneseq.u32;
	s11 =	sor.u32 s4, s5;
	_ =	strace $0x80000047;
	s7 =	ssub.s32 $0x2, s4  }
0xc: {  	v0 =	vmul.u32 $0x4, v0;
	s4 =	sadd.s32 $0x600, s6;
	s6 =	sadd.s32 $0x1F0600, s6;
	s5 =	sshll.u32 s11, $0x6  }
0xd: {  	s8 =	sshrl.u32 s7, $0x1;
	s11 =	sshll.u32 s11, $0xC;
	s5 =	sadd.s32 s0, s5  }
0xe: {  	v1 =	vor.u32 $0x1, v0;
	v2 =	vor.u32 $0x2, v0;
	v3 =	vor.u32 $0x3, v0;
	s31 =	ssub.s32 s7, s8;
	s10 =	sadd.s32 s10, s11;
	s7 =	sadd.s32 $0x10, s5  }
0xf: {  	v4 =	vor.u32 $0x41, v0;
	v5 =	vor.u32 $0x42, v0;
	v6 =	vor.u32 $0x43, v0;
	s8 =	sadd.s32 $0x20, s5;
	s9 =	sadd.s32 $0x30, s5;
	s11 =	smax.u32 s31, $0x1  }
.LBB2_1:
0x10: {  	[tilespmem:s3], [sflag:$0x2] =	stream.linear.gather [hbm4b:s5+s3], $0x80, $0x38;
	[tilespmem:$0x1C480] =	vst v63  }
0x11: {  	_ =	swait.ge [sflag:s12], $0x80  }
0x12: {  	[sflag:s12] =	ssyncset.done $0x0  }
0x13: {  	[sflag:s12] =	ssyncadd.s32 $0xFFFFFF80  }
0x14: {  	[tilespmem:s13], [sflag:$0x2] =	stream.linear.gather [hbm4b:s7+s3], $0x80, $0x38;
	[tilespmem:$0x1C480] =	vst v63  }
0x15: {  	_ =	swait.ge [sflag:s12], $0x80  }
0x16: {  	[sflag:s12] =	ssyncset.done $0x0  }
0x17: {  	[sflag:s12] =	ssyncadd.s32 $0xFFFFFF80  }
0x18: {  	[tilespmem:s14], [sflag:$0x2] =	stream.linear.gather [hbm4b:s8+s3], $0x80, $0x38;
	[tilespmem:$0x1C480] =	vst v63  }
0x19: {  	_ =	swait.ge [sflag:s12], $0x80  }
0x1a: {  	[sflag:s12] =	ssyncset.done $0x0  }
0x1b: {  	[sflag:s12] =	ssyncadd.s32 $0xFFFFFF80  }
0x1c: {  	[tilespmem:s15], [sflag:$0x2] =	stream.linear.gather [hbm4b:s9+s3], $0x80, $0x38;
	[tilespmem:$0x1C480] =	vst v63  }
0x1d: {  	_ =	swait.ge [sflag:s12], $0x80  }
0x1e: {  	[sflag:s12] =	ssyncset.done $0x0  }
0x1f: {  	[sflag:s12] =	ssyncadd.s32 $0xFFFFFF80  }
0x20: {  	s0 =	rddreg [dreg:$0x2]  }
0x21: {  	[tilespmem:s16], [sflag:$0x2] =	stream.linear.gather [hbm4b:s0+s3], $0x100, $0x38;
	[tilespmem:$0x1C480] =	vst v63  }
0x22: {  	_ =	swait.ge [sflag:s12], $0x100  }
0x23: {  	[sflag:s12] =	ssyncset.done $0x0  }
0x24: {  	[sflag:s12] =	ssyncadd.s32 $0xFFFFFF00  }
0x25: {  	v7 =	vld [tilespmem:$0x0]  }
0x26: {  	v8 =	vld [tilespmem:$0x10]  }
0x27: {  	v9 =	vld [tilespmem:$0x20]  }
0x28: {  	v10 =	vld [tilespmem:$0x30]  }
0x29: {  	v12 =	vld [tilespmem:$0x40]  }
0x2a: {  	v14 =	vld [tilespmem:$0x50]  }
0x2b: {  	v15 =	vld [tilespmem:$0x60]  }
0x2c: {  	v39 =	vld [tilespmem:$0x70]  }
0x2d: {  	v17 =	vld [tilespmem:$0x80]  }
0x2e: {  	v18 =	vld [tilespmem:$0x90]  }
0x2f: {  	v44 =	vld [tilespmem:$0xA0]  }
0x30: {  	v20 =	vld [tilespmem:$0xB0];
	v11 =	vshrl.u32 v7, $0x3  }
0x31: {  	v21 =	vld [tilespmem:$0xC0];
	v7 =	vand.u32 $0x7FF, v7;
	v13 =	vshrl.u32 v8, $0x3;
	v37 =	vshrl.u32 v9, $0x3  }
0x32: {  	v49 =	vld [tilespmem:$0xD0];
	v8 =	vand.u32 $0x7FF, v8;
	v9 =	vand.u32 $0x7FF, v9;
	v38 =	vshrl.u32 v10, $0x3  }
0x33: {  	v22 =	vld [tilespmem:$0xE0];
	v10 =	vand.u32 $0x7FF, v10;
	v16 =	vshrl.u32 v12, $0x3;
	v41 =	vshrl.u32 v14, $0x3  }
0x34: {  	v56 =	vld [tilespmem:$0xF0];
	v12 =	vand.u32 $0x7FF, v12;
	v14 =	vand.u32 $0x7FF, v14;
	v43 =	vshrl.u32 v15, $0x3  }
0x35: {  	v59 =	vld [tilespmem:$0x100];
	v15 =	vand.u32 $0x7FF, v15;
	v19 =	vshrl.u32 v39, $0x3;
	v46 =	vshrl.u32 v17, $0x3  }
0x36: {  	v62 =	vld [tilespmem:$0x110];
	v17 =	vand.u32 $0x7FF, v17;
	v48 =	vshrl.u32 v18, $0x3;
	v50 =	vand.u32 $0x7FF, v18  }
0x37: {  	v51 =	vshrl.u32 v44, $0x3;
	v52 =	vshrl.u32 v20, $0x3;
	v53 =	vand.u32 $0x7FF, v44  }
0x38: {  	v27 =	vld [tilespmem:$0x130];
	v55 =	vand.u32 $0x7FF, v20;
	v58 =	vshrl.u32 v21, $0x3;
	v60 =	vand.u32 $0x7FF, v21  }
0x39: {  	v61 =	vshrl.u32 v49, $0x3;
	v21 =	vshrl.u32 v22, $0x3;
	v23 =	vand.u32 $0x7FF, v49  }
0x3a: {  	v24 =	vand.u32 $0x7FF, v22;
	v26 =	vshrl.u32 v56, $0x3;
	v28 =	vand.u32 $0x7FF, v56  }
0x3b: {  	v29 =	vshrl.u32 v59, $0x3;
	v32 =	vshrl.u32 v62, $0x3;
	v11 =	vand.u32 $0x1FFFF800, v11  }
0x3c: {  	v33 =	vand.u32 $0x7FF, v62;
	v36 =	vand.u32 $0x1FFFF800, v13;
	v7 =	vor.u32 v7, v11  }
0x3d: {  	v44 =	vand.u32 $0x7FF, v27;
	v13 =	vand.u32 $0x1FFFF800, v37;
	v8 =	vor.u32 v8, v36;
	[tilespmem:$0x200] =	vst v7  }
0x3e: {  	v25 =	vld [tilespmem:$0x120];
	v40 =	vand.u32 $0x1FFFF800, v16;
	v16 =	vand.u32 $0x1FFFF800, v41;
	v9 =	vor.u32 v9, v13;
	[tilespmem:$0x210] =	vst v8  }
0x3f: {  	v30 =	vld [tilespmem:$0x140];
	v45 =	vand.u32 $0x1FFFF800, v19;
	v19 =	vand.u32 $0x1FFFF800, v46;
	v42 =	vor.u32 v14, v16;
	[tilespmem:$0x220] =	vst v9  }
0x40: {  	v54 =	vand.u32 $0x1FFFF800, v52;
	v63 =	vand.u32 $0x1FFFF800, v61;
	v47 =	vor.u32 v17, v19;
	[tilespmem:$0x250] =	vst v42  }
0x41: {  	v31 =	vand.u32 $0x1FFFF800, v29;
	v11 =	vand.u32 $0x1FFFF800, v38;
	v57 =	vor.u32 v55, v54;
	[tilespmem:$0x280] =	vst v47  }
0x42: {  	v14 =	vand.u32 $0x1FFFF800, v43;
	v13 =	vand.u32 $0x7FF, v39;
	v10 =	vor.u32 v10, v11;
	[tilespmem:$0x2B0] =	vst v57  }
0x43: {  	v34 =	vld [tilespmem:$0x150];
	v36 =	vshrl.u32 v25, $0x3;
	v39 =	vand.u32 $0x7FF, v25;
	v11 =	vor.u32 v12, v40;
	[tilespmem:$0x230] =	vst v10  }
0x44: {  	v43 =	vshrl.u32 v30, $0x3;
	v14 =	vor.u32 v15, v14;
	v13 =	vor.u32 v13, v45;
	[tilespmem:$0x240] =	vst v11  }
0x45: {  	v7 =	vand.u32 $0x1FFFF800, v48;
	v8 =	vand.u32 $0x1FFFF800, v51;
	v12 =	vand.u32 $0x1FFFF800, v21;
	[tilespmem:$0x260] =	vst v14  }
0x46: {  	v15 =	vand.u32 $0x1FFFF800, v32;
	v38 =	vand.u32 $0x1FFFF800, v36;
	v7 =	vor.u32 v50, v7;
	[tilespmem:$0x270] =	vst v13  }
0x47: {  	v49 =	vld [tilespmem:$0x190];
	v40 =	vshrl.u32 v27, $0x3;
	v45 =	vand.u32 $0x7FF, v30;
	v8 =	vor.u32 v53, v8;
	[tilespmem:$0x290] =	vst v7  }
0x48: {  	v37 =	vld [tilespmem:$0x160];
	v48 =	vshrl.u32 v34, $0x3;
	v10 =	vand.u32 $0x1FFFF800, v58;
	v11 =	vor.u32 v23, v63;
	[tilespmem:$0x2A0] =	vst v8  }
0x49: {  	v41 =	vld [tilespmem:$0x170];
	v12 =	vor.u32 v24, v12;
	v13 =	vand.u32 $0x1FFFF800, v26;
	v35 =	vor.u32 v33, v15;
	[tilespmem:$0x2D0] =	vst v11  }
0x4a: {  	v46 =	vld [tilespmem:$0x180];
	v42 =	vand.u32 $0x1FFFF800, v40;
	v50 =	vand.u32 $0x7FF, v34;
	v10 =	vor.u32 v60, v10;
	[tilespmem:$0x2E0] =	vst v12  }
0x4b: {  	v52 =	vld [tilespmem:$0x1A0];
	v7 =	vor.u32 v28, v13;
	v8 =	vand.u32 $0x7FF, v59;
	v13 =	vand.u32 $0x1FFFF800, v43;
	[tilespmem:$0x310] =	vst v35  }
0x4c: {  	v62 =	vshrl.u32 v49, $0x3;
	v8 =	vor.u32 v8, v31;
	[tilespmem:$0x2C0] =	vst v10;
	v10 =	vor.u32 v39, v38  }
0x4d: {  	[tilespmem:$0x2F0] =	vst v7;
	v7 =	vor.u32 v44, v42;
	v47 =	vor.u32 v45, v13;
	v51 =	vshrl.u32 v37, $0x3  }
0x4e: {  	v57 =	vld [tilespmem:$0x1B0];
	v54 =	vshrl.u32 v41, $0x3;
	v55 =	vand.u32 $0x7FF, v37;
	v56 =	vand.u32 $0x7FF, v41;
	[tilespmem:$0x300] =	vst v8  }
0x4f: {  	v21 =	vld [tilespmem:$0x1E0];
	v59 =	vshrl.u32 v46, $0x3;
	v61 =	vand.u32 $0x7FF, v46;
	v18 =	vand.u32 $0x1FFFF800, v62;
	[tilespmem:$0x320] =	vst v10  }
0x50: {  	v63 =	vld [tilespmem:$0x1D0];
	v19 =	vshrl.u32 v52, $0x3;
	v20 =	vand.u32 $0x7FF, v52;
	v8 =	vand.u32 $0x1FFFF800, v48;
	[tilespmem:$0x330] =	vst v7  }
0x51: {  	v60 =	vld [tilespmem:$0x1C0];
	v53 =	vand.u32 $0x1FFFF800, v51;
	v12 =	vand.u32 $0x1FFFF800, v54;
	[tilespmem:$0x340] =	vst v47;
	v8 =	vor.u32 v50, v8  }
0x52: {  	v10 =	vand.u32 $0x1FFFF800, v59;
	v11 =	vand.u32 $0x1FFFF800, v19;
	v7 =	vor.u32 v55, v53;
	[tilespmem:$0x350] =	vst v8  }
0x53: {  	v58 =	vor.u32 v56, v12;
	v22 =	vor.u32 v20, v11;
	v23 =	vshrl.u32 v57, $0x3;
	[tilespmem:$0x360] =	vst v7  }
0x54: {  	v24 =	vld [tilespmem:$0x1F0];
	v25 =	vand.u32 $0x7FF, v57;
	v30 =	vshrl.u32 v21, $0x3;
	v31 =	vand.u32 $0x7FF, v21;
	[tilespmem:$0x370] =	vst v58  }
0x55: {  	v8 =	vor.u32 v61, v10;
	v7 =	vand.u32 $0x7FF, v49;
	v27 =	vshrl.u32 v63, $0x3;
	[tilespmem:$0x3A0] =	vst v22  }
0x56: {  	v7 =	vor.u32 v7, v18;
	[tilespmem:$0x380] =	vst v8;
	v8 =	vand.u32 $0x1FFFF800, v23;
	v26 =	vshrl.u32 v60, $0x3  }
0x57: {  	v28 =	vand.u32 $0x7FF, v60;
	[tilespmem:$0x390] =	vst v7;
	v7 =	vor.u32 v25, v8;
	v8 =	vand.u32 $0x1FFFF800, v26  }
0x58: {  	v29 =	vand.u32 $0x7FF, v63;
	v10 =	vand.u32 $0x1FFFF800, v27;
	[tilespmem:$0x3B0] =	vst v7;
	v7 =	vor.u32 v28, v8  }
0x59: {  	v32 =	vshrl.u32 v24, $0x3;
	v8 =	vor.u32 v29, v10;
	[tilespmem:$0x3C0] =	vst v7;
	v7 =	vand.u32 $0x1FFFF800, v30  }
0x5a: {  	v33 =	vand.u32 $0x7FF, v24;
	[tilespmem:$0x3D0] =	vst v8;
	v8 =	vand.u32 $0x1FFFF800, v32;
	v7 =	vor.u32 v31, v7  }
0x5b: {  	[tilespmem:$0x3E0] =	vst v7;
	v7 =	vor.u32 v33, v8  }
0x5c: {  	s29 =	simm.s32 $0x400;
	[tilespmem:$0x3F0] =	vst v7  }
0x5d: {  	[tilespmem:s29], [sflag:$0x1] =	stream.indirect.gather [hbm4b:s4+s13], $0x80, s17, s13, $0xb8;
	[tilespmem:$0x1C480] =	vst v63  }
0x5e: {  	_ = 	snop  }
0x5f: {  	[tilespmem:s19], [sflag:$0x1] =	stream.indirect.gather [hbm4b:s4+s13], $0x80, s18, s13, $0xb8;
	[tilespmem:$0x1C480] =	vst v63  }
0x60: {  	_ = 	snop  }
0x61: {  	[tilespmem:s21], [sflag:$0x1] =	stream.indirect.gather [hbm4b:s4+s13], $0x80, s20, s13, $0xb8;
	[tilespmem:$0x1C480] =	vst v63  }
0x62: {  	_ = 	snop  }
0x63: {  	[tilespmem:s23], [sflag:$0x1] =	stream.indirect.gather [hbm4b:s4+s13], $0x80, s22, s13, $0xb8;
	[tilespmem:$0x1C480] =	vst v63  }
0x64: {  	_ = 	snop  }
0x65: {  	[tilespmem:s24], [sflag:$0x2] =	stream.linear.gather [hbm4b:s6+s3], $0x3D80, $0x38;
	[tilespmem:$0x1C480] =	vst v63  }
0x66: {  	_ =	swait.ge [sflag:s12], $0x3D80  }
0x67: {  	[sflag:s12] =	ssyncset.done $0x0  }
0x68: {  	[sflag:s12] =	ssyncadd.s32 $0xFFFFC280  }
0x69: {  	v7 =	vld [tilespmem:$0x0];
	_ =	sdelay $0x4  }
0x6a: {  	v7 =	vshrl.u32 v7, $0x6  }
0x6b: {  	v8 =	vld [tilespmem:$0x10];
	_ =	sdelay $0x3  }
0x6c: {  	v7 =	vld.idx.msk [tilespmem:v7+s24+$0x0], $0xffff  }
0x6d: {  	v8 =	vshrl.u32 v8, $0x6  }
0x6e: {  	v34 =	vld [tilespmem:$0x20];
	_ =	sdelay $0x2  }
0x6f: {  	[tilespmem:$0x14280] =	vst v7  }
0x70: {  	v7 =	vld.idx.msk [tilespmem:v8+s24+$0x0], $0xffff  }
0x71: {  	v8 =	vshrl.u32 v34, $0x6  }
0x72: {  	v35 =	vld [tilespmem:$0x30];
	_ =	sdelay $0x2  }
0x73: {  	[tilespmem:$0x14290] =	vst v7  }
0x74: {  	v7 =	vld.idx.msk [tilespmem:v8+s24+$0x0], $0xffff  }
0x75: {  	v8 =	vshrl.u32 v35, $0x6  }
0x76: {  	v36 =	vld [tilespmem:$0x40];
	_ =	sdelay $0x2  }
0x77: {  	[tilespmem:$0x142A0] =	vst v7  }
0x78: {  	v7 =	vld.idx.msk [tilespmem:v8+s24+$0x0], $0xffff  }
0x79: {  	v8 =	vshrl.u32 v36, $0x6  }
0x7a: {  	v37 =	vld [tilespmem:$0x50];
	_ =	sdelay $0x2  }
0x7b: {  	[tilespmem:$0x142B0] =	vst v7  }
0x7c: {  	v7 =	vld.idx.msk [tilespmem:v8+s24+$0x0], $0xffff  }
0x7d: {  	v8 =	vshrl.u32 v37, $0x6  }
0x7e: {  	v38 =	vld [tilespmem:$0x60];
	_ =	sdelay $0x2  }
0x7f: {  	[tilespmem:$0x142C0] =	vst v7  }
0x80: {  	v7 =	vld.idx.msk [tilespmem:v8+s24+$0x0], $0xffff  }
0x81: {  	v8 =	vshrl.u32 v38, $0x6  }
0x82: {  	v39 =	vld [tilespmem:$0x70];
	_ =	sdelay $0x2  }
0x83: {  	[tilespmem:$0x142D0] =	vst v7  }
0x84: {  	v7 =	vld.idx.msk [tilespmem:v8+s24+$0x0], $0xffff  }
0x85: {  	v8 =	vshrl.u32 v39, $0x6  }
0x86: {  	v40 =	vld [tilespmem:$0x80];
	_ =	sdelay $0x2  }
0x87: {  	[tilespmem:$0x142E0] =	vst v7  }
0x88: {  	v7 =	vld.idx.msk [tilespmem:v8+s24+$0x0], $0xffff  }
0x89: {  	v8 =	vshrl.u32 v40, $0x6  }
0x8a: {  	v41 =	vld [tilespmem:$0x90];
	_ =	sdelay $0x2  }
0x8b: {  	[tilespmem:$0x142F0] =	vst v7  }
0x8c: {  	v7 =	vld.idx.msk [tilespmem:v8+s24+$0x0], $0xffff  }
0x8d: {  	v8 =	vshrl.u32 v41, $0x6  }
0x8e: {  	v42 =	vld [tilespmem:$0xA0];
	_ =	sdelay $0x2  }
0x8f: {  	[tilespmem:$0x14300] =	vst v7  }
0x90: {  	v7 =	vld.idx.msk [tilespmem:v8+s24+$0x0], $0xffff  }
0x91: {  	v8 =	vshrl.u32 v42, $0x6  }
0x92: {  	v43 =	vld [tilespmem:$0xB0];
	_ =	sdelay $0x2  }
0x93: {  	[tilespmem:$0x14310] =	vst v7  }
0x94: {  	v7 =	vld.idx.msk [tilespmem:v8+s24+$0x0], $0xffff  }
0x95: {  	v8 =	vshrl.u32 v43, $0x6  }
0x96: {  	v44 =	vld [tilespmem:$0xC0];
	_ =	sdelay $0x2  }
0x97: {  	[tilespmem:$0x14320] =	vst v7  }
0x98: {  	v7 =	vld.idx.msk [tilespmem:v8+s24+$0x0], $0xffff  }
0x99: {  	v8 =	vshrl.u32 v44, $0x6  }
0x9a: {  	v45 =	vld [tilespmem:$0xD0];
	_ =	sdelay $0x2  }
0x9b: {  	[tilespmem:$0x14330] =	vst v7  }
0x9c: {  	v7 =	vld.idx.msk [tilespmem:v8+s24+$0x0], $0xffff  }
0x9d: {  	v8 =	vshrl.u32 v45, $0x6  }
0x9e: {  	v46 =	vld [tilespmem:$0xE0];
	_ =	sdelay $0x2  }
0x9f: {  	[tilespmem:$0x14340] =	vst v7  }
0xa0: {  	v7 =	vld.idx.msk [tilespmem:v8+s24+$0x0], $0xffff  }
0xa1: {  	v8 =	vshrl.u32 v46, $0x6  }
0xa2: {  	v47 =	vld [tilespmem:$0xF0];
	_ =	sdelay $0x2  }
0xa3: {  	[tilespmem:$0x14350] =	vst v7  }
0xa4: {  	v7 =	vld.idx.msk [tilespmem:v8+s24+$0x0], $0xffff  }
0xa5: {  	v8 =	vshrl.u32 v47, $0x6  }
0xa6: {  	v48 =	vld [tilespmem:$0x100];
	_ =	sdelay $0x2  }
0xa7: {  	[tilespmem:$0x14360] =	vst v7  }
0xa8: {  	v7 =	vld.idx.msk [tilespmem:v8+s24+$0x0], $0xffff  }
0xa9: {  	v8 =	vshrl.u32 v48, $0x6  }
0xaa: {  	v49 =	vld [tilespmem:$0x110];
	_ =	sdelay $0x2  }
0xab: {  	[tilespmem:$0x14370] =	vst v7  }
0xac: {  	v7 =	vld.idx.msk [tilespmem:v8+s24+$0x0], $0xffff  }
0xad: {  	v8 =	vshrl.u32 v49, $0x6  }
0xae: {  	v50 =	vld [tilespmem:$0x120];
	_ =	sdelay $0x2  }
0xaf: {  	[tilespmem:$0x14380] =	vst v7  }
0xb0: {  	v7 =	vld.idx.msk [tilespmem:v8+s24+$0x0], $0xffff  }
0xb1: {  	v8 =	vshrl.u32 v50, $0x6  }
0xb2: {  	v51 =	vld [tilespmem:$0x130];
	_ =	sdelay $0x2  }
0xb3: {  	[tilespmem:$0x14390] =	vst v7  }
0xb4: {  	v7 =	vld.idx.msk [tilespmem:v8+s24+$0x0], $0xffff  }
0xb5: {  	v8 =	vshrl.u32 v51, $0x6  }
0xb6: {  	v52 =	vld [tilespmem:$0x140];
	_ =	sdelay $0x2  }
0xb7: {  	[tilespmem:$0x143A0] =	vst v7  }
0xb8: {  	v7 =	vld.idx.msk [tilespmem:v8+s24+$0x0], $0xffff  }
0xb9: {  	v8 =	vshrl.u32 v52, $0x6  }
0xba: {  	v53 =	vld [tilespmem:$0x150];
	_ =	sdelay $0x2  }
0xbb: {  	[tilespmem:$0x143B0] =	vst v7  }
0xbc: {  	v7 =	vld.idx.msk [tilespmem:v8+s24+$0x0], $0xffff  }
0xbd: {  	v8 =	vshrl.u32 v53, $0x6  }
0xbe: {  	v54 =	vld [tilespmem:$0x160];
	_ =	sdelay $0x2  }
0xbf: {  	[tilespmem:$0x143C0] =	vst v7  }
0xc0: {  	v7 =	vld.idx.msk [tilespmem:v8+s24+$0x0], $0xffff  }
0xc1: {  	v8 =	vshrl.u32 v54, $0x6  }
0xc2: {  	v55 =	vld [tilespmem:$0x170];
	_ =	sdelay $0x2  }
0xc3: {  	[tilespmem:$0x143D0] =	vst v7  }
0xc4: {  	v7 =	vld.idx.msk [tilespmem:v8+s24+$0x0], $0xffff  }
0xc5: {  	v8 =	vshrl.u32 v55, $0x6  }
0xc6: {  	v56 =	vld [tilespmem:$0x180];
	_ =	sdelay $0x2  }
0xc7: {  	[tilespmem:$0x143E0] =	vst v7  }
0xc8: {  	v7 =	vld.idx.msk [tilespmem:v8+s24+$0x0], $0xffff  }
0xc9: {  	v8 =	vshrl.u32 v56, $0x6  }
0xca: {  	v57 =	vld [tilespmem:$0x190];
	_ =	sdelay $0x2  }
0xcb: {  	[tilespmem:$0x143F0] =	vst v7  }
0xcc: {  	v7 =	vld.idx.msk [tilespmem:v8+s24+$0x0], $0xffff  }
0xcd: {  	v8 =	vshrl.u32 v57, $0x6  }
0xce: {  	v58 =	vld [tilespmem:$0x1A0];
	_ =	sdelay $0x2  }
0xcf: {  	[tilespmem:$0x14400] =	vst v7  }
0xd0: {  	v7 =	vld.idx.msk [tilespmem:v8+s24+$0x0], $0xffff  }
0xd1: {  	v8 =	vshrl.u32 v58, $0x6  }
0xd2: {  	v59 =	vld [tilespmem:$0x1B0];
	_ =	sdelay $0x2  }
0xd3: {  	[tilespmem:$0x14410] =	vst v7  }
0xd4: {  	v7 =	vld.idx.msk [tilespmem:v8+s24+$0x0], $0xffff  }
0xd5: {  	v8 =	vshrl.u32 v59, $0x6  }
0xd6: {  	v60 =	vld [tilespmem:$0x1C0];
	_ =	sdelay $0x2  }
0xd7: {  	[tilespmem:$0x14420] =	vst v7  }
0xd8: {  	v7 =	vld.idx.msk [tilespmem:v8+s24+$0x0], $0xffff  }
0xd9: {  	v8 =	vshrl.u32 v60, $0x6  }
0xda: {  	v61 =	vld [tilespmem:$0x1D0];
	_ =	sdelay $0x2  }
0xdb: {  	[tilespmem:$0x14430] =	vst v7  }
0xdc: {  	v7 =	vld.idx.msk [tilespmem:v8+s24+$0x0], $0xffff  }
0xdd: {  	v8 =	vshrl.u32 v61, $0x6  }
0xde: {  	v62 =	vld [tilespmem:$0x1E0];
	_ =	sdelay $0x2  }
0xdf: {  	[tilespmem:$0x14440] =	vst v7  }
0xe0: {  	v7 =	vld.idx.msk [tilespmem:v8+s24+$0x0], $0xffff  }
0xe1: {  	v8 =	vshrl.u32 v62, $0x6  }
0xe2: {  	v63 =	vld [tilespmem:$0x1F0];
	_ =	sdelay $0x2  }
0xe3: {  	[tilespmem:$0x14450] =	vst v7  }
0xe4: {  	v7 =	vld.idx.msk [tilespmem:v8+s24+$0x0], $0xffff  }
0xe5: {  	v8 =	vshrl.u32 v63, $0x6;
	_ =	sdelay $0x3  }
0xe6: {  	[tilespmem:$0x14460] =	vst v7  }
0xe7: {  	v7 =	vld.idx.msk [tilespmem:v8+s24+$0x0], $0xffff;
	_ =	sdelay $0x4  }
0xe8: {  	[tilespmem:$0x14470] =	vst v7  }
0xe9: {  	_ =	swait.ge [sflag:s25], $0x4000  }
0xea: {  	[sflag:s25] =	ssyncset.done $0x0  }
0xeb: {  	[sflag:s25] =	ssyncadd.s32 $0xFFFFC000  }
0xec: {  	_ =	swait.ge [sflag:s25], $0x4000  }
0xed: {  	[sflag:s25] =	ssyncset.done $0x0  }
0xee: {  	[sflag:s25] =	ssyncadd.s32 $0xFFFFC000  }
0xef: {  	_ =	swait.ge [sflag:s25], $0x4000  }
0xf0: {  	[sflag:s25] =	ssyncset.done $0x0  }
0xf1: {  	[sflag:s25] =	ssyncadd.s32 $0xFFFFC000  }
0xf2: {  	_ =	swait.ge [sflag:s25], $0x4000  }
0xf3: {  	s30 =	simm.s32 $0x0;
	[sflag:s25] =	ssyncset.done $0x0  }
0xf4: {  	s31 =	simm.s32 $0x0;
	s0 =	simm.s32 $0x0;
	[sflag:s25] =	ssyncadd.s32 $0xFFFFC000  }
.LBB2_2:
0xf5: {  	s1 =	sand.u32 $0x600, s30  }
0xf6: {  	s2 =	sand.u32 $0x70, s31;
	s1 =	sshrl.u32 s1, $0x2  }
0xf7: {  	s1 =	sor.u32 s2, s1  }
0xf8: {  	v7 =	vld [tilespmem:s1+$0x0];
	_ =	sdelay $0x4  }
0xf9: {  	v7 =	vshrl.u32 v7, $0x7  }
0xfa: {  	v7 =	vand.u32 $0x70, v7  }
0xfb: {  	v8 =	vadd.s32 s29, v7  }
0xfc: {  	(v2sf) =	vpush v8, $0x1  }
0xfd: {  	(v2sf) =	vpush v8, $0x0;
	_ =	sdelay $0xd  }
0xfe: {  	s1 =	spop (v2sf)  }
0xff: {  	s2 =	spop (v2sf)  }
0x100: {  	v9 =	vld [tilespmem:s2+$0x0];
	_ =	sdelay $0x4  }
0x101: {  	v10 =	vand.u32 $0xFF, v9;
	_ =	sdelay $0x1  }
0x102: {  	s2 =	sshra.s32 s30, $0x2  }
0x103: {  	v7 =	vld [tilespmem:s2+$0x14280];
	_ =	sdelay $0x1  }
0x104: {  	v10 =	vld.idx.msk [tilespmem:v10+s16+$0x0], $0xffff;
	_ =	sdelay $0x1  }
0x105: {  	v11 =	vor.u32 s0, v0;
	v12 =	vshrl.u32 v9, $0x8  }
0x106: {  	v13 =	vbroadcast v7, $0x0;
	v12 =	vand.u32 $0xFF, v12;
	_ =	sdelay $0x1  }
0x107: {  	v10 =	vmul.f32 v10, v13;
	_ =	sdelay $0x1  }
0x108: {  	[tilespmem:v11+s26+$0x0] =	vst.idx.msk $0xffff, v10  }
0x109: {  	v10 =	vld.idx.msk [tilespmem:v12+s16+$0x0], $0xffff;
	_ =	sdelay $0x1  }
0x10a: {  	v38 =	vor.u32 s0, v1;
	v39 =	vshrl.u32 v9, $0x10  }
0x10b: {  	v12 =	vand.u32 $0xFF, v39;
	_ =	sdelay $0x1  }
0x10c: {  	v10 =	vmul.f32 v10, v13;
	_ =	sdelay $0x1  }
0x10d: {  	[tilespmem:v38+s26+$0x0] =	vst.idx.msk $0xffff, v10  }
0x10e: {  	v10 =	vld.idx.msk [tilespmem:v12+s16+$0x0], $0xffff;
	_ =	sdelay $0x1  }
0x10f: {  	v40 =	vor.u32 s0, v2  }
0x110: {  	v9 =	vshrl.u32 v9, $0x18;
	_ =	sdelay $0x1  }
0x111: {  	v10 =	vmul.f32 v10, v13;
	_ =	sdelay $0x1  }
0x112: {  	[tilespmem:v40+s26+$0x0] =	vst.idx.msk $0xffff, v10  }
0x113: {  	v9 =	vld.idx.msk [tilespmem:v9+s16+$0x0], $0xffff;
	_ =	sdelay $0x1  }
0x114: {  	v41 =	vor.u32 s0, v3;
	_ =	sdelay $0x2  }
0x115: {  	v9 =	vmul.f32 v9, v13;
	_ =	sdelay $0x1  }
0x116: {  	[tilespmem:v41+s26+$0x0] =	vst.idx.msk $0xffff, v9  }
0x117: {  	v9 =	vld [tilespmem:s1+$0x80];
	_ =	sdelay $0x4  }
0x118: {  	v42 =	vand.u32 $0xFF, v9;
	_ =	sdelay $0x4  }
0x119: {  	v10 =	vld.idx.msk [tilespmem:v42+s16+$0x0], $0xffff  }
0x11a: {  	s2 =	sadd.s32 $0x40, s0  }
0x11b: {  	v43 =	vor.u32 s2, v0;
	v44 =	vshrl.u32 v9, $0x8  }
0x11c: {  	v45 =	vbroadcast v7, $0x1;
	v12 =	vand.u32 $0xFF, v44;
	_ =	sdelay $0x1  }
0x11d: {  	v10 =	vmul.f32 v10, v45;
	_ =	sdelay $0x1  }
0x11e: {  	[tilespmem:v43+s26+$0x0] =	vst.idx.msk $0xffff, v10  }
0x11f: {  	v10 =	vld.idx.msk [tilespmem:v12+s16+$0x0], $0xffff;
	_ =	sdelay $0x1  }
0x120: {  	v46 =	vor.u32 s2, v4;
	v47 =	vshrl.u32 v9, $0x10  }
0x121: {  	v12 =	vand.u32 $0xFF, v47;
	_ =	sdelay $0x1  }
0x122: {  	v10 =	vmul.f32 v10, v45;
	_ =	sdelay $0x1  }
0x123: {  	(v2sf) =	vpush v8, $0x3;
	[tilespmem:v46+s26+$0x0] =	vst.idx.msk $0xffff, v10  }
0x124: {  	(v2sf) =	vpush v8, $0x2;
	v10 =	vld.idx.msk [tilespmem:v12+s16+$0x0], $0xffff;
	_ =	sdelay $0x1  }
0x125: {  	v48 =	vor.u32 s2, v5  }
0x126: {  	v9 =	vshrl.u32 v9, $0x18;
	_ =	sdelay $0x1  }
0x127: {  	v10 =	vmul.f32 v10, v45;
	_ =	sdelay $0x1  }
0x128: {  	[tilespmem:v48+s26+$0x0] =	vst.idx.msk $0xffff, v10  }
0x129: {  	v9 =	vld.idx.msk [tilespmem:v9+s16+$0x0], $0xffff;
	_ =	sdelay $0x1  }
0x12a: {  	v49 =	vor.u32 s2, v6;
	_ =	sdelay $0x2  }
0x12b: {  	v9 =	vmul.f32 v9, v45  }
0x12c: {  	s1 =	spop (v2sf)  }
0x12d: {  	s2 =	spop (v2sf);
	[tilespmem:v49+s26+$0x0] =	vst.idx.msk $0xffff, v9  }
0x12e: {  	v9 =	vld [tilespmem:s2+$0x100];
	_ =	sdelay $0x4  }
0x12f: {  	v50 =	vand.u32 $0xFF, v9;
	_ =	sdelay $0x4  }
0x130: {  	v10 =	vld.idx.msk [tilespmem:v50+s16+$0x0], $0xffff  }
0x131: {  	s2 =	sadd.s32 $0x80, s0  }
0x132: {  	v51 =	vor.u32 s2, v0;
	v52 =	vshrl.u32 v9, $0x8  }
0x133: {  	v53 =	vbroadcast v7, $0x2;
	v12 =	vand.u32 $0xFF, v52;
	_ =	sdelay $0x1  }
0x134: {  	v10 =	vmul.f32 v10, v53;
	_ =	sdelay $0x1  }
0x135: {  	[tilespmem:v51+s26+$0x0] =	vst.idx.msk $0xffff, v10  }
0x136: {  	v10 =	vld.idx.msk [tilespmem:v12+s16+$0x0], $0xffff;
	_ =	sdelay $0x1  }
0x137: {  	v54 =	vor.u32 s2, v1;
	v55 =	vshrl.u32 v9, $0x10  }
0x138: {  	v12 =	vand.u32 $0xFF, v55;
	_ =	sdelay $0x1  }
0x139: {  	v10 =	vmul.f32 v10, v53;
	_ =	sdelay $0x1  }
0x13a: {  	[tilespmem:v54+s26+$0x0] =	vst.idx.msk $0xffff, v10  }
0x13b: {  	v10 =	vld.idx.msk [tilespmem:v12+s16+$0x0], $0xffff;
	_ =	sdelay $0x1  }
0x13c: {  	v56 =	vor.u32 s2, v2  }
0x13d: {  	v9 =	vshrl.u32 v9, $0x18;
	_ =	sdelay $0x1  }
0x13e: {  	v10 =	vmul.f32 v10, v53;
	_ =	sdelay $0x1  }
0x13f: {  	[tilespmem:v56+s26+$0x0] =	vst.idx.msk $0xffff, v10  }
0x140: {  	v9 =	vld.idx.msk [tilespmem:v9+s16+$0x0], $0xffff;
	_ =	sdelay $0x1  }
0x141: {  	v57 =	vor.u32 s2, v3;
	_ =	sdelay $0x2  }
0x142: {  	v9 =	vmul.f32 v9, v53;
	_ =	sdelay $0x1  }
0x143: {  	[tilespmem:v57+s26+$0x0] =	vst.idx.msk $0xffff, v9  }
0x144: {  	v9 =	vld [tilespmem:s1+$0x180];
	_ =	sdelay $0x4  }
0x145: {  	v58 =	vand.u32 $0xFF, v9;
	_ =	sdelay $0x4  }
0x146: {  	v10 =	vld.idx.msk [tilespmem:v58+s16+$0x0], $0xffff  }
0x147: {  	s2 =	sadd.s32 $0xC0, s0  }
0x148: {  	v59 =	vor.u32 s2, v0;
	v60 =	vshrl.u32 v9, $0x8  }
0x149: {  	v61 =	vbroadcast v7, $0x3;
	v12 =	vand.u32 $0xFF, v60;
	_ =	sdelay $0x1  }
0x14a: {  	v10 =	vmul.f32 v10, v61;
	_ =	sdelay $0x1  }
0x14b: {  	[tilespmem:v59+s26+$0x0] =	vst.idx.msk $0xffff, v10  }
0x14c: {  	v10 =	vld.idx.msk [tilespmem:v12+s16+$0x0], $0xffff;
	_ =	sdelay $0x1  }
0x14d: {  	v62 =	vor.u32 s2, v4;
	v63 =	vshrl.u32 v9, $0x10  }
0x14e: {  	v12 =	vand.u32 $0xFF, v63;
	_ =	sdelay $0x1  }
0x14f: {  	v10 =	vmul.f32 v10, v61;
	_ =	sdelay $0x1  }
0x150: {  	(v2sf) =	vpush v8, $0x5;
	[tilespmem:v62+s26+$0x0] =	vst.idx.msk $0xffff, v10  }
0x151: {  	(v2sf) =	vpush v8, $0x4;
	v10 =	vld.idx.msk [tilespmem:v12+s16+$0x0], $0xffff;
	_ =	sdelay $0x1  }
0x152: {  	v16 =	vor.u32 s2, v5  }
0x153: {  	v9 =	vshrl.u32 v9, $0x18;
	_ =	sdelay $0x1  }
0x154: {  	v10 =	vmul.f32 v10, v61;
	_ =	sdelay $0x1  }
0x155: {  	[tilespmem:v16+s26+$0x0] =	vst.idx.msk $0xffff, v10  }
0x156: {  	v9 =	vld.idx.msk [tilespmem:v9+s16+$0x0], $0xffff;
	_ =	sdelay $0x1  }
0x157: {  	v17 =	vor.u32 s2, v6;
	_ =	sdelay $0x2  }
0x158: {  	v9 =	vmul.f32 v9, v61  }
0x159: {  	s1 =	spop (v2sf)  }
0x15a: {  	s2 =	spop (v2sf);
	[tilespmem:v17+s26+$0x0] =	vst.idx.msk $0xffff, v9  }
0x15b: {  	v9 =	vld [tilespmem:s2+$0x200];
	_ =	sdelay $0x4  }
0x15c: {  	v18 =	vand.u32 $0xFF, v9;
	_ =	sdelay $0x4  }
0x15d: {  	v10 =	vld.idx.msk [tilespmem:v18+s16+$0x0], $0xffff  }
0x15e: {  	s2 =	sadd.s32 $0x100, s0  }
0x15f: {  	v19 =	vor.u32 s2, v0;
	v20 =	vshrl.u32 v9, $0x8  }
0x160: {  	v21 =	vbroadcast v7, $0x4;
	v12 =	vand.u32 $0xFF, v20;
	_ =	sdelay $0x1  }
0x161: {  	v10 =	vmul.f32 v10, v21;
	_ =	sdelay $0x1  }
0x162: {  	[tilespmem:v19+s26+$0x0] =	vst.idx.msk $0xffff, v10  }
0x163: {  	v10 =	vld.idx.msk [tilespmem:v12+s16+$0x0], $0xffff;
	_ =	sdelay $0x1  }
0x164: {  	v22 =	vor.u32 s2, v1;
	v23 =	vshrl.u32 v9, $0x10  }
0x165: {  	v12 =	vand.u32 $0xFF, v23;
	_ =	sdelay $0x1  }
0x166: {  	v10 =	vmul.f32 v10, v21;
	_ =	sdelay $0x1  }
0x167: {  	[tilespmem:v22+s26+$0x0] =	vst.idx.msk $0xffff, v10  }
0x168: {  	v10 =	vld.idx.msk [tilespmem:v12+s16+$0x0], $0xffff;
	_ =	sdelay $0x1  }
0x169: {  	v24 =	vor.u32 s2, v2  }
0x16a: {  	v9 =	vshrl.u32 v9, $0x18;
	_ =	sdelay $0x1  }
0x16b: {  	v10 =	vmul.f32 v10, v21;
	_ =	sdelay $0x1  }
0x16c: {  	[tilespmem:v24+s26+$0x0] =	vst.idx.msk $0xffff, v10  }
0x16d: {  	v9 =	vld.idx.msk [tilespmem:v9+s16+$0x0], $0xffff;
	_ =	sdelay $0x1  }
0x16e: {  	v25 =	vor.u32 s2, v3;
	_ =	sdelay $0x2  }
0x16f: {  	v9 =	vmul.f32 v9, v21;
	_ =	sdelay $0x1  }
0x170: {  	[tilespmem:v25+s26+$0x0] =	vst.idx.msk $0xffff, v9  }
0x171: {  	v9 =	vld [tilespmem:s1+$0x280];
	_ =	sdelay $0x4  }
0x172: {  	v26 =	vand.u32 $0xFF, v9;
	_ =	sdelay $0x4  }
0x173: {  	v10 =	vld.idx.msk [tilespmem:v26+s16+$0x0], $0xffff  }
0x174: {  	s2 =	sadd.s32 $0x140, s0  }
0x175: {  	v27 =	vor.u32 s2, v0;
	v28 =	vshrl.u32 v9, $0x8  }
0x176: {  	v29 =	vbroadcast v7, $0x5;
	v12 =	vand.u32 $0xFF, v28;
	_ =	sdelay $0x1  }
0x177: {  	v10 =	vmul.f32 v10, v29;
	_ =	sdelay $0x1  }
0x178: {  	[tilespmem:v27+s26+$0x0] =	vst.idx.msk $0xffff, v10  }
0x179: {  	v10 =	vld.idx.msk [tilespmem:v12+s16+$0x0], $0xffff;
	_ =	sdelay $0x1  }
0x17a: {  	v30 =	vor.u32 s2, v4;
	v31 =	vshrl.u32 v9, $0x10  }
0x17b: {  	v12 =	vand.u32 $0xFF, v31;
	_ =	sdelay $0x1  }
0x17c: {  	v10 =	vmul.f32 v10, v29;
	_ =	sdelay $0x1  }
0x17d: {  	(v2sf) =	vpush v8, $0x7;
	[tilespmem:v30+s26+$0x0] =	vst.idx.msk $0xffff, v10  }
0x17e: {  	(v2sf) =	vpush v8, $0x6;
	v10 =	vld.idx.msk [tilespmem:v12+s16+$0x0], $0xffff;
	_ =	sdelay $0x1  }
0x17f: {  	v32 =	vor.u32 s2, v5  }
0x180: {  	v9 =	vshrl.u32 v9, $0x18;
	_ =	sdelay $0x1  }
0x181: {  	v10 =	vmul.f32 v10, v29;
	_ =	sdelay $0x1  }
0x182: {  	[tilespmem:v32+s26+$0x0] =	vst.idx.msk $0xffff, v10  }
0x183: {  	v9 =	vld.idx.msk [tilespmem:v9+s16+$0x0], $0xffff;
	_ =	sdelay $0x1  }
0x184: {  	v33 =	vor.u32 s2, v6;
	_ =	sdelay $0x2  }
0x185: {  	v9 =	vmul.f32 v9, v29  }
0x186: {  	s1 =	spop (v2sf)  }
0x187: {  	s2 =	spop (v2sf);
	[tilespmem:v33+s26+$0x0] =	vst.idx.msk $0xffff, v9  }
0x188: {  	v9 =	vld [tilespmem:s2+$0x300];
	_ =	sdelay $0x4  }
0x189: {  	v34 =	vand.u32 $0xFF, v9;
	_ =	sdelay $0x4  }
0x18a: {  	v10 =	vld.idx.msk [tilespmem:v34+s16+$0x0], $0xffff  }
0x18b: {  	s2 =	sadd.s32 $0x180, s0  }
0x18c: {  	v35 =	vor.u32 s2, v0;
	v36 =	vshrl.u32 v9, $0x8  }
0x18d: {  	v37 =	vbroadcast v7, $0x6;
	v12 =	vand.u32 $0xFF, v36;
	_ =	sdelay $0x1  }
0x18e: {  	v10 =	vmul.f32 v10, v37;
	_ =	sdelay $0x1  }
0x18f: {  	[tilespmem:v35+s26+$0x0] =	vst.idx.msk $0xffff, v10  }
0x190: {  	v10 =	vld.idx.msk [tilespmem:v12+s16+$0x0], $0xffff;
	_ =	sdelay $0x1  }
0x191: {  	v38 =	vor.u32 s2, v1;
	v39 =	vshrl.u32 v9, $0x10  }
0x192: {  	v12 =	vand.u32 $0xFF, v39;
	_ =	sdelay $0x1  }
0x193: {  	v10 =	vmul.f32 v10, v37;
	_ =	sdelay $0x1  }
0x194: {  	[tilespmem:v38+s26+$0x0] =	vst.idx.msk $0xffff, v10  }
0x195: {  	v10 =	vld.idx.msk [tilespmem:v12+s16+$0x0], $0xffff;
	_ =	sdelay $0x1  }
0x196: {  	v40 =	vor.u32 s2, v2  }
0x197: {  	v9 =	vshrl.u32 v9, $0x18;
	_ =	sdelay $0x1  }
0x198: {  	v10 =	vmul.f32 v10, v37;
	_ =	sdelay $0x1  }
0x199: {  	[tilespmem:v40+s26+$0x0] =	vst.idx.msk $0xffff, v10  }
0x19a: {  	v9 =	vld.idx.msk [tilespmem:v9+s16+$0x0], $0xffff;
	_ =	sdelay $0x1  }
0x19b: {  	v41 =	vor.u32 s2, v3;
	_ =	sdelay $0x2  }
0x19c: {  	v9 =	vmul.f32 v9, v37;
	_ =	sdelay $0x1  }
0x19d: {  	[tilespmem:v41+s26+$0x0] =	vst.idx.msk $0xffff, v9  }
0x19e: {  	v9 =	vld [tilespmem:s1+$0x380];
	_ =	sdelay $0x4  }
0x19f: {  	v42 =	vand.u32 $0xFF, v9;
	_ =	sdelay $0x4  }
0x1a0: {  	v10 =	vld.idx.msk [tilespmem:v42+s16+$0x0], $0xffff  }
0x1a1: {  	s2 =	sadd.s32 $0x1C0, s0  }
0x1a2: {  	v43 =	vor.u32 s2, v0;
	v44 =	vshrl.u32 v9, $0x8  }
0x1a3: {  	v45 =	vbroadcast v7, $0x7;
	v12 =	vand.u32 $0xFF, v44;
	_ =	sdelay $0x1  }
0x1a4: {  	v10 =	vmul.f32 v10, v45;
	_ =	sdelay $0x1  }
0x1a5: {  	[tilespmem:v43+s26+$0x0] =	vst.idx.msk $0xffff, v10  }
0x1a6: {  	v10 =	vld.idx.msk [tilespmem:v12+s16+$0x0], $0xffff;
	_ =	sdelay $0x1  }
0x1a7: {  	v46 =	vor.u32 s2, v4;
	v47 =	vshrl.u32 v9, $0x10  }
0x1a8: {  	v12 =	vand.u32 $0xFF, v47;
	_ =	sdelay $0x1  }
0x1a9: {  	v10 =	vmul.f32 v10, v45;
	_ =	sdelay $0x1  }
0x1aa: {  	(v2sf) =	vpush v8, $0x9;
	[tilespmem:v46+s26+$0x0] =	vst.idx.msk $0xffff, v10  }
0x1ab: {  	(v2sf) =	vpush v8, $0x8;
	v10 =	vld.idx.msk [tilespmem:v12+s16+$0x0], $0xffff;
	_ =	sdelay $0x1  }
0x1ac: {  	v48 =	vor.u32 s2, v5  }
0x1ad: {  	v9 =	vshrl.u32 v9, $0x18;
	_ =	sdelay $0x1  }
0x1ae: {  	v10 =	vmul.f32 v10, v45;
	_ =	sdelay $0x1  }
0x1af: {  	[tilespmem:v48+s26+$0x0] =	vst.idx.msk $0xffff, v10  }
0x1b0: {  	v9 =	vld.idx.msk [tilespmem:v9+s16+$0x0], $0xffff;
	_ =	sdelay $0x1  }
0x1b1: {  	v49 =	vor.u32 s2, v6;
	_ =	sdelay $0x2  }
0x1b2: {  	v9 =	vmul.f32 v9, v45  }
0x1b3: {  	s1 =	spop (v2sf)  }
0x1b4: {  	s2 =	spop (v2sf);
	[tilespmem:v49+s26+$0x0] =	vst.idx.msk $0xffff, v9  }
0x1b5: {  	v9 =	vld [tilespmem:s2+$0x400];
	_ =	sdelay $0x4  }
0x1b6: {  	v50 =	vand.u32 $0xFF, v9;
	_ =	sdelay $0x4  }
0x1b7: {  	v10 =	vld.idx.msk [tilespmem:v50+s16+$0x0], $0xffff  }
0x1b8: {  	s2 =	sadd.s32 $0x200, s0  }
0x1b9: {  	v51 =	vor.u32 s2, v0;
	v52 =	vshrl.u32 v9, $0x8  }
0x1ba: {  	v53 =	vbroadcast v7, $0x8;
	v12 =	vand.u32 $0xFF, v52;
	_ =	sdelay $0x1  }
0x1bb: {  	v10 =	vmul.f32 v10, v53;
	_ =	sdelay $0x1  }
0x1bc: {  	[tilespmem:v51+s26+$0x0] =	vst.idx.msk $0xffff, v10  }
0x1bd: {  	v10 =	vld.idx.msk [tilespmem:v12+s16+$0x0], $0xffff;
	_ =	sdelay $0x1  }
0x1be: {  	v54 =	vor.u32 s2, v1;
	v55 =	vshrl.u32 v9, $0x10  }
0x1bf: {  	v12 =	vand.u32 $0xFF, v55;
	_ =	sdelay $0x1  }
0x1c0: {  	v10 =	vmul.f32 v10, v53;
	_ =	sdelay $0x1  }
0x1c1: {  	[tilespmem:v54+s26+$0x0] =	vst.idx.msk $0xffff, v10  }
0x1c2: {  	v10 =	vld.idx.msk [tilespmem:v12+s16+$0x0], $0xffff;
	_ =	sdelay $0x1  }
0x1c3: {  	v56 =	vor.u32 s2, v2  }
0x1c4: {  	v9 =	vshrl.u32 v9, $0x18;
	_ =	sdelay $0x1  }
0x1c5: {  	v10 =	vmul.f32 v10, v53;
	_ =	sdelay $0x1  }
0x1c6: {  	[tilespmem:v56+s26+$0x0] =	vst.idx.msk $0xffff, v10  }
0x1c7: {  	v9 =	vld.idx.msk [tilespmem:v9+s16+$0x0], $0xffff;
	_ =	sdelay $0x1  }
0x1c8: {  	v57 =	vor.u32 s2, v3;
	_ =	sdelay $0x2  }
0x1c9: {  	v9 =	vmul.f32 v9, v53;
	_ =	sdelay $0x1  }
0x1ca: {  	[tilespmem:v57+s26+$0x0] =	vst.idx.msk $0xffff, v9  }
0x1cb: {  	v9 =	vld [tilespmem:s1+$0x480];
	_ =	sdelay $0x4  }
0x1cc: {  	v58 =	vand.u32 $0xFF, v9;
	_ =	sdelay $0x4  }
0x1cd: {  	v10 =	vld.idx.msk [tilespmem:v58+s16+$0x0], $0xffff  }
0x1ce: {  	s2 =	sadd.s32 $0x240, s0  }
0x1cf: {  	v59 =	vor.u32 s2, v0;
	v60 =	vshrl.u32 v9, $0x8  }
0x1d0: {  	v61 =	vbroadcast v7, $0x9;
	v12 =	vand.u32 $0xFF, v60;
	_ =	sdelay $0x1  }
0x1d1: {  	v10 =	vmul.f32 v10, v61;
	_ =	sdelay $0x1  }
0x1d2: {  	[tilespmem:v59+s26+$0x0] =	vst.idx.msk $0xffff, v10  }
0x1d3: {  	v10 =	vld.idx.msk [tilespmem:v12+s16+$0x0], $0xffff;
	_ =	sdelay $0x1  }
0x1d4: {  	v62 =	vor.u32 s2, v4;
	v63 =	vshrl.u32 v9, $0x10  }
0x1d5: {  	v12 =	vand.u32 $0xFF, v63;
	_ =	sdelay $0x1  }
0x1d6: {  	v10 =	vmul.f32 v10, v61;
	_ =	sdelay $0x1  }
0x1d7: {  	(v2sf) =	vpush v8, $0xB;
	[tilespmem:v62+s26+$0x0] =	vst.idx.msk $0xffff, v10  }
0x1d8: {  	(v2sf) =	vpush v8, $0xA;
	v10 =	vld.idx.msk [tilespmem:v12+s16+$0x0], $0xffff;
	_ =	sdelay $0x1  }
0x1d9: {  	v16 =	vor.u32 s2, v5  }
0x1da: {  	v9 =	vshrl.u32 v9, $0x18;
	_ =	sdelay $0x1  }
0x1db: {  	v10 =	vmul.f32 v10, v61;
	_ =	sdelay $0x1  }
0x1dc: {  	[tilespmem:v16+s26+$0x0] =	vst.idx.msk $0xffff, v10  }
0x1dd: {  	v9 =	vld.idx.msk [tilespmem:v9+s16+$0x0], $0xffff;
	_ =	sdelay $0x1  }
0x1de: {  	v17 =	vor.u32 s2, v6;
	_ =	sdelay $0x2  }
0x1df: {  	v9 =	vmul.f32 v9, v61  }
0x1e0: {  	s1 =	spop (v2sf)  }
0x1e1: {  	s2 =	spop (v2sf);
	[tilespmem:v17+s26+$0x0] =	vst.idx.msk $0xffff, v9  }
0x1e2: {  	v9 =	vld [tilespmem:s2+$0x500];
	_ =	sdelay $0x4  }
0x1e3: {  	v18 =	vand.u32 $0xFF, v9;
	_ =	sdelay $0x4  }
0x1e4: {  	v10 =	vld.idx.msk [tilespmem:v18+s16+$0x0], $0xffff  }
0x1e5: {  	s2 =	sadd.s32 $0x280, s0  }
0x1e6: {  	v19 =	vor.u32 s2, v0;
	v20 =	vshrl.u32 v9, $0x8  }
0x1e7: {  	v21 =	vbroadcast v7, $0xA;
	v12 =	vand.u32 $0xFF, v20;
	_ =	sdelay $0x1  }
0x1e8: {  	v10 =	vmul.f32 v10, v21;
	_ =	sdelay $0x1  }
0x1e9: {  	[tilespmem:v19+s26+$0x0] =	vst.idx.msk $0xffff, v10  }
0x1ea: {  	v10 =	vld.idx.msk [tilespmem:v12+s16+$0x0], $0xffff;
	_ =	sdelay $0x1  }
0x1eb: {  	v22 =	vor.u32 s2, v1;
	v23 =	vshrl.u32 v9, $0x10  }
0x1ec: {  	v12 =	vand.u32 $0xFF, v23;
	_ =	sdelay $0x1  }
0x1ed: {  	v10 =	vmul.f32 v10, v21;
	_ =	sdelay $0x1  }
0x1ee: {  	[tilespmem:v22+s26+$0x0] =	vst.idx.msk $0xffff, v10  }
0x1ef: {  	v10 =	vld.idx.msk [tilespmem:v12+s16+$0x0], $0xffff;
	_ =	sdelay $0x1  }
0x1f0: {  	v24 =	vor.u32 s2, v2  }
0x1f1: {  	v9 =	vshrl.u32 v9, $0x18;
	_ =	sdelay $0x1  }
0x1f2: {  	v10 =	vmul.f32 v10, v21;
	_ =	sdelay $0x1  }
0x1f3: {  	[tilespmem:v24+s26+$0x0] =	vst.idx.msk $0xffff, v10  }
0x1f4: {  	v9 =	vld.idx.msk [tilespmem:v9+s16+$0x0], $0xffff;
	_ =	sdelay $0x1  }
0x1f5: {  	v25 =	vor.u32 s2, v3;
	_ =	sdelay $0x2  }
0x1f6: {  	v9 =	vmul.f32 v9, v21;
	_ =	sdelay $0x1  }
0x1f7: {  	[tilespmem:v25+s26+$0x0] =	vst.idx.msk $0xffff, v9  }
0x1f8: {  	v9 =	vld [tilespmem:s1+$0x580];
	_ =	sdelay $0x4  }
0x1f9: {  	v26 =	vand.u32 $0xFF, v9;
	_ =	sdelay $0x4  }
0x1fa: {  	v10 =	vld.idx.msk [tilespmem:v26+s16+$0x0], $0xffff  }
0x1fb: {  	s2 =	sadd.s32 $0x2C0, s0  }
0x1fc: {  	v27 =	vor.u32 s2, v0;
	v28 =	vshrl.u32 v9, $0x8  }
0x1fd: {  	v29 =	vbroadcast v7, $0xB;
	v12 =	vand.u32 $0xFF, v28;
	_ =	sdelay $0x1  }
0x1fe: {  	v10 =	vmul.f32 v10, v29;
	_ =	sdelay $0x1  }
0x1ff: {  	[tilespmem:v27+s26+$0x0] =	vst.idx.msk $0xffff, v10  }
0x200: {  	v10 =	vld.idx.msk [tilespmem:v12+s16+$0x0], $0xffff;
	_ =	sdelay $0x1  }
0x201: {  	v30 =	vor.u32 s2, v4;
	v31 =	vshrl.u32 v9, $0x10  }
0x202: {  	v12 =	vand.u32 $0xFF, v31;
	_ =	sdelay $0x1  }
0x203: {  	v10 =	vmul.f32 v10, v29;
	_ =	sdelay $0x1  }
0x204: {  	(v2sf) =	vpush v8, $0xD;
	[tilespmem:v30+s26+$0x0] =	vst.idx.msk $0xffff, v10  }
0x205: {  	(v2sf) =	vpush v8, $0xC;
	v10 =	vld.idx.msk [tilespmem:v12+s16+$0x0], $0xffff;
	_ =	sdelay $0x1  }
0x206: {  	v32 =	vor.u32 s2, v5  }
0x207: {  	v9 =	vshrl.u32 v9, $0x18;
	_ =	sdelay $0x1  }
0x208: {  	v10 =	vmul.f32 v10, v29;
	_ =	sdelay $0x1  }
0x209: {  	[tilespmem:v32+s26+$0x0] =	vst.idx.msk $0xffff, v10  }
0x20a: {  	v9 =	vld.idx.msk [tilespmem:v9+s16+$0x0], $0xffff;
	_ =	sdelay $0x1  }
0x20b: {  	v33 =	vor.u32 s2, v6;
	_ =	sdelay $0x2  }
0x20c: {  	v9 =	vmul.f32 v9, v29  }
0x20d: {  	s1 =	spop (v2sf)  }
0x20e: {  	s2 =	spop (v2sf);
	[tilespmem:v33+s26+$0x0] =	vst.idx.msk $0xffff, v9  }
0x20f: {  	v9 =	vld [tilespmem:s2+$0x600];
	_ =	sdelay $0x4  }
0x210: {  	v34 =	vand.u32 $0xFF, v9;
	_ =	sdelay $0x4  }
0x211: {  	v10 =	vld.idx.msk [tilespmem:v34+s16+$0x0], $0xffff  }
0x212: {  	s2 =	sadd.s32 $0x300, s0  }
0x213: {  	v35 =	vor.u32 s2, v0;
	v36 =	vshrl.u32 v9, $0x8  }
0x214: {  	v37 =	vbroadcast v7, $0xC;
	v12 =	vand.u32 $0xFF, v36;
	_ =	sdelay $0x1  }
0x215: {  	v10 =	vmul.f32 v10, v37;
	_ =	sdelay $0x1  }
0x216: {  	[tilespmem:v35+s26+$0x0] =	vst.idx.msk $0xffff, v10  }
0x217: {  	v10 =	vld.idx.msk [tilespmem:v12+s16+$0x0], $0xffff;
	_ =	sdelay $0x1  }
0x218: {  	v38 =	vor.u32 s2, v1;
	v39 =	vshrl.u32 v9, $0x10  }
0x219: {  	v12 =	vand.u32 $0xFF, v39;
	_ =	sdelay $0x1  }
0x21a: {  	v10 =	vmul.f32 v10, v37;
	_ =	sdelay $0x1  }
0x21b: {  	[tilespmem:v38+s26+$0x0] =	vst.idx.msk $0xffff, v10  }
0x21c: {  	v10 =	vld.idx.msk [tilespmem:v12+s16+$0x0], $0xffff;
	_ =	sdelay $0x1  }
0x21d: {  	v40 =	vor.u32 s2, v2  }
0x21e: {  	v9 =	vshrl.u32 v9, $0x18;
	_ =	sdelay $0x1  }
0x21f: {  	v10 =	vmul.f32 v10, v37;
	_ =	sdelay $0x1  }
0x220: {  	[tilespmem:v40+s26+$0x0] =	vst.idx.msk $0xffff, v10  }
0x221: {  	v9 =	vld.idx.msk [tilespmem:v9+s16+$0x0], $0xffff;
	_ =	sdelay $0x1  }
0x222: {  	v41 =	vor.u32 s2, v3;
	_ =	sdelay $0x2  }
0x223: {  	v9 =	vmul.f32 v9, v37;
	_ =	sdelay $0x1  }
0x224: {  	[tilespmem:v41+s26+$0x0] =	vst.idx.msk $0xffff, v9  }
0x225: {  	v9 =	vld [tilespmem:s1+$0x680];
	_ =	sdelay $0x4  }
0x226: {  	v42 =	vand.u32 $0xFF, v9;
	_ =	sdelay $0x4  }
0x227: {  	v10 =	vld.idx.msk [tilespmem:v42+s16+$0x0], $0xffff  }
0x228: {  	s2 =	sadd.s32 $0x340, s0  }
0x229: {  	v43 =	vor.u32 s2, v0;
	v44 =	vshrl.u32 v9, $0x8  }
0x22a: {  	v45 =	vbroadcast v7, $0xD;
	v12 =	vand.u32 $0xFF, v44;
	_ =	sdelay $0x1  }
0x22b: {  	v10 =	vmul.f32 v10, v45;
	_ =	sdelay $0x1  }
0x22c: {  	[tilespmem:v43+s26+$0x0] =	vst.idx.msk $0xffff, v10  }
0x22d: {  	v10 =	vld.idx.msk [tilespmem:v12+s16+$0x0], $0xffff;
	_ =	sdelay $0x1  }
0x22e: {  	v46 =	vor.u32 s2, v4;
	v47 =	vshrl.u32 v9, $0x10  }
0x22f: {  	v12 =	vand.u32 $0xFF, v47;
	_ =	sdelay $0x1  }
0x230: {  	v10 =	vmul.f32 v10, v45;
	_ =	sdelay $0x1  }
0x231: {  	(v2sf) =	vpush v8, $0xF;
	[tilespmem:v46+s26+$0x0] =	vst.idx.msk $0xffff, v10  }
0x232: {  	(v2sf) =	vpush v8, $0xE;
	v10 =	vld.idx.msk [tilespmem:v12+s16+$0x0], $0xffff;
	_ =	sdelay $0x1  }
0x233: {  	v8 =	vor.u32 s2, v5  }
0x234: {  	v9 =	vshrl.u32 v9, $0x18;
	_ =	sdelay $0x1  }
0x235: {  	v10 =	vmul.f32 v10, v45;
	_ =	sdelay $0x1  }
0x236: {  	[tilespmem:v8+s26+$0x0] =	vst.idx.msk $0xffff, v10  }
0x237: {  	v8 =	vld.idx.msk [tilespmem:v9+s16+$0x0], $0xffff;
	_ =	sdelay $0x1  }
0x238: {  	v48 =	vor.u32 s2, v6;
	_ =	sdelay $0x2  }
0x239: {  	v8 =	vmul.f32 v8, v45  }
0x23a: {  	s1 =	spop (v2sf)  }
0x23b: {  	s2 =	spop (v2sf);
	[tilespmem:v48+s26+$0x0] =	vst.idx.msk $0xffff, v8  }
0x23c: {  	v8 =	vld [tilespmem:s2+$0x700];
	_ =	sdelay $0x4  }
0x23d: {  	v49 =	vand.u32 $0xFF, v8;
	_ =	sdelay $0x4  }
0x23e: {  	v9 =	vld.idx.msk [tilespmem:v49+s16+$0x0], $0xffff  }
0x23f: {  	s2 =	sadd.s32 $0x380, s0  }
0x240: {  	v50 =	vor.u32 s2, v0;
	v51 =	vshrl.u32 v8, $0x8  }
0x241: {  	v52 =	vbroadcast v7, $0xE;
	v11 =	vand.u32 $0xFF, v51;
	_ =	sdelay $0x1  }
0x242: {  	v9 =	vmul.f32 v9, v52;
	_ =	sdelay $0x1  }
0x243: {  	[tilespmem:v50+s26+$0x0] =	vst.idx.msk $0xffff, v9  }
0x244: {  	v9 =	vld.idx.msk [tilespmem:v11+s16+$0x0], $0xffff;
	_ =	sdelay $0x1  }
0x245: {  	v53 =	vor.u32 s2, v1;
	v54 =	vshrl.u32 v8, $0x10  }
0x246: {  	v11 =	vand.u32 $0xFF, v54;
	_ =	sdelay $0x1  }
0x247: {  	v9 =	vmul.f32 v9, v52;
	_ =	sdelay $0x1  }
0x248: {  	[tilespmem:v53+s26+$0x0] =	vst.idx.msk $0xffff, v9  }
0x249: {  	v9 =	vld.idx.msk [tilespmem:v11+s16+$0x0], $0xffff;
	_ =	sdelay $0x1  }
0x24a: {  	v55 =	vor.u32 s2, v2  }
0x24b: {  	v8 =	vshrl.u32 v8, $0x18;
	_ =	sdelay $0x1  }
0x24c: {  	v9 =	vmul.f32 v9, v52;
	_ =	sdelay $0x1  }
0x24d: {  	[tilespmem:v55+s26+$0x0] =	vst.idx.msk $0xffff, v9  }
0x24e: {  	v8 =	vld.idx.msk [tilespmem:v8+s16+$0x0], $0xffff;
	_ =	sdelay $0x1  }
0x24f: {  	v56 =	vor.u32 s2, v3;
	_ =	sdelay $0x2  }
0x250: {  	v8 =	vmul.f32 v8, v52;
	_ =	sdelay $0x1  }
0x251: {  	[tilespmem:v56+s26+$0x0] =	vst.idx.msk $0xffff, v8  }
0x252: {  	v8 =	vld [tilespmem:s1+$0x780];
	_ =	sdelay $0x4  }
0x253: {  	v57 =	vand.u32 $0xFF, v8;
	_ =	sdelay $0x4  }
0x254: {  	v9 =	vld.idx.msk [tilespmem:v57+s16+$0x0], $0xffff  }
0x255: {  	s2 =	sadd.s32 $0x3C0, s0  }
0x256: {  	v58 =	vor.u32 s2, v0;
	v59 =	vshrl.u32 v8, $0x8  }
0x257: {  	v7 =	vbroadcast v7, $0xF;
	v11 =	vand.u32 $0xFF, v59;
	_ =	sdelay $0x1  }
0x258: {  	v9 =	vmul.f32 v9, v7;
	_ =	sdelay $0x1  }
0x259: {  	[tilespmem:v58+s26+$0x0] =	vst.idx.msk $0xffff, v9  }
0x25a: {  	v9 =	vld.idx.msk [tilespmem:v11+s16+$0x0], $0xffff;
	_ =	sdelay $0x1  }
0x25b: {  	v60 =	vor.u32 s2, v4;
	v61 =	vshrl.u32 v8, $0x10  }
0x25c: {  	v11 =	vand.u32 $0xFF, v61;
	_ =	sdelay $0x1  }
0x25d: {  	v9 =	vmul.f32 v9, v7;
	_ =	sdelay $0x1  }
0x25e: {  	[tilespmem:v60+s26+$0x0] =	vst.idx.msk $0xffff, v9  }
0x25f: {  	v9 =	vld.idx.msk [tilespmem:v11+s16+$0x0], $0xffff;
	_ =	sdelay $0x1  }
0x260: {  	v62 =	vor.u32 s2, v5  }
0x261: {  	v8 =	vshrl.u32 v8, $0x18;
	_ =	sdelay $0x1  }
0x262: {  	v9 =	vmul.f32 v9, v7;
	_ =	sdelay $0x1  }
0x263: {  	[tilespmem:v62+s26+$0x0] =	vst.idx.msk $0xffff, v9  }
0x264: {  	v8 =	vld.idx.msk [tilespmem:v8+s16+$0x0], $0xffff;
	_ =	sdelay $0x1  }
0x265: {  	p0 =	sne.s32 s0, $0x7C00;
	v63 =	vor.u32 s2, v6  }
.Ltmp0:
0x266: {  	_ = 	snop;
	(pc) =	sbr.rel @p0 .LBB2_2-.Ltmp0, $4  }
0x267: {  	_ = 	snop  }
0x268: {  	v7 =	vmul.f32 v8, v7  }
0x269: {  	s31 =	sadd.s32 $0x10, s31  }
0x26a: {  	s29 =	sadd.s32 $0x800, s29;
	s30 =	sadd.s32 $0x40, s30;
	s0 =	sadd.s32 $0x400, s0;
	[tilespmem:v63+s26+$0x0] =	vst.idx.msk $0xffff, v7  }
0x26b: {  	s28 =	sadd.s32 $0x1, s28  }
0x26c: {  	p0 =	sne.s32 s28, s11  }
.Ltmp1:
0x26d: {  	_ = 	snop;
	(pc) =	sbr.rel @p0 .LBB2_1-.Ltmp1, $4  }
0x26e: {  	[hbm4b:s10+s3] =	stream.linear.scatter [tilespmem:s26], [sflag:$0x2], $0x8000, $0x38;
	[tilespmem:$0x1C480] =	vst v63  }
0x26f: {  	_ =	swait.ge [sflag:s12], $0x8000  }
0x270: {  	[sflag:s12] =	ssyncset.done $0x0  }
0x271: {  	[sflag:s12] =	ssyncadd.s32 $0xFFFF8000  }
0x272: {  	_ =	sfence.sel $0x180000  }
0x273: {  	[bflag:$0x0] =	sbarrier.arrive $0xFFFF  }
0x274: {  	_ =	strace $0x90000047  }
0x275: {  	s0 =	stileid.u32;
	[bflag:$0x2] =	sbarrier.arrive $0xFFFF  }
0x276: {  	p0 =	sne.s32 s0, $0x0;
	s0 =	rddreg [dreg:$0x4]  }
0x277: {  	s0 =	sadd.s32 @!p0 $0x100000, s0  }
0x278: {  	[sflag:s0] =	ssyncadd.tile.s32 @!p0 $0x1;
	_ =	shalt  }
.Lfunc_end2:
_tile_overlayer_lowered:
.L_overlay_start_2:
0x279: {  	(tag) =	ssettag $0x2  }
0x27a: {  	s0 =	rddreg [dreg:$0x0];
	s2 =	stileid.u32  }
0x27b: {  	s1 =	rddreg [dreg:$0x1];
	p0 =	sne.s32 s2, $0x0  }
0x27c: {  	s3 =	rddreg [dreg:$0x2];
	[bflag:$0x3] =	sbarrier.arrive $0xFFFF;
	s2 =	simm.s32 @!p0 $0x1C02  }
0x27d: {  	[timem:s3], [sflag:s2] =	dma.local @!p0 [hbm:s0], s1  }
0x27e: {  	s0 =	simm.s32 @!p0 $0x2  }
0x27f: {  	_ =	swait.ge @!p0 [sflag:s0], s1  }
0x280: {  	s1 =	ssub.s32 @!p0 $0x0, s1;
	[sflag:s0] =	ssyncset.done @!p0 $0x0  }
0x281: {  	[sflag:s0] =	ssyncadd.s32 @!p0 s1  }
0x282: {  	[bflag:$0x3] =	sbarrier.arrive $0xFFFF  }
0x283: {  	_ =	shalt  }

</sc_bundles>
